<compile_context>
chip_gen: v7x
topology: tpu7x:2x2x1
jax: 0.10.2.dev20260603
libtpu: 0.0.44.dev20260713+nightly
codegen_flags: <defaults>
</compile_context>

<pallas_src>
import functools

import jax
import jax.numpy as jnp
from jax import lax
from jax.experimental import pallas as pl
from jax.experimental.pallas import tpu as pltpu
from jax.experimental.pallas import tpu_sc as plsc

N_NODES = 10000
N_EDGES = 320000
IN_CH = 128
HID = 64
OUT = 2

NW = 32
CH = 32
D = 4
ERB = N_EDGES // CH
BCPW = ERB // NW
XBASE = NW * BCPW
NPAD = 10240
RPT = NPAD // 16
NPT = N_NODES // 16
L = 16


def _sc_scatter(with_counts):
    mesh = plsc.VectorSubcoreMesh(core_axis_name="c", subcore_axis_name="s")
    out_type = [jax.ShapeDtypeStruct((2, NPAD, HID), jnp.float32)]
    scratch = [
        pltpu.VMEM((BCPW + 1, CH), jnp.int32),
        pltpu.VMEM((BCPW + 1, CH), jnp.int32),
        pltpu.VMEM((2 * D * CH, HID), jnp.float32),
        pltpu.VMEM_SHARED((N_NODES, HID), jnp.float32),
        pltpu.VMEM_SHARED((NPAD, HID), jnp.float32),
        pltpu.SemaphoreType.DMA,
        pltpu.SemaphoreType.DMA,
    ]
    if with_counts:
        out_type.append(jax.ShapeDtypeStruct((2, 16, NPAD), jnp.float32))
        scratch.append(pltpu.VMEM((NPAD,), jnp.float32))

    @functools.partial(
        pl.kernel, mesh=mesh, out_type=out_type, scratch_types=scratch,
        compiler_params=pltpu.CompilerParams(use_tc_tiling_on_sc=False,
                                             needs_layout_passes=False))
    def body(*refs):
        if with_counts:
            (z_hbm, edge_hbm, zer_hbm, acc_out, cnt_out,
             src_v, dst_v, rows_v, z_sh, acc_sh, sem_g, sem_s,
             hist_v) = refs
        else:
            (z_hbm, edge_hbm, zer_hbm, acc_out,
             src_v, dst_v, rows_v, z_sh, acc_sh, sem_g, sem_s) = refs
        c = lax.axis_index("c")
        s = lax.axis_index("s")
        w = s * 2 + c

        zs = pl.ds(s * NPT, NPT)
        pltpu.sync_copy(z_hbm.at[zs], z_sh.at[zs])
        pltpu.sync_copy(zer_hbm, acc_sh.at[pl.ds(s * RPT, RPT)])
        pltpu.sync_copy(edge_hbm.at[0].at[pl.ds(w * BCPW, BCPW)],
                        src_v.at[pl.ds(0, BCPW)])
        pltpu.sync_copy(edge_hbm.at[1].at[pl.ds(w * BCPW, BCPW)],
                        dst_v.at[pl.ds(0, BCPW)])

        @pl.when(w < ERB - XBASE)
        def _():
            ex = pl.ds(XBASE + w, 1)
            pltpu.sync_copy(edge_hbm.at[0].at[ex], src_v.at[pl.ds(BCPW, 1)])
            pltpu.sync_copy(edge_hbm.at[1].at[ex], dst_v.at[pl.ds(BCPW, 1)])

        ncpw = BCPW + jnp.where(w < ERB - XBASE, 1, 0)
        if with_counts:
            zvec = jnp.zeros((L,), jnp.float32)

            def zero_hist(i, carry):
                hist_v[pl.ds(i * L, L)] = zvec
                return carry

            lax.fori_loop(0, NPAD // L, zero_hist, 0)
        plsc.subcore_barrier()

        def buf(i):
            return rows_v.at[pl.ds(lax.rem(i, 2 * D) * CH, CH)]

        def fire_gather(i):
            pltpu.async_copy(z_sh.at[src_v.at[i]], buf(i), sem_g)

        def drain_gather(i):
            pltpu.make_async_copy(z_sh.at[src_v.at[0]], buf(i),
                                  sem_g).wait()

        def fire_scatter(i):
            pltpu.async_copy(buf(i), acc_sh.at[dst_v.at[i]], sem_s,
                             add=True)

        def drain_scatter(i):
            pltpu.make_async_copy(buf(i), acc_sh.at[dst_v.at[0]],
                                  sem_s).wait()

        def hist_update(i):
            for t in range(CH // L):
                d = dst_v[i, pl.ds(t * L, L)]
                cnt, last = plsc.scan_count(d)
                plsc.addupdate_scatter(hist_v, [d],
                                       cnt.astype(jnp.float32), mask=last)

        for j0 in range(D):
            fire_gather(j0)
        for j0 in range(D):
            drain_gather(j0)
            fire_scatter(j0)
            if with_counts:
                hist_update(j0)
            fire_gather(j0 + D)

        def step(j, carry):
            drain_gather(j)
            fire_scatter(j)
            if with_counts:
                hist_update(j)
            drain_scatter(j - D)
            fire_gather(j + D)
            return carry

        lax.fori_loop(D, ncpw - D, step, 0)

        def tail_chunk(j):
            drain_gather(j)
            fire_scatter(j)
            if with_counts:
                hist_update(j)
            drain_scatter(j - D)

        for t in range(D):
            tail_chunk(ncpw - D + t)
        for t in range(D):
            drain_scatter(t)
        plsc.subcore_barrier()

        rs = pl.ds(s * RPT, RPT)
        pltpu.sync_copy(acc_sh.at[rs], acc_out.at[c].at[rs])
        if with_counts:
            pltpu.sync_copy(hist_v, cnt_out.at[c].at[s])

    return body


_sc_layer = functools.lru_cache(maxsize=None)(_sc_scatter)


def _pre_body(x_ref, wl_ref, wr_ref, b_ref, z_ref, y_ref):
    xb = x_ref[...]
    z_ref[...] = jnp.dot(xb, wl_ref[...], preferred_element_type=jnp.float32)
    y_ref[...] = (jnp.dot(xb, wr_ref[...], preferred_element_type=jnp.float32)
                  + b_ref[...])


def _mean_relu(acc_ref, cnt_ref, y_ref):
    cnt = jnp.sum(cnt_ref[...], axis=(0, 1))[:, None]
    mean = (acc_ref[0] + acc_ref[1]) / jnp.maximum(cnt, 1.0)
    return jnp.maximum(mean + y_ref[...], 0.0)


def _mid_body(acc_ref, cnt_ref, y1_ref, wl_ref, wr_ref, b_ref, z_ref, y_ref):
    h = _mean_relu(acc_ref, cnt_ref, y1_ref)
    z_ref[...] = jnp.dot(h, wl_ref[...], preferred_element_type=jnp.float32)
    y_ref[...] = (jnp.dot(h, wr_ref[...], preferred_element_type=jnp.float32)
                  + b_ref[...])


def _post_body(acc_ref, cnt_ref, y2_ref, wlin_ref, blin_ref, out_ref):
    h = _mean_relu(acc_ref, cnt_ref, y2_ref)
    out_ref[...] = (jnp.dot(h, wlin_ref[...],
                            preferred_element_type=jnp.float32)
                    + blin_ref[...])


_RB = 1024
_GRID = (pl.cdiv(N_NODES, _RB),)


def _full(shape):
    return pl.BlockSpec(shape, lambda i: (0,) * len(shape))


def _rows(width):
    return pl.BlockSpec((_RB, width), lambda i: (i, 0))


def _acc_spec(width):
    return pl.BlockSpec((2, _RB, width), lambda i: (0, i, 0))


_CNT_SPEC = pl.BlockSpec((2, 16, _RB), lambda i: (0, 0, i))


def kernel(x, edge_index, W1l, b1l, W1r, W2l, b2l, W2r, Wlin, blin):
    f32 = jnp.float32
    edge2d = edge_index.astype(jnp.int32).reshape(2, ERB, CH)
    zer = jnp.zeros((RPT, HID), f32)

    z1, y1 = pl.pallas_call(
        _pre_body,
        grid=_GRID,
        in_specs=[_rows(IN_CH), _full((IN_CH, HID)), _full((IN_CH, HID)),
                  _full((1, HID))],
        out_specs=[_rows(HID), _rows(HID)],
        out_shape=[jax.ShapeDtypeStruct((N_NODES, HID), f32)] * 2,
    )(x, W1l.T, W1r.T, b1l.reshape(1, HID))

    acc1, cnt = _sc_layer(True)(z1, edge2d, zer)

    z2, y2 = pl.pallas_call(
        _mid_body,
        grid=_GRID,
        in_specs=[_acc_spec(HID), _CNT_SPEC, _rows(HID),
                  _full((HID, HID)), _full((HID, HID)), _full((1, HID))],
        out_specs=[_rows(HID), _rows(HID)],
        out_shape=[jax.ShapeDtypeStruct((N_NODES, HID), f32)] * 2,
    )(acc1, cnt, y1, W2l.T, W2r.T, b2l.reshape(1, HID))

    acc2, = _sc_layer(False)(z2, edge2d, zer)

    return pl.pallas_call(
        _post_body,
        grid=_GRID,
        in_specs=[_acc_spec(HID), _CNT_SPEC, _rows(HID),
                  _full((HID, OUT)), _full((1, OUT))],
        out_specs=pl.BlockSpec((_RB, OUT), lambda i: (i, 0)),
        out_shape=jax.ShapeDtypeStruct((N_NODES, OUT), f32),
    )(acc2, cnt, y2, Wlin.T, blin.reshape(1, OUT))

# --- scband reference (transcript-rebuilt; emitter-appended) ---
"""Pipeline reference for scband-graph-sage-12850542150068 (READ-ONLY COPY).

The authoritative reference and input builder live on the scoring server;
editing this copy changes nothing except your own understanding.
"""

import jax, jax.numpy as jnp
import numpy as np

N_NODES = 10000
N_EDGES = 320000
IN_CH = 128
HID_CH = 64
OUT_CH = 2


def setup_inputs(seed: int = 0) -> dict:
    key = jax.random.key(seed)
    ks = jax.random.split(key, 12)
    x = jax.random.normal(ks[0], (N_NODES, IN_CH), dtype=jnp.float32)
    edge_index = jax.random.randint(ks[1], (2, N_EDGES), 0, N_NODES, dtype=jnp.int64)
    # SAGEConv params: lin_l (neighbor aggregation, with bias), lin_r (root, no bias)
    s1 = 1.0 / np.sqrt(IN_CH)
    W1l = jax.random.uniform(ks[2], (HID_CH, IN_CH), minval=-s1, maxval=s1, dtype=jnp.float32)
    b1l = jax.random.uniform(ks[3], (HID_CH,), minval=-s1, maxval=s1, dtype=jnp.float32)
    W1r = jax.random.uniform(ks[4], (HID_CH, IN_CH), minval=-s1, maxval=s1, dtype=jnp.float32)
    s2 = 1.0 / np.sqrt(HID_CH)
    W2l = jax.random.uniform(ks[5], (HID_CH, HID_CH), minval=-s2, maxval=s2, dtype=jnp.float32)
    b2l = jax.random.uniform(ks[6], (HID_CH,), minval=-s2, maxval=s2, dtype=jnp.float32)
    W2r = jax.random.uniform(ks[7], (HID_CH, HID_CH), minval=-s2, maxval=s2, dtype=jnp.float32)
    Wlin = jax.random.uniform(ks[8], (OUT_CH, HID_CH), minval=-s2, maxval=s2, dtype=jnp.float32)
    blin = jax.random.uniform(ks[9], (OUT_CH,), minval=-s2, maxval=s2, dtype=jnp.float32)
    return {"x": x, "edge_index": edge_index, "W1l": W1l, "b1l": b1l, "W1r": W1r,
            "W2l": W2l, "b2l": b2l, "W2r": W2r, "Wlin": Wlin, "blin": blin}


def _sage_conv(x, src, dst, Wl, bl, Wr, n_nodes):
    # PyG SAGEConv with mean aggregation:
    # out = lin_l(mean_{j in N(i)} x_j) + lin_r(x_i)
    msg = jnp.take(x, src, axis=0)                       # gather from source nodes
    agg = jax.ops.segment_sum(msg, dst, num_segments=n_nodes)  # scatter-add to dst
    cnt = jax.ops.segment_sum(jnp.ones((src.shape[0],), dtype=x.dtype), dst,
                              num_segments=n_nodes)
    mean = agg / jnp.clip(cnt, 1.0)[:, None]
    return mean @ Wl.T + bl + x @ Wr.T


def reference(x, edge_index, W1l, b1l, W1r, W2l, b2l, W2r, Wlin, blin):
    src = edge_index[0]
    dst = edge_index[1]
    n = x.shape[0]
    h = _sage_conv(x, src, dst, W1l, b1l, W1r, n)
    h = jax.nn.relu(h)
    h = _sage_conv(h, src, dst, W2l, b2l, W2r, n)
    h = jax.nn.relu(h)
    out = h @ Wlin.T + blin
    return out

if __name__ == "__main__":
    import jax
    _d = setup_inputs()
    print(jax.jit(kernel)(*tuple(_d.values())))

</pallas_src>

<mosaic_0001>
#map = affine_map<(d0, d1) -> (0, 0)>
#map1 = affine_map<(d0, d1) -> (0, 0, 0)>
module attributes {stable_mosaic.version = 14 : i64} {
  func.func @body(%arg0: i32, %arg1: i32, %arg2: memref<10000x64xf32, #tpu.memory_space<hbm>>, %arg3: memref<2x10000x32xi32, #tpu.memory_space<hbm>>, %arg4: memref<640x64xf32, #tpu.memory_space<hbm>>, %arg5: memref<2x10240x64xf32, #tpu.memory_space<hbm>>, %arg6: memref<313x32xi32, #tpu.memory_space<vmem>>, %arg7: memref<313x32xi32, #tpu.memory_space<vmem>>, %arg8: memref<256x64xf32, #tpu.memory_space<vmem>>, %arg9: memref<10000x64xf32, #tpu.memory_space<vmem_shared>>, %arg10: memref<10240x64xf32, #tpu.memory_space<vmem_shared>>, %arg11: memref<!tpu.dma_semaphore, #tpu.memory_space<semaphore_mem>>, %arg12: memref<!tpu.dma_semaphore, #tpu.memory_space<semaphore_mem>>) attributes {dimension_semantics = [#tpu.dimension_semantics<core_parallel>, #tpu.dimension_semantics<subcore_parallel>], iteration_bounds = array<i64: 2, 16>, scalar_prefetch = 0 : i64, scratch_operands = 7 : i64, tpu.core_type = #tpu.core_type<sc_vector_subcore>, window_params = [{transform_indices = #map}, {transform_indices = #map1}, {transform_indices = #map}, {transform_indices = #map1}]} {
    %mul3A = arith.constant 2 : i32
    %mul3A_0 = arith.muli %arg1, %mul3A : i32
    %add3A = arith.addi %mul3A_0, %arg0 : i32
    %mul3A_1 = arith.constant 625 : i32
    %mul3A_2 = arith.muli %arg1, %mul3A_1 : i32
    "tpu.region"() ({
      %run_scoped3A_483 = tpu.sem_alloc : memref<!tpu.dma_semaphore, #tpu.memory_space<semaphore_mem>>
      %dma_start3A_484 = arith.constant 0 : i32
      %dma_start3A_485 = tpu.memref_slice %arg9[%mul3A_2, %dma_start3A_484] : memref<10000x64xf32, #tpu.memory_space<vmem_shared>> -> memref<625x64xf32, #tpu.memory_space<vmem_shared>>
      %dma_start3A_486 = arith.constant 0 : i32
      %dma_start3A_487 = tpu.memref_slice %arg2[%mul3A_2, %dma_start3A_486] : memref<10000x64xf32, #tpu.memory_space<hbm>> -> memref<625x64xf32, #tpu.memory_space<hbm>>
      tpu.enqueue_dma source(%dma_start3A_487 : memref<625x64xf32, #tpu.memory_space<hbm>>) target(%dma_start3A_485 : memref<625x64xf32, #tpu.memory_space<vmem_shared>>) target_semaphore(%run_scoped3A_483 : memref<!tpu.dma_semaphore, #tpu.memory_space<semaphore_mem>>)
      %dma_wait3A_488 = arith.constant 0 : i32
      %dma_wait3A_489 = tpu.memref_slice %arg9[%mul3A_2, %dma_wait3A_488] : memref<10000x64xf32, #tpu.memory_space<vmem_shared>> -> memref<625x64xf32, #tpu.memory_space<vmem_shared>>
      %dma_wait3A_490 = arith.constant 0 : i32
      %dma_wait3A_491 = tpu.memref_slice %arg2[%mul3A_2, %dma_wait3A_490] : memref<10000x64xf32, #tpu.memory_space<hbm>> -> memref<625x64xf32, #tpu.memory_space<hbm>>
      tpu.wait_dma2 semaphore(%run_scoped3A_483 : memref<!tpu.dma_semaphore, #tpu.memory_space<semaphore_mem>>) src(%dma_wait3A_491 : memref<625x64xf32, #tpu.memory_space<hbm>>) dst(%dma_wait3A_489 : memref<625x64xf32, #tpu.memory_space<vmem_shared>>)
      tpu.yield
    }) : () -> ()
    %mul3A_3 = arith.constant 640 : i32
    %mul3A_4 = arith.muli %arg1, %mul3A_3 : i32
    "tpu.region"() ({
      %run_scoped3A_483 = tpu.sem_alloc : memref<!tpu.dma_semaphore, #tpu.memory_space<semaphore_mem>>
      %dma_start3A_484 = arith.constant 0 : i32
      %dma_start3A_485 = tpu.memref_slice %arg10[%mul3A_4, %dma_start3A_484] : memref<10240x64xf32, #tpu.memory_space<vmem_shared>> -> memref<640x64xf32, #tpu.memory_space<vmem_shared>>
      tpu.enqueue_dma source(%arg4 : memref<640x64xf32, #tpu.memory_space<hbm>>) target(%dma_start3A_485 : memref<640x64xf32, #tpu.memory_space<vmem_shared>>) target_semaphore(%run_scoped3A_483 : memref<!tpu.dma_semaphore, #tpu.memory_space<semaphore_mem>>)
      %dma_wait3A_486 = arith.constant 0 : i32
      %dma_wait3A_487 = tpu.memref_slice %arg10[%mul3A_4, %dma_wait3A_486] : memref<10240x64xf32, #tpu.memory_space<vmem_shared>> -> memref<640x64xf32, #tpu.memory_space<vmem_shared>>
      tpu.wait_dma2 semaphore(%run_scoped3A_483 : memref<!tpu.dma_semaphore, #tpu.memory_space<semaphore_mem>>) src(%arg4 : memref<640x64xf32, #tpu.memory_space<hbm>>) dst(%dma_wait3A_487 : memref<640x64xf32, #tpu.memory_space<vmem_shared>>)
      tpu.yield
    }) : () -> ()
    %mul3A_5 = arith.constant 312 : i32
    %mul3A_6 = arith.muli %add3A, %mul3A_5 : i32
    %run_scoped3A = arith.constant 0 : i32
    "tpu.region"() ({
      %run_scoped3A_483 = tpu.sem_alloc : memref<!tpu.dma_semaphore, #tpu.memory_space<semaphore_mem>>
      %dma_start3A_484 = arith.constant 0 : i32
      %dma_start3A_485 = arith.constant 0 : i32
      %dma_start3A_486 = tpu.memref_slice %arg6[%dma_start3A_484, %dma_start3A_485] : memref<313x32xi32, #tpu.memory_space<vmem>> -> memref<312x32xi32, #tpu.memory_space<vmem>>
      %dma_start3A_487 = arith.constant 0 : i32
      %dma_start3A_488 = arith.constant 0 : i32
      %dma_start3A_489 = tpu.memref_slice %arg3[%run_scoped3A, %dma_start3A_487, %dma_start3A_488] : memref<2x10000x32xi32, #tpu.memory_space<hbm>> -> memref<1x10000x32xi32, #tpu.memory_space<hbm>>
      %dma_start3A_490 = tpu.memref_squeeze %dma_start3A_489 : memref<1x10000x32xi32, #tpu.memory_space<hbm>> -> memref<10000x32xi32, #tpu.memory_space<hbm>>
      %dma_start3A_491 = arith.constant 0 : i32
      %dma_start3A_492 = tpu.memref_slice %dma_start3A_490[%mul3A_6, %dma_start3A_491] : memref<10000x32xi32, #tpu.memory_space<hbm>> -> memref<312x32xi32, #tpu.memory_space<hbm>>
      %dma_start3A_493 = arith.constant 0 : i32
      %dma_start3A_494 = arith.constant 0 : i32
      %dma_start3A_495 = tpu.memref_slice %arg6[%dma_start3A_493, %dma_start3A_494] : memref<313x32xi32, #tpu.memory_space<vmem>> -> memref<312x32xi32, #tpu.memory_space<vmem>>
      %dma_start3A_496 = arith.constant 0 : i32
      %dma_start3A_497 = arith.constant 0 : i32
      %dma_start3A_498 = tpu.memref_slice %arg3[%run_scoped3A, %dma_start3A_496, %dma_start3A_497] : memref<2x10000x32xi32, #tpu.memory_space<hbm>> -> memref<1x10000x32xi32, #tpu.memory_space<hbm>>
      %dma_start3A_499 = tpu.memref_squeeze %dma_start3A_498 : memref<1x10000x32xi32, #tpu.memory_space<hbm>> -> memref<10000x32xi32, #tpu.memory_space<hbm>>
      %dma_start3A_500 = arith.constant 0 : i32
      %dma_start3A_501 = tpu.memref_slice %dma_start3A_499[%mul3A_6, %dma_start3A_500] : memref<10000x32xi32, #tpu.memory_space<hbm>> -> memref<312x32xi32, #tpu.memory_space<hbm>>
      tpu.enqueue_dma source(%dma_start3A_501 : memref<312x32xi32, #tpu.memory_space<hbm>>) target(%dma_start3A_495 : memref<312x32xi32, #tpu.memory_space<vmem>>) target_semaphore(%run_scoped3A_483 : memref<!tpu.dma_semaphore, #tpu.memory_space<semaphore_mem>>)
      %dma_wait3A_502 = arith.constant 0 : i32
      %dma_wait3A_503 = arith.constant 0 : i32
      %dma_wait3A_504 = tpu.memref_slice %arg6[%dma_wait3A_502, %dma_wait3A_503] : memref<313x32xi32, #tpu.memory_space<vmem>> -> memref<312x32xi32, #tpu.memory_space<vmem>>
      %dma_wait3A_505 = arith.constant 0 : i32
      %dma_wait3A_506 = arith.constant 0 : i32
      %dma_wait3A_507 = tpu.memref_slice %arg3[%run_scoped3A, %dma_wait3A_505, %dma_wait3A_506] : memref<2x10000x32xi32, #tpu.memory_space<hbm>> -> memref<1x10000x32xi32, #tpu.memory_space<hbm>>
      %dma_wait3A_508 = tpu.memref_squeeze %dma_wait3A_507 : memref<1x10000x32xi32, #tpu.memory_space<hbm>> -> memref<10000x32xi32, #tpu.memory_space<hbm>>
      %dma_wait3A_509 = arith.constant 0 : i32
      %dma_wait3A_510 = tpu.memref_slice %dma_wait3A_508[%mul3A_6, %dma_wait3A_509] : memref<10000x32xi32, #tpu.memory_space<hbm>> -> memref<312x32xi32, #tpu.memory_space<hbm>>
      %dma_wait3A_511 = arith.constant 0 : i32
      %dma_wait3A_512 = arith.constant 0 : i32
      %dma_wait3A_513 = tpu.memref_slice %arg6[%dma_wait3A_511, %dma_wait3A_512] : memref<313x32xi32, #tpu.memory_space<vmem>> -> memref<312x32xi32, #tpu.memory_space<vmem>>
      %dma_wait3A_514 = arith.constant 0 : i32
      %dma_wait3A_515 = arith.constant 0 : i32
      %dma_wait3A_516 = tpu.memref_slice %arg3[%run_scoped3A, %dma_wait3A_514, %dma_wait3A_515] : memref<2x10000x32xi32, #tpu.memory_space<hbm>> -> memref<1x10000x32xi32, #tpu.memory_space<hbm>>
      %dma_wait3A_517 = tpu.memref_squeeze %dma_wait3A_516 : memref<1x10000x32xi32, #tpu.memory_space<hbm>> -> memref<10000x32xi32, #tpu.memory_space<hbm>>
      %dma_wait3A_518 = arith.constant 0 : i32
      %dma_wait3A_519 = tpu.memref_slice %dma_wait3A_517[%mul3A_6, %dma_wait3A_518] : memref<10000x32xi32, #tpu.memory_space<hbm>> -> memref<312x32xi32, #tpu.memory_space<hbm>>
      tpu.wait_dma2 semaphore(%run_scoped3A_483 : memref<!tpu.dma_semaphore, #tpu.memory_space<semaphore_mem>>) src(%dma_wait3A_519 : memref<312x32xi32, #tpu.memory_space<hbm>>) dst(%dma_wait3A_513 : memref<312x32xi32, #tpu.memory_space<vmem>>)
      tpu.yield
    }) : () -> ()
    %mul3A_7 = arith.constant 312 : i32
    %mul3A_8 = arith.muli %add3A, %mul3A_7 : i32
    %run_scoped3A_9 = arith.constant 1 : i32
    "tpu.region"() ({
      %run_scoped3A_483 = tpu.sem_alloc : memref<!tpu.dma_semaphore, #tpu.memory_space<semaphore_mem>>
      %dma_start3A_484 = arith.constant 0 : i32
      %dma_start3A_485 = arith.constant 0 : i32
      %dma_start3A_486 = tpu.memref_slice %arg7[%dma_start3A_484, %dma_start3A_485] : memref<313x32xi32, #tpu.memory_space<vmem>> -> memref<312x32xi32, #tpu.memory_space<vmem>>
      %dma_start3A_487 = arith.constant 0 : i32
      %dma_start3A_488 = arith.constant 0 : i32
      %dma_start3A_489 = tpu.memref_slice %arg3[%run_scoped3A_9, %dma_start3A_487, %dma_start3A_488] : memref<2x10000x32xi32, #tpu.memory_space<hbm>> -> memref<1x10000x32xi32, #tpu.memory_space<hbm>>
      %dma_start3A_490 = tpu.memref_squeeze %dma_start3A_489 : memref<1x10000x32xi32, #tpu.memory_space<hbm>> -> memref<10000x32xi32, #tpu.memory_space<hbm>>
      %dma_start3A_491 = arith.constant 0 : i32
      %dma_start3A_492 = tpu.memref_slice %dma_start3A_490[%mul3A_8, %dma_start3A_491] : memref<10000x32xi32, #tpu.memory_space<hbm>> -> memref<312x32xi32, #tpu.memory_space<hbm>>
      %dma_start3A_493 = arith.constant 0 : i32
      %dma_start3A_494 = arith.constant 0 : i32
      %dma_start3A_495 = tpu.memref_slice %arg7[%dma_start3A_493, %dma_start3A_494] : memref<313x32xi32, #tpu.memory_space<vmem>> -> memref<312x32xi32, #tpu.memory_space<vmem>>
      %dma_start3A_496 = arith.constant 0 : i32
      %dma_start3A_497 = arith.constant 0 : i32
      %dma_start3A_498 = tpu.memref_slice %arg3[%run_scoped3A_9, %dma_start3A_496, %dma_start3A_497] : memref<2x10000x32xi32, #tpu.memory_space<hbm>> -> memref<1x10000x32xi32, #tpu.memory_space<hbm>>
      %dma_start3A_499 = tpu.memref_squeeze %dma_start3A_498 : memref<1x10000x32xi32, #tpu.memory_space<hbm>> -> memref<10000x32xi32, #tpu.memory_space<hbm>>
      %dma_start3A_500 = arith.constant 0 : i32
      %dma_start3A_501 = tpu.memref_slice %dma_start3A_499[%mul3A_8, %dma_start3A_500] : memref<10000x32xi32, #tpu.memory_space<hbm>> -> memref<312x32xi32, #tpu.memory_space<hbm>>
      tpu.enqueue_dma source(%dma_start3A_501 : memref<312x32xi32, #tpu.memory_space<hbm>>) target(%dma_start3A_495 : memref<312x32xi32, #tpu.memory_space<vmem>>) target_semaphore(%run_scoped3A_483 : memref<!tpu.dma_semaphore, #tpu.memory_space<semaphore_mem>>)
      %dma_wait3A_502 = arith.constant 0 : i32
      %dma_wait3A_503 = arith.constant 0 : i32
      %dma_wait3A_504 = tpu.memref_slice %arg7[%dma_wait3A_502, %dma_wait3A_503] : memref<313x32xi32, #tpu.memory_space<vmem>> -> memref<312x32xi32, #tpu.memory_space<vmem>>
      %dma_wait3A_505 = arith.constant 0 : i32
      %dma_wait3A_506 = arith.constant 0 : i32
      %dma_wait3A_507 = tpu.memref_slice %arg3[%run_scoped3A_9, %dma_wait3A_505, %dma_wait3A_506] : memref<2x10000x32xi32, #tpu.memory_space<hbm>> -> memref<1x10000x32xi32, #tpu.memory_space<hbm>>
      %dma_wait3A_508 = tpu.memref_squeeze %dma_wait3A_507 : memref<1x10000x32xi32, #tpu.memory_space<hbm>> -> memref<10000x32xi32, #tpu.memory_space<hbm>>
      %dma_wait3A_509 = arith.constant 0 : i32
      %dma_wait3A_510 = tpu.memref_slice %dma_wait3A_508[%mul3A_8, %dma_wait3A_509] : memref<10000x32xi32, #tpu.memory_space<hbm>> -> memref<312x32xi32, #tpu.memory_space<hbm>>
      %dma_wait3A_511 = arith.constant 0 : i32
      %dma_wait3A_512 = arith.constant 0 : i32
      %dma_wait3A_513 = tpu.memref_slice %arg7[%dma_wait3A_511, %dma_wait3A_512] : memref<313x32xi32, #tpu.memory_space<vmem>> -> memref<312x32xi32, #tpu.memory_space<vmem>>
      %dma_wait3A_514 = arith.constant 0 : i32
      %dma_wait3A_515 = arith.constant 0 : i32
      %dma_wait3A_516 = tpu.memref_slice %arg3[%run_scoped3A_9, %dma_wait3A_514, %dma_wait3A_515] : memref<2x10000x32xi32, #tpu.memory_space<hbm>> -> memref<1x10000x32xi32, #tpu.memory_space<hbm>>
      %dma_wait3A_517 = tpu.memref_squeeze %dma_wait3A_516 : memref<1x10000x32xi32, #tpu.memory_space<hbm>> -> memref<10000x32xi32, #tpu.memory_space<hbm>>
      %dma_wait3A_518 = arith.constant 0 : i32
      %dma_wait3A_519 = tpu.memref_slice %dma_wait3A_517[%mul3A_8, %dma_wait3A_518] : memref<10000x32xi32, #tpu.memory_space<hbm>> -> memref<312x32xi32, #tpu.memory_space<hbm>>
      tpu.wait_dma2 semaphore(%run_scoped3A_483 : memref<!tpu.dma_semaphore, #tpu.memory_space<semaphore_mem>>) src(%dma_wait3A_519 : memref<312x32xi32, #tpu.memory_space<hbm>>) dst(%dma_wait3A_513 : memref<312x32xi32, #tpu.memory_space<vmem>>)
      tpu.yield
    }) : () -> ()
    %lt3A = arith.constant 16 : i32
    %lt3A_10 = arith.cmpi slt, %add3A, %lt3A : i32
    %convert_element_type3A = arith.extui %lt3A_10 : i1 to i32
    %cond3A = arith.constant 0 : i32
    %cond3A_11 = arith.cmpi ne, %convert_element_type3A, %cond3A : i32
    scf.if %cond3A_11 {
      %add3A_483 = arith.constant 9984 : i32
      %add3A_484 = arith.addi %add3A_483, %add3A : i32
      %run_scoped3A_485 = arith.constant 0 : i32
      "tpu.region"() ({
        %run_scoped3A_487 = tpu.sem_alloc : memref<!tpu.dma_semaphore, #tpu.memory_space<semaphore_mem>>
        %dma_start3A_488 = arith.constant 312 : i32
        %dma_start3A_489 = arith.constant 0 : i32
        %dma_start3A_490 = tpu.memref_slice %arg6[%dma_start3A_488, %dma_start3A_489] : memref<313x32xi32, #tpu.memory_space<vmem>> -> memref<1x32xi32, #tpu.memory_space<vmem>>
        %dma_start3A_491 = arith.constant 0 : i32
        %dma_start3A_492 = arith.constant 0 : i32
        %dma_start3A_493 = tpu.memref_slice %arg3[%run_scoped3A_485, %dma_start3A_491, %dma_start3A_492] : memref<2x10000x32xi32, #tpu.memory_space<hbm>> -> memref<1x10000x32xi32, #tpu.memory_space<hbm>>
        %dma_start3A_494 = tpu.memref_squeeze %dma_start3A_493 : memref<1x10000x32xi32, #tpu.memory_space<hbm>> -> memref<10000x32xi32, #tpu.memory_space<hbm>>
        %dma_start3A_495 = arith.constant 0 : i32
        %dma_start3A_496 = tpu.memref_slice %dma_start3A_494[%add3A_484, %dma_start3A_495] : memref<10000x32xi32, #tpu.memory_space<hbm>> -> memref<1x32xi32, #tpu.memory_space<hbm>>
        %dma_start3A_497 = arith.constant 312 : i32
        %dma_start3A_498 = arith.constant 0 : i32
        %dma_start3A_499 = tpu.memref_slice %arg6[%dma_start3A_497, %dma_start3A_498] : memref<313x32xi32, #tpu.memory_space<vmem>> -> memref<1x32xi32, #tpu.memory_space<vmem>>
        %dma_start3A_500 = arith.constant 0 : i32
        %dma_start3A_501 = arith.constant 0 : i32
        %dma_start3A_502 = tpu.memref_slice %arg3[%run_scoped3A_485, %dma_start3A_500, %dma_start3A_501] : memref<2x10000x32xi32, #tpu.memory_space<hbm>> -> memref<1x10000x32xi32, #tpu.memory_space<hbm>>
        %dma_start3A_503 = tpu.memref_squeeze %dma_start3A_502 : memref<1x10000x32xi32, #tpu.memory_space<hbm>> -> memref<10000x32xi32, #tpu.memory_space<hbm>>
        %dma_start3A_504 = arith.constant 0 : i32
        %dma_start3A_505 = tpu.memref_slice %dma_start3A_503[%add3A_484, %dma_start3A_504] : memref<10000x32xi32, #tpu.memory_space<hbm>> -> memref<1x32xi32, #tpu.memory_space<hbm>>
        tpu.enqueue_dma source(%dma_start3A_505 : memref<1x32xi32, #tpu.memory_space<hbm>>) target(%dma_start3A_499 : memref<1x32xi32, #tpu.memory_space<vmem>>) target_semaphore(%run_scoped3A_487 : memref<!tpu.dma_semaphore, #tpu.memory_space<semaphore_mem>>)
        %dma_wait3A_506 = arith.constant 312 : i32
        %dma_wait3A_507 = arith.constant 0 : i32
        %dma_wait3A_508 = tpu.memref_slice %arg6[%dma_wait3A_506, %dma_wait3A_507] : memref<313x32xi32, #tpu.memory_space<vmem>> -> memref<1x32xi32, #tpu.memory_space<vmem>>
        %dma_wait3A_509 = arith.constant 0 : i32
        %dma_wait3A_510 = arith.constant 0 : i32
        %dma_wait3A_511 = tpu.memref_slice %arg3[%run_scoped3A_485, %dma_wait3A_509, %dma_wait3A_510] : memref<2x10000x32xi32, #tpu.memory_space<hbm>> -> memref<1x10000x32xi32, #tpu.memory_space<hbm>>
        %dma_wait3A_512 = tpu.memref_squeeze %dma_wait3A_511 : memref<1x10000x32xi32, #tpu.memory_space<hbm>> -> memref<10000x32xi32, #tpu.memory_space<hbm>>
        %dma_wait3A_513 = arith.constant 0 : i32
        %dma_wait3A_514 = tpu.memref_slice %dma_wait3A_512[%add3A_484, %dma_wait3A_513] : memref<10000x32xi32, #tpu.memory_space<hbm>> -> memref<1x32xi32, #tpu.memory_space<hbm>>
        %dma_wait3A_515 = arith.constant 312 : i32
        %dma_wait3A_516 = arith.constant 0 : i32
        %dma_wait3A_517 = tpu.memref_slice %arg6[%dma_wait3A_515, %dma_wait3A_516] : memref<313x32xi32, #tpu.memory_space<vmem>> -> memref<1x32xi32, #tpu.memory_space<vmem>>
        %dma_wait3A_518 = arith.constant 0 : i32
        %dma_wait3A_519 = arith.constant 0 : i32
        %dma_wait3A_520 = tpu.memref_slice %arg3[%run_scoped3A_485, %dma_wait3A_518, %dma_wait3A_519] : memref<2x10000x32xi32, #tpu.memory_space<hbm>> -> memref<1x10000x32xi32, #tpu.memory_space<hbm>>
        %dma_wait3A_521 = tpu.memref_squeeze %dma_wait3A_520 : memref<1x10000x32xi32, #tpu.memory_space<hbm>> -> memref<10000x32xi32, #tpu.memory_space<hbm>>
        %dma_wait3A_522 = arith.constant 0 : i32
        %dma_wait3A_523 = tpu.memref_slice %dma_wait3A_521[%add3A_484, %dma_wait3A_522] : memref<10000x32xi32, #tpu.memory_space<hbm>> -> memref<1x32xi32, #tpu.memory_space<hbm>>
        tpu.wait_dma2 semaphore(%run_scoped3A_487 : memref<!tpu.dma_semaphore, #tpu.memory_space<semaphore_mem>>) src(%dma_wait3A_523 : memref<1x32xi32, #tpu.memory_space<hbm>>) dst(%dma_wait3A_517 : memref<1x32xi32, #tpu.memory_space<vmem>>)
        tpu.yield
      }) : () -> ()
      %run_scoped3A_486 = arith.constant 1 : i32
      "tpu.region"() ({
        %run_scoped3A_487 = tpu.sem_alloc : memref<!tpu.dma_semaphore, #tpu.memory_space<semaphore_mem>>
        %dma_start3A_488 = arith.constant 312 : i32
        %dma_start3A_489 = arith.constant 0 : i32
        %dma_start3A_490 = tpu.memref_slice %arg7[%dma_start3A_488, %dma_start3A_489] : memref<313x32xi32, #tpu.memory_space<vmem>> -> memref<1x32xi32, #tpu.memory_space<vmem>>
        %dma_start3A_491 = arith.constant 0 : i32
        %dma_start3A_492 = arith.constant 0 : i32
        %dma_start3A_493 = tpu.memref_slice %arg3[%run_scoped3A_486, %dma_start3A_491, %dma_start3A_492] : memref<2x10000x32xi32, #tpu.memory_space<hbm>> -> memref<1x10000x32xi32, #tpu.memory_space<hbm>>
        %dma_start3A_494 = tpu.memref_squeeze %dma_start3A_493 : memref<1x10000x32xi32, #tpu.memory_space<hbm>> -> memref<10000x32xi32, #tpu.memory_space<hbm>>
        %dma_start3A_495 = arith.constant 0 : i32
        %dma_start3A_496 = tpu.memref_slice %dma_start3A_494[%add3A_484, %dma_start3A_495] : memref<10000x32xi32, #tpu.memory_space<hbm>> -> memref<1x32xi32, #tpu.memory_space<hbm>>
        %dma_start3A_497 = arith.constant 312 : i32
        %dma_start3A_498 = arith.constant 0 : i32
        %dma_start3A_499 = tpu.memref_slice %arg7[%dma_start3A_497, %dma_start3A_498] : memref<313x32xi32, #tpu.memory_space<vmem>> -> memref<1x32xi32, #tpu.memory_space<vmem>>
        %dma_start3A_500 = arith.constant 0 : i32
        %dma_start3A_501 = arith.constant 0 : i32
        %dma_start3A_502 = tpu.memref_slice %arg3[%run_scoped3A_486, %dma_start3A_500, %dma_start3A_501] : memref<2x10000x32xi32, #tpu.memory_space<hbm>> -> memref<1x10000x32xi32, #tpu.memory_space<hbm>>
        %dma_start3A_503 = tpu.memref_squeeze %dma_start3A_502 : memref<1x10000x32xi32, #tpu.memory_space<hbm>> -> memref<10000x32xi32, #tpu.memory_space<hbm>>
        %dma_start3A_504 = arith.constant 0 : i32
        %dma_start3A_505 = tpu.memref_slice %dma_start3A_503[%add3A_484, %dma_start3A_504] : memref<10000x32xi32, #tpu.memory_space<hbm>> -> memref<1x32xi32, #tpu.memory_space<hbm>>
        tpu.enqueue_dma source(%dma_start3A_505 : memref<1x32xi32, #tpu.memory_space<hbm>>) target(%dma_start3A_499 : memref<1x32xi32, #tpu.memory_space<vmem>>) target_semaphore(%run_scoped3A_487 : memref<!tpu.dma_semaphore, #tpu.memory_space<semaphore_mem>>)
        %dma_wait3A_506 = arith.constant 312 : i32
        %dma_wait3A_507 = arith.constant 0 : i32
        %dma_wait3A_508 = tpu.memref_slice %arg7[%dma_wait3A_506, %dma_wait3A_507] : memref<313x32xi32, #tpu.memory_space<vmem>> -> memref<1x32xi32, #tpu.memory_space<vmem>>
        %dma_wait3A_509 = arith.constant 0 : i32
        %dma_wait3A_510 = arith.constant 0 : i32
        %dma_wait3A_511 = tpu.memref_slice %arg3[%run_scoped3A_486, %dma_wait3A_509, %dma_wait3A_510] : memref<2x10000x32xi32, #tpu.memory_space<hbm>> -> memref<1x10000x32xi32, #tpu.memory_space<hbm>>
        %dma_wait3A_512 = tpu.memref_squeeze %dma_wait3A_511 : memref<1x10000x32xi32, #tpu.memory_space<hbm>> -> memref<10000x32xi32, #tpu.memory_space<hbm>>
        %dma_wait3A_513 = arith.constant 0 : i32
        %dma_wait3A_514 = tpu.memref_slice %dma_wait3A_512[%add3A_484, %dma_wait3A_513] : memref<10000x32xi32, #tpu.memory_space<hbm>> -> memref<1x32xi32, #tpu.memory_space<hbm>>
        %dma_wait3A_515 = arith.constant 312 : i32
        %dma_wait3A_516 = arith.constant 0 : i32
        %dma_wait3A_517 = tpu.memref_slice %arg7[%dma_wait3A_515, %dma_wait3A_516] : memref<313x32xi32, #tpu.memory_space<vmem>> -> memref<1x32xi32, #tpu.memory_space<vmem>>
        %dma_wait3A_518 = arith.constant 0 : i32
        %dma_wait3A_519 = arith.constant 0 : i32
        %dma_wait3A_520 = tpu.memref_slice %arg3[%run_scoped3A_486, %dma_wait3A_518, %dma_wait3A_519] : memref<2x10000x32xi32, #tpu.memory_space<hbm>> -> memref<1x10000x32xi32, #tpu.memory_space<hbm>>
        %dma_wait3A_521 = tpu.memref_squeeze %dma_wait3A_520 : memref<1x10000x32xi32, #tpu.memory_space<hbm>> -> memref<10000x32xi32, #tpu.memory_space<hbm>>
        %dma_wait3A_522 = arith.constant 0 : i32
        %dma_wait3A_523 = tpu.memref_slice %dma_wait3A_521[%add3A_484, %dma_wait3A_522] : memref<10000x32xi32, #tpu.memory_space<hbm>> -> memref<1x32xi32, #tpu.memory_space<hbm>>
        tpu.wait_dma2 semaphore(%run_scoped3A_487 : memref<!tpu.dma_semaphore, #tpu.memory_space<semaphore_mem>>) src(%dma_wait3A_523 : memref<1x32xi32, #tpu.memory_space<hbm>>) dst(%dma_wait3A_517 : memref<1x32xi32, #tpu.memory_space<vmem>>)
        tpu.yield
      }) : () -> ()
    } else {
    }
    %lt3A_12 = arith.constant 16 : i32
    %lt3A_13 = arith.cmpi slt, %add3A, %lt3A_12 : i32
    %jit3A = arith.constant 1 : i32
    %jit3A_14 = arith.constant 0 : i32
    %select_n3A = arith.select %lt3A_13, %jit3A, %jit3A_14 : i32
    %add3A_15 = arith.constant 312 : i32
    %add3A_16 = arith.addi %add3A_15, %select_n3A : i32
    %barrier3A = arith.constant 0 : index
    tpu.barrier barrier_id(%barrier3A)
    %rem3A = arith.constant 0 : i32
    %rem3A_17 = arith.constant 8 : i32
    %rem3A_18 = arith.remsi %rem3A, %rem3A_17 : i32
    %mul3A_19 = arith.constant 32 : i32
    %mul3A_20 = arith.muli %rem3A_18, %mul3A_19 : i32
    %dma_start3A = arith.constant 0 : i32
    %dma_start3A_21 = arith.constant 0 : i32
    %dma_start3A_22 = tpu.memref_slice %arg8[%mul3A_20, %dma_start3A_21] : memref<256x64xf32, #tpu.memory_space<vmem>> -> memref<32x64xf32, #tpu.memory_space<vmem>>
    %dma_start3A_23 = arith.constant 0 : i32
    %dma_start3A_24 = tpu.memref_slice %arg6[%dma_start3A, %dma_start3A_23] : memref<313x32xi32, #tpu.memory_space<vmem>> -> memref<1x32xi32, #tpu.memory_space<vmem>>
    %dma_start3A_25 = tpu.memref_squeeze %dma_start3A_24 : memref<1x32xi32, #tpu.memory_space<vmem>> -> memref<32xi32, #tpu.memory_space<vmem>>
    %dma_start3A_26 = arith.constant 0 : i32
    %dma_start3A_27 = arith.constant 0 : i32
    %dma_start3A_28 = tpu.memref_slice %arg9[%dma_start3A_26, %dma_start3A_27] : memref<10000x64xf32, #tpu.memory_space<vmem_shared>> -> memref<10000x64xf32, #tpu.memory_space<vmem_shared>>
    tpu.enqueue_indirect_dma source(%dma_start3A_28 : memref<10000x64xf32, #tpu.memory_space<vmem_shared>>) target(%dma_start3A_22 : memref<32x64xf32, #tpu.memory_space<vmem>>) offsets(%dma_start3A_25 : memref<32xi32, #tpu.memory_space<vmem>>) semaphore(%arg11 : memref<!tpu.dma_semaphore, #tpu.memory_space<semaphore_mem>>)
    %rem3A_29 = arith.constant 1 : i32
    %rem3A_30 = arith.constant 8 : i32
    %rem3A_31 = arith.remsi %rem3A_29, %rem3A_30 : i32
    %mul3A_32 = arith.constant 32 : i32
    %mul3A_33 = arith.muli %rem3A_31, %mul3A_32 : i32
    %dma_start3A_34 = arith.constant 1 : i32
    %dma_start3A_35 = arith.constant 0 : i32
    %dma_start3A_36 = tpu.memref_slice %arg8[%mul3A_33, %dma_start3A_35] : memref<256x64xf32, #tpu.memory_space<vmem>> -> memref<32x64xf32, #tpu.memory_space<vmem>>
    %dma_start3A_37 = arith.constant 0 : i32
    %dma_start3A_38 = tpu.memref_slice %arg6[%dma_start3A_34, %dma_start3A_37] : memref<313x32xi32, #tpu.memory_space<vmem>> -> memref<1x32xi32, #tpu.memory_space<vmem>>
    %dma_start3A_39 = tpu.memref_squeeze %dma_start3A_38 : memref<1x32xi32, #tpu.memory_space<vmem>> -> memref<32xi32, #tpu.memory_space<vmem>>
    %dma_start3A_40 = arith.constant 0 : i32
    %dma_start3A_41 = arith.constant 0 : i32
    %dma_start3A_42 = tpu.memref_slice %arg9[%dma_start3A_40, %dma_start3A_41] : memref<10000x64xf32, #tpu.memory_space<vmem_shared>> -> memref<10000x64xf32, #tpu.memory_space<vmem_shared>>
    tpu.enqueue_indirect_dma source(%dma_start3A_42 : memref<10000x64xf32, #tpu.memory_space<vmem_shared>>) target(%dma_start3A_36 : memref<32x64xf32, #tpu.memory_space<vmem>>) offsets(%dma_start3A_39 : memref<32xi32, #tpu.memory_space<vmem>>) semaphore(%arg11 : memref<!tpu.dma_semaphore, #tpu.memory_space<semaphore_mem>>)
    %rem3A_43 = arith.constant 2 : i32
    %rem3A_44 = arith.constant 8 : i32
    %rem3A_45 = arith.remsi %rem3A_43, %rem3A_44 : i32
    %mul3A_46 = arith.constant 32 : i32
    %mul3A_47 = arith.muli %rem3A_45, %mul3A_46 : i32
    %dma_start3A_48 = arith.constant 2 : i32
    %dma_start3A_49 = arith.constant 0 : i32
    %dma_start3A_50 = tpu.memref_slice %arg8[%mul3A_47, %dma_start3A_49] : memref<256x64xf32, #tpu.memory_space<vmem>> -> memref<32x64xf32, #tpu.memory_space<vmem>>
    %dma_start3A_51 = arith.constant 0 : i32
    %dma_start3A_52 = tpu.memref_slice %arg6[%dma_start3A_48, %dma_start3A_51] : memref<313x32xi32, #tpu.memory_space<vmem>> -> memref<1x32xi32, #tpu.memory_space<vmem>>
    %dma_start3A_53 = tpu.memref_squeeze %dma_start3A_52 : memref<1x32xi32, #tpu.memory_space<vmem>> -> memref<32xi32, #tpu.memory_space<vmem>>
    %dma_start3A_54 = arith.constant 0 : i32
    %dma_start3A_55 = arith.constant 0 : i32
    %dma_start3A_56 = tpu.memref_slice %arg9[%dma_start3A_54, %dma_start3A_55] : memref<10000x64xf32, #tpu.memory_space<vmem_shared>> -> memref<10000x64xf32, #tpu.memory_space<vmem_shared>>
    tpu.enqueue_indirect_dma source(%dma_start3A_56 : memref<10000x64xf32, #tpu.memory_space<vmem_shared>>) target(%dma_start3A_50 : memref<32x64xf32, #tpu.memory_space<vmem>>) offsets(%dma_start3A_53 : memref<32xi32, #tpu.memory_space<vmem>>) semaphore(%arg11 : memref<!tpu.dma_semaphore, #tpu.memory_space<semaphore_mem>>)
    %rem3A_57 = arith.constant 3 : i32
    %rem3A_58 = arith.constant 8 : i32
    %rem3A_59 = arith.remsi %rem3A_57, %rem3A_58 : i32
    %mul3A_60 = arith.constant 32 : i32
    %mul3A_61 = arith.muli %rem3A_59, %mul3A_60 : i32
    %dma_start3A_62 = arith.constant 3 : i32
    %dma_start3A_63 = arith.constant 0 : i32
    %dma_start3A_64 = tpu.memref_slice %arg8[%mul3A_61, %dma_start3A_63] : memref<256x64xf32, #tpu.memory_space<vmem>> -> memref<32x64xf32, #tpu.memory_space<vmem>>
    %dma_start3A_65 = arith.constant 0 : i32
    %dma_start3A_66 = tpu.memref_slice %arg6[%dma_start3A_62, %dma_start3A_65] : memref<313x32xi32, #tpu.memory_space<vmem>> -> memref<1x32xi32, #tpu.memory_space<vmem>>
    %dma_start3A_67 = tpu.memref_squeeze %dma_start3A_66 : memref<1x32xi32, #tpu.memory_space<vmem>> -> memref<32xi32, #tpu.memory_space<vmem>>
    %dma_start3A_68 = arith.constant 0 : i32
    %dma_start3A_69 = arith.constant 0 : i32
    %dma_start3A_70 = tpu.memref_slice %arg9[%dma_start3A_68, %dma_start3A_69] : memref<10000x64xf32, #tpu.memory_space<vmem_shared>> -> memref<10000x64xf32, #tpu.memory_space<vmem_shared>>
    tpu.enqueue_indirect_dma source(%dma_start3A_70 : memref<10000x64xf32, #tpu.memory_space<vmem_shared>>) target(%dma_start3A_64 : memref<32x64xf32, #tpu.memory_space<vmem>>) offsets(%dma_start3A_67 : memref<32xi32, #tpu.memory_space<vmem>>) semaphore(%arg11 : memref<!tpu.dma_semaphore, #tpu.memory_space<semaphore_mem>>)
    %rem3A_71 = arith.constant 0 : i32
    %rem3A_72 = arith.constant 8 : i32
    %rem3A_73 = arith.remsi %rem3A_71, %rem3A_72 : i32
    %mul3A_74 = arith.constant 32 : i32
    %mul3A_75 = arith.muli %rem3A_73, %mul3A_74 : i32
    %dma_wait3A = arith.constant 0 : i32
    %dma_wait3A_76 = arith.constant 0 : i32
    %dma_wait3A_77 = tpu.memref_slice %arg8[%mul3A_75, %dma_wait3A_76] : memref<256x64xf32, #tpu.memory_space<vmem>> -> memref<32x64xf32, #tpu.memory_space<vmem>>
    %dma_wait3A_78 = arith.constant 0 : i32
    %dma_wait3A_79 = tpu.memref_slice %arg6[%dma_wait3A, %dma_wait3A_78] : memref<313x32xi32, #tpu.memory_space<vmem>> -> memref<1x32xi32, #tpu.memory_space<vmem>>
    %dma_wait3A_80 = tpu.memref_squeeze %dma_wait3A_79 : memref<1x32xi32, #tpu.memory_space<vmem>> -> memref<32xi32, #tpu.memory_space<vmem>>
    %dma_wait3A_81 = arith.constant 0 : i32
    %dma_wait3A_82 = arith.constant 0 : i32
    %dma_wait3A_83 = tpu.memref_slice %arg9[%dma_wait3A_81, %dma_wait3A_82] : memref<10000x64xf32, #tpu.memory_space<vmem_shared>> -> memref<10000x64xf32, #tpu.memory_space<vmem_shared>>
    tpu.wait_indirect_dma semaphore(%arg11 : memref<!tpu.dma_semaphore, #tpu.memory_space<semaphore_mem>>) src(%dma_wait3A_83 : memref<10000x64xf32, #tpu.memory_space<vmem_shared>>) dst(%dma_wait3A_77 : memref<32x64xf32, #tpu.memory_space<vmem>>)
    %rem3A_84 = arith.constant 0 : i32
    %rem3A_85 = arith.constant 8 : i32
    %rem3A_86 = arith.remsi %rem3A_84, %rem3A_85 : i32
    %mul3A_87 = arith.constant 32 : i32
    %mul3A_88 = arith.muli %rem3A_86, %mul3A_87 : i32
    %dma_start3A_89 = arith.constant 0 : i32
    %dma_start3A_90 = arith.constant 0 : i32
    %dma_start3A_91 = tpu.memref_slice %arg8[%mul3A_88, %dma_start3A_90] : memref<256x64xf32, #tpu.memory_space<vmem>> -> memref<32x64xf32, #tpu.memory_space<vmem>>
    %dma_start3A_92 = arith.constant 0 : i32
    %dma_start3A_93 = tpu.memref_slice %arg7[%dma_start3A_89, %dma_start3A_92] : memref<313x32xi32, #tpu.memory_space<vmem>> -> memref<1x32xi32, #tpu.memory_space<vmem>>
    %dma_start3A_94 = tpu.memref_squeeze %dma_start3A_93 : memref<1x32xi32, #tpu.memory_space<vmem>> -> memref<32xi32, #tpu.memory_space<vmem>>
    %dma_start3A_95 = arith.constant 0 : i32
    %dma_start3A_96 = arith.constant 0 : i32
    %dma_start3A_97 = tpu.memref_slice %arg10[%dma_start3A_95, %dma_start3A_96] : memref<10240x64xf32, #tpu.memory_space<vmem_shared>> -> memref<10240x64xf32, #tpu.memory_space<vmem_shared>>
    tpu.enqueue_indirect_dma source(%dma_start3A_91 : memref<32x64xf32, #tpu.memory_space<vmem>>) target(%dma_start3A_97 : memref<10240x64xf32, #tpu.memory_space<vmem_shared>>) offsets(%dma_start3A_94 : memref<32xi32, #tpu.memory_space<vmem>>) semaphore(%arg12 : memref<!tpu.dma_semaphore, #tpu.memory_space<semaphore_mem>>) {add = true}
    %rem3A_98 = arith.constant 4 : i32
    %rem3A_99 = arith.constant 8 : i32
    %rem3A_100 = arith.remsi %rem3A_98, %rem3A_99 : i32
    %mul3A_101 = arith.constant 32 : i32
    %mul3A_102 = arith.muli %rem3A_100, %mul3A_101 : i32
    %dma_start3A_103 = arith.constant 4 : i32
    %dma_start3A_104 = arith.constant 0 : i32
    %dma_start3A_105 = tpu.memref_slice %arg8[%mul3A_102, %dma_start3A_104] : memref<256x64xf32, #tpu.memory_space<vmem>> -> memref<32x64xf32, #tpu.memory_space<vmem>>
    %dma_start3A_106 = arith.constant 0 : i32
    %dma_start3A_107 = tpu.memref_slice %arg6[%dma_start3A_103, %dma_start3A_106] : memref<313x32xi32, #tpu.memory_space<vmem>> -> memref<1x32xi32, #tpu.memory_space<vmem>>
    %dma_start3A_108 = tpu.memref_squeeze %dma_start3A_107 : memref<1x32xi32, #tpu.memory_space<vmem>> -> memref<32xi32, #tpu.memory_space<vmem>>
    %dma_start3A_109 = arith.constant 0 : i32
    %dma_start3A_110 = arith.constant 0 : i32
    %dma_start3A_111 = tpu.memref_slice %arg9[%dma_start3A_109, %dma_start3A_110] : memref<10000x64xf32, #tpu.memory_space<vmem_shared>> -> memref<10000x64xf32, #tpu.memory_space<vmem_shared>>
    tpu.enqueue_indirect_dma source(%dma_start3A_111 : memref<10000x64xf32, #tpu.memory_space<vmem_shared>>) target(%dma_start3A_105 : memref<32x64xf32, #tpu.memory_space<vmem>>) offsets(%dma_start3A_108 : memref<32xi32, #tpu.memory_space<vmem>>) semaphore(%arg11 : memref<!tpu.dma_semaphore, #tpu.memory_space<semaphore_mem>>)
    %rem3A_112 = arith.constant 1 : i32
    %rem3A_113 = arith.constant 8 : i32
    %rem3A_114 = arith.remsi %rem3A_112, %rem3A_113 : i32
    %mul3A_115 = arith.constant 32 : i32
    %mul3A_116 = arith.muli %rem3A_114, %mul3A_115 : i32
    %dma_wait3A_117 = arith.constant 0 : i32
    %dma_wait3A_118 = arith.constant 0 : i32
    %dma_wait3A_119 = tpu.memref_slice %arg8[%mul3A_116, %dma_wait3A_118] : memref<256x64xf32, #tpu.memory_space<vmem>> -> memref<32x64xf32, #tpu.memory_space<vmem>>
    %dma_wait3A_120 = arith.constant 0 : i32
    %dma_wait3A_121 = tpu.memref_slice %arg6[%dma_wait3A_117, %dma_wait3A_120] : memref<313x32xi32, #tpu.memory_space<vmem>> -> memref<1x32xi32, #tpu.memory_space<vmem>>
    %dma_wait3A_122 = tpu.memref_squeeze %dma_wait3A_121 : memref<1x32xi32, #tpu.memory_space<vmem>> -> memref<32xi32, #tpu.memory_space<vmem>>
    %dma_wait3A_123 = arith.constant 0 : i32
    %dma_wait3A_124 = arith.constant 0 : i32
    %dma_wait3A_125 = tpu.memref_slice %arg9[%dma_wait3A_123, %dma_wait3A_124] : memref<10000x64xf32, #tpu.memory_space<vmem_shared>> -> memref<10000x64xf32, #tpu.memory_space<vmem_shared>>
    tpu.wait_indirect_dma semaphore(%arg11 : memref<!tpu.dma_semaphore, #tpu.memory_space<semaphore_mem>>) src(%dma_wait3A_125 : memref<10000x64xf32, #tpu.memory_space<vmem_shared>>) dst(%dma_wait3A_119 : memref<32x64xf32, #tpu.memory_space<vmem>>)
    %rem3A_126 = arith.constant 1 : i32
    %rem3A_127 = arith.constant 8 : i32
    %rem3A_128 = arith.remsi %rem3A_126, %rem3A_127 : i32
    %mul3A_129 = arith.constant 32 : i32
    %mul3A_130 = arith.muli %rem3A_128, %mul3A_129 : i32
    %dma_start3A_131 = arith.constant 1 : i32
    %dma_start3A_132 = arith.constant 0 : i32
    %dma_start3A_133 = tpu.memref_slice %arg8[%mul3A_130, %dma_start3A_132] : memref<256x64xf32, #tpu.memory_space<vmem>> -> memref<32x64xf32, #tpu.memory_space<vmem>>
    %dma_start3A_134 = arith.constant 0 : i32
    %dma_start3A_135 = tpu.memref_slice %arg7[%dma_start3A_131, %dma_start3A_134] : memref<313x32xi32, #tpu.memory_space<vmem>> -> memref<1x32xi32, #tpu.memory_space<vmem>>
    %dma_start3A_136 = tpu.memref_squeeze %dma_start3A_135 : memref<1x32xi32, #tpu.memory_space<vmem>> -> memref<32xi32, #tpu.memory_space<vmem>>
    %dma_start3A_137 = arith.constant 0 : i32
    %dma_start3A_138 = arith.constant 0 : i32
    %dma_start3A_139 = tpu.memref_slice %arg10[%dma_start3A_137, %dma_start3A_138] : memref<10240x64xf32, #tpu.memory_space<vmem_shared>> -> memref<10240x64xf32, #tpu.memory_space<vmem_shared>>
    tpu.enqueue_indirect_dma source(%dma_start3A_133 : memref<32x64xf32, #tpu.memory_space<vmem>>) target(%dma_start3A_139 : memref<10240x64xf32, #tpu.memory_space<vmem_shared>>) offsets(%dma_start3A_136 : memref<32xi32, #tpu.memory_space<vmem>>) semaphore(%arg12 : memref<!tpu.dma_semaphore, #tpu.memory_space<semaphore_mem>>) {add = true}
    %rem3A_140 = arith.constant 5 : i32
    %rem3A_141 = arith.constant 8 : i32
    %rem3A_142 = arith.remsi %rem3A_140, %rem3A_141 : i32
    %mul3A_143 = arith.constant 32 : i32
    %mul3A_144 = arith.muli %rem3A_142, %mul3A_143 : i32
    %dma_start3A_145 = arith.constant 5 : i32
    %dma_start3A_146 = arith.constant 0 : i32
    %dma_start3A_147 = tpu.memref_slice %arg8[%mul3A_144, %dma_start3A_146] : memref<256x64xf32, #tpu.memory_space<vmem>> -> memref<32x64xf32, #tpu.memory_space<vmem>>
    %dma_start3A_148 = arith.constant 0 : i32
    %dma_start3A_149 = tpu.memref_slice %arg6[%dma_start3A_145, %dma_start3A_148] : memref<313x32xi32, #tpu.memory_space<vmem>> -> memref<1x32xi32, #tpu.memory_space<vmem>>
    %dma_start3A_150 = tpu.memref_squeeze %dma_start3A_149 : memref<1x32xi32, #tpu.memory_space<vmem>> -> memref<32xi32, #tpu.memory_space<vmem>>
    %dma_start3A_151 = arith.constant 0 : i32
    %dma_start3A_152 = arith.constant 0 : i32
    %dma_start3A_153 = tpu.memref_slice %arg9[%dma_start3A_151, %dma_start3A_152] : memref<10000x64xf32, #tpu.memory_space<vmem_shared>> -> memref<10000x64xf32, #tpu.memory_space<vmem_shared>>
    tpu.enqueue_indirect_dma source(%dma_start3A_153 : memref<10000x64xf32, #tpu.memory_space<vmem_shared>>) target(%dma_start3A_147 : memref<32x64xf32, #tpu.memory_space<vmem>>) offsets(%dma_start3A_150 : memref<32xi32, #tpu.memory_space<vmem>>) semaphore(%arg11 : memref<!tpu.dma_semaphore, #tpu.memory_space<semaphore_mem>>)
    %rem3A_154 = arith.constant 2 : i32
    %rem3A_155 = arith.constant 8 : i32
    %rem3A_156 = arith.remsi %rem3A_154, %rem3A_155 : i32
    %mul3A_157 = arith.constant 32 : i32
    %mul3A_158 = arith.muli %rem3A_156, %mul3A_157 : i32
    %dma_wait3A_159 = arith.constant 0 : i32
    %dma_wait3A_160 = arith.constant 0 : i32
    %dma_wait3A_161 = tpu.memref_slice %arg8[%mul3A_158, %dma_wait3A_160] : memref<256x64xf32, #tpu.memory_space<vmem>> -> memref<32x64xf32, #tpu.memory_space<vmem>>
    %dma_wait3A_162 = arith.constant 0 : i32
    %dma_wait3A_163 = tpu.memref_slice %arg6[%dma_wait3A_159, %dma_wait3A_162] : memref<313x32xi32, #tpu.memory_space<vmem>> -> memref<1x32xi32, #tpu.memory_space<vmem>>
    %dma_wait3A_164 = tpu.memref_squeeze %dma_wait3A_163 : memref<1x32xi32, #tpu.memory_space<vmem>> -> memref<32xi32, #tpu.memory_space<vmem>>
    %dma_wait3A_165 = arith.constant 0 : i32
    %dma_wait3A_166 = arith.constant 0 : i32
    %dma_wait3A_167 = tpu.memref_slice %arg9[%dma_wait3A_165, %dma_wait3A_166] : memref<10000x64xf32, #tpu.memory_space<vmem_shared>> -> memref<10000x64xf32, #tpu.memory_space<vmem_shared>>
    tpu.wait_indirect_dma semaphore(%arg11 : memref<!tpu.dma_semaphore, #tpu.memory_space<semaphore_mem>>) src(%dma_wait3A_167 : memref<10000x64xf32, #tpu.memory_space<vmem_shared>>) dst(%dma_wait3A_161 : memref<32x64xf32, #tpu.memory_space<vmem>>)
    %rem3A_168 = arith.constant 2 : i32
    %rem3A_169 = arith.constant 8 : i32
    %rem3A_170 = arith.remsi %rem3A_168, %rem3A_169 : i32
    %mul3A_171 = arith.constant 32 : i32
    %mul3A_172 = arith.muli %rem3A_170, %mul3A_171 : i32
    %dma_start3A_173 = arith.constant 2 : i32
    %dma_start3A_174 = arith.constant 0 : i32
    %dma_start3A_175 = tpu.memref_slice %arg8[%mul3A_172, %dma_start3A_174] : memref<256x64xf32, #tpu.memory_space<vmem>> -> memref<32x64xf32, #tpu.memory_space<vmem>>
    %dma_start3A_176 = arith.constant 0 : i32
    %dma_start3A_177 = tpu.memref_slice %arg7[%dma_start3A_173, %dma_start3A_176] : memref<313x32xi32, #tpu.memory_space<vmem>> -> memref<1x32xi32, #tpu.memory_space<vmem>>
    %dma_start3A_178 = tpu.memref_squeeze %dma_start3A_177 : memref<1x32xi32, #tpu.memory_space<vmem>> -> memref<32xi32, #tpu.memory_space<vmem>>
    %dma_start3A_179 = arith.constant 0 : i32
    %dma_start3A_180 = arith.constant 0 : i32
    %dma_start3A_181 = tpu.memref_slice %arg10[%dma_start3A_179, %dma_start3A_180] : memref<10240x64xf32, #tpu.memory_space<vmem_shared>> -> memref<10240x64xf32, #tpu.memory_space<vmem_shared>>
    tpu.enqueue_indirect_dma source(%dma_start3A_175 : memref<32x64xf32, #tpu.memory_space<vmem>>) target(%dma_start3A_181 : memref<10240x64xf32, #tpu.memory_space<vmem_shared>>) offsets(%dma_start3A_178 : memref<32xi32, #tpu.memory_space<vmem>>) semaphore(%arg12 : memref<!tpu.dma_semaphore, #tpu.memory_space<semaphore_mem>>) {add = true}
    %rem3A_182 = arith.constant 6 : i32
    %rem3A_183 = arith.constant 8 : i32
    %rem3A_184 = arith.remsi %rem3A_182, %rem3A_183 : i32
    %mul3A_185 = arith.constant 32 : i32
    %mul3A_186 = arith.muli %rem3A_184, %mul3A_185 : i32
    %dma_start3A_187 = arith.constant 6 : i32
    %dma_start3A_188 = arith.constant 0 : i32
    %dma_start3A_189 = tpu.memref_slice %arg8[%mul3A_186, %dma_start3A_188] : memref<256x64xf32, #tpu.memory_space<vmem>> -> memref<32x64xf32, #tpu.memory_space<vmem>>
    %dma_start3A_190 = arith.constant 0 : i32
    %dma_start3A_191 = tpu.memref_slice %arg6[%dma_start3A_187, %dma_start3A_190] : memref<313x32xi32, #tpu.memory_space<vmem>> -> memref<1x32xi32, #tpu.memory_space<vmem>>
    %dma_start3A_192 = tpu.memref_squeeze %dma_start3A_191 : memref<1x32xi32, #tpu.memory_space<vmem>> -> memref<32xi32, #tpu.memory_space<vmem>>
    %dma_start3A_193 = arith.constant 0 : i32
    %dma_start3A_194 = arith.constant 0 : i32
    %dma_start3A_195 = tpu.memref_slice %arg9[%dma_start3A_193, %dma_start3A_194] : memref<10000x64xf32, #tpu.memory_space<vmem_shared>> -> memref<10000x64xf32, #tpu.memory_space<vmem_shared>>
    tpu.enqueue_indirect_dma source(%dma_start3A_195 : memref<10000x64xf32, #tpu.memory_space<vmem_shared>>) target(%dma_start3A_189 : memref<32x64xf32, #tpu.memory_space<vmem>>) offsets(%dma_start3A_192 : memref<32xi32, #tpu.memory_space<vmem>>) semaphore(%arg11 : memref<!tpu.dma_semaphore, #tpu.memory_space<semaphore_mem>>)
    %rem3A_196 = arith.constant 3 : i32
    %rem3A_197 = arith.constant 8 : i32
    %rem3A_198 = arith.remsi %rem3A_196, %rem3A_197 : i32
    %mul3A_199 = arith.constant 32 : i32
    %mul3A_200 = arith.muli %rem3A_198, %mul3A_199 : i32
    %dma_wait3A_201 = arith.constant 0 : i32
    %dma_wait3A_202 = arith.constant 0 : i32
    %dma_wait3A_203 = tpu.memref_slice %arg8[%mul3A_200, %dma_wait3A_202] : memref<256x64xf32, #tpu.memory_space<vmem>> -> memref<32x64xf32, #tpu.memory_space<vmem>>
    %dma_wait3A_204 = arith.constant 0 : i32
    %dma_wait3A_205 = tpu.memref_slice %arg6[%dma_wait3A_201, %dma_wait3A_204] : memref<313x32xi32, #tpu.memory_space<vmem>> -> memref<1x32xi32, #tpu.memory_space<vmem>>
    %dma_wait3A_206 = tpu.memref_squeeze %dma_wait3A_205 : memref<1x32xi32, #tpu.memory_space<vmem>> -> memref<32xi32, #tpu.memory_space<vmem>>
    %dma_wait3A_207 = arith.constant 0 : i32
    %dma_wait3A_208 = arith.constant 0 : i32
    %dma_wait3A_209 = tpu.memref_slice %arg9[%dma_wait3A_207, %dma_wait3A_208] : memref<10000x64xf32, #tpu.memory_space<vmem_shared>> -> memref<10000x64xf32, #tpu.memory_space<vmem_shared>>
    tpu.wait_indirect_dma semaphore(%arg11 : memref<!tpu.dma_semaphore, #tpu.memory_space<semaphore_mem>>) src(%dma_wait3A_209 : memref<10000x64xf32, #tpu.memory_space<vmem_shared>>) dst(%dma_wait3A_203 : memref<32x64xf32, #tpu.memory_space<vmem>>)
    %rem3A_210 = arith.constant 3 : i32
    %rem3A_211 = arith.constant 8 : i32
    %rem3A_212 = arith.remsi %rem3A_210, %rem3A_211 : i32
    %mul3A_213 = arith.constant 32 : i32
    %mul3A_214 = arith.muli %rem3A_212, %mul3A_213 : i32
    %dma_start3A_215 = arith.constant 3 : i32
    %dma_start3A_216 = arith.constant 0 : i32
    %dma_start3A_217 = tpu.memref_slice %arg8[%mul3A_214, %dma_start3A_216] : memref<256x64xf32, #tpu.memory_space<vmem>> -> memref<32x64xf32, #tpu.memory_space<vmem>>
    %dma_start3A_218 = arith.constant 0 : i32
    %dma_start3A_219 = tpu.memref_slice %arg7[%dma_start3A_215, %dma_start3A_218] : memref<313x32xi32, #tpu.memory_space<vmem>> -> memref<1x32xi32, #tpu.memory_space<vmem>>
    %dma_start3A_220 = tpu.memref_squeeze %dma_start3A_219 : memref<1x32xi32, #tpu.memory_space<vmem>> -> memref<32xi32, #tpu.memory_space<vmem>>
    %dma_start3A_221 = arith.constant 0 : i32
    %dma_start3A_222 = arith.constant 0 : i32
    %dma_start3A_223 = tpu.memref_slice %arg10[%dma_start3A_221, %dma_start3A_222] : memref<10240x64xf32, #tpu.memory_space<vmem_shared>> -> memref<10240x64xf32, #tpu.memory_space<vmem_shared>>
    tpu.enqueue_indirect_dma source(%dma_start3A_217 : memref<32x64xf32, #tpu.memory_space<vmem>>) target(%dma_start3A_223 : memref<10240x64xf32, #tpu.memory_space<vmem_shared>>) offsets(%dma_start3A_220 : memref<32xi32, #tpu.memory_space<vmem>>) semaphore(%arg12 : memref<!tpu.dma_semaphore, #tpu.memory_space<semaphore_mem>>) {add = true}
    %rem3A_224 = arith.constant 7 : i32
    %rem3A_225 = arith.constant 8 : i32
    %rem3A_226 = arith.remsi %rem3A_224, %rem3A_225 : i32
    %mul3A_227 = arith.constant 32 : i32
    %mul3A_228 = arith.muli %rem3A_226, %mul3A_227 : i32
    %dma_start3A_229 = arith.constant 7 : i32
    %dma_start3A_230 = arith.constant 0 : i32
    %dma_start3A_231 = tpu.memref_slice %arg8[%mul3A_228, %dma_start3A_230] : memref<256x64xf32, #tpu.memory_space<vmem>> -> memref<32x64xf32, #tpu.memory_space<vmem>>
    %dma_start3A_232 = arith.constant 0 : i32
    %dma_start3A_233 = tpu.memref_slice %arg6[%dma_start3A_229, %dma_start3A_232] : memref<313x32xi32, #tpu.memory_space<vmem>> -> memref<1x32xi32, #tpu.memory_space<vmem>>
    %dma_start3A_234 = tpu.memref_squeeze %dma_start3A_233 : memref<1x32xi32, #tpu.memory_space<vmem>> -> memref<32xi32, #tpu.memory_space<vmem>>
    %dma_start3A_235 = arith.constant 0 : i32
    %dma_start3A_236 = arith.constant 0 : i32
    %dma_start3A_237 = tpu.memref_slice %arg9[%dma_start3A_235, %dma_start3A_236] : memref<10000x64xf32, #tpu.memory_space<vmem_shared>> -> memref<10000x64xf32, #tpu.memory_space<vmem_shared>>
    tpu.enqueue_indirect_dma source(%dma_start3A_237 : memref<10000x64xf32, #tpu.memory_space<vmem_shared>>) target(%dma_start3A_231 : memref<32x64xf32, #tpu.memory_space<vmem>>) offsets(%dma_start3A_234 : memref<32xi32, #tpu.memory_space<vmem>>) semaphore(%arg11 : memref<!tpu.dma_semaphore, #tpu.memory_space<semaphore_mem>>)
    %sub3A = arith.constant 4 : i32
    %sub3A_238 = arith.subi %add3A_16, %sub3A : i32
    %while3A = arith.constant 0 : i32
    %while3A_239 = arith.constant 4 : i32
    %while3A_240 = arith.subi %sub3A_238, %while3A_239 : i32
    %while3A_241 = arith.addi %while3A_239, %while3A_240 : i32
    %while3A_242 = arith.constant 1 : i32
    %while3A_243 = arith.divsi %while3A_240, %while3A_242 : i32
    %while3A_244 = arith.muli %while3A_243, %while3A_242 : i32
    %while3A_245 = arith.addi %while3A_239, %while3A_244 : i32
    %while3A_246 = arith.constant 1 : i32
    scf.for %while3A_483 = %while3A_239 to %while3A_245 step %while3A_246  : i32 {
      %rem3A_484 = arith.constant 8 : i32
      %rem3A_485 = arith.remsi %while3A_483, %rem3A_484 : i32
      %mul3A_486 = arith.constant 32 : i32
      %mul3A_487 = arith.muli %rem3A_485, %mul3A_486 : i32
      %dma_wait3A_488 = arith.constant 0 : i32
      %dma_wait3A_489 = arith.constant 0 : i32
      %dma_wait3A_490 = tpu.memref_slice %arg8[%mul3A_487, %dma_wait3A_489] : memref<256x64xf32, #tpu.memory_space<vmem>> -> memref<32x64xf32, #tpu.memory_space<vmem>>
      %dma_wait3A_491 = arith.constant 0 : i32
      %dma_wait3A_492 = tpu.memref_slice %arg6[%dma_wait3A_488, %dma_wait3A_491] : memref<313x32xi32, #tpu.memory_space<vmem>> -> memref<1x32xi32, #tpu.memory_space<vmem>>
      %dma_wait3A_493 = tpu.memref_squeeze %dma_wait3A_492 : memref<1x32xi32, #tpu.memory_space<vmem>> -> memref<32xi32, #tpu.memory_space<vmem>>
      %dma_wait3A_494 = arith.constant 0 : i32
      %dma_wait3A_495 = arith.constant 0 : i32
      %dma_wait3A_496 = tpu.memref_slice %arg9[%dma_wait3A_494, %dma_wait3A_495] : memref<10000x64xf32, #tpu.memory_space<vmem_shared>> -> memref<10000x64xf32, #tpu.memory_space<vmem_shared>>
      tpu.wait_indirect_dma semaphore(%arg11 : memref<!tpu.dma_semaphore, #tpu.memory_space<semaphore_mem>>) src(%dma_wait3A_496 : memref<10000x64xf32, #tpu.memory_space<vmem_shared>>) dst(%dma_wait3A_490 : memref<32x64xf32, #tpu.memory_space<vmem>>)
      %rem3A_497 = arith.constant 8 : i32
      %rem3A_498 = arith.remsi %while3A_483, %rem3A_497 : i32
      %mul3A_499 = arith.constant 32 : i32
      %mul3A_500 = arith.muli %rem3A_498, %mul3A_499 : i32
      %dma_start3A_501 = arith.constant 0 : i32
      %dma_start3A_502 = tpu.memref_slice %arg8[%mul3A_500, %dma_start3A_501] : memref<256x64xf32, #tpu.memory_space<vmem>> -> memref<32x64xf32, #tpu.memory_space<vmem>>
      %dma_start3A_503 = arith.constant 0 : i32
      %dma_start3A_504 = tpu.memref_slice %arg7[%while3A_483, %dma_start3A_503] : memref<313x32xi32, #tpu.memory_space<vmem>> -> memref<1x32xi32, #tpu.memory_space<vmem>>
      %dma_start3A_505 = tpu.memref_squeeze %dma_start3A_504 : memref<1x32xi32, #tpu.memory_space<vmem>> -> memref<32xi32, #tpu.memory_space<vmem>>
      %dma_start3A_506 = arith.constant 0 : i32
      %dma_start3A_507 = arith.constant 0 : i32
      %dma_start3A_508 = tpu.memref_slice %arg10[%dma_start3A_506, %dma_start3A_507] : memref<10240x64xf32, #tpu.memory_space<vmem_shared>> -> memref<10240x64xf32, #tpu.memory_space<vmem_shared>>
      tpu.enqueue_indirect_dma source(%dma_start3A_502 : memref<32x64xf32, #tpu.memory_space<vmem>>) target(%dma_start3A_508 : memref<10240x64xf32, #tpu.memory_space<vmem_shared>>) offsets(%dma_start3A_505 : memref<32xi32, #tpu.memory_space<vmem>>) semaphore(%arg12 : memref<!tpu.dma_semaphore, #tpu.memory_space<semaphore_mem>>) {add = true}
      %sub3A_509 = arith.constant 4 : i32
      %sub3A_510 = arith.subi %while3A_483, %sub3A_509 : i32
      %rem3A_511 = arith.constant 8 : i32
      %rem3A_512 = arith.remsi %sub3A_510, %rem3A_511 : i32
      %mul3A_513 = arith.constant 32 : i32
      %mul3A_514 = arith.muli %rem3A_512, %mul3A_513 : i32
      %dma_wait3A_515 = arith.constant 0 : i32
      %dma_wait3A_516 = arith.constant 0 : i32
      %dma_wait3A_517 = tpu.memref_slice %arg8[%mul3A_514, %dma_wait3A_516] : memref<256x64xf32, #tpu.memory_space<vmem>> -> memref<32x64xf32, #tpu.memory_space<vmem>>
      %dma_wait3A_518 = arith.constant 0 : i32
      %dma_wait3A_519 = tpu.memref_slice %arg7[%dma_wait3A_515, %dma_wait3A_518] : memref<313x32xi32, #tpu.memory_space<vmem>> -> memref<1x32xi32, #tpu.memory_space<vmem>>
      %dma_wait3A_520 = tpu.memref_squeeze %dma_wait3A_519 : memref<1x32xi32, #tpu.memory_space<vmem>> -> memref<32xi32, #tpu.memory_space<vmem>>
      %dma_wait3A_521 = arith.constant 0 : i32
      %dma_wait3A_522 = arith.constant 0 : i32
      %dma_wait3A_523 = tpu.memref_slice %arg10[%dma_wait3A_521, %dma_wait3A_522] : memref<10240x64xf32, #tpu.memory_space<vmem_shared>> -> memref<10240x64xf32, #tpu.memory_space<vmem_shared>>
      tpu.wait_indirect_dma semaphore(%arg12 : memref<!tpu.dma_semaphore, #tpu.memory_space<semaphore_mem>>) src(%dma_wait3A_517 : memref<32x64xf32, #tpu.memory_space<vmem>>) dst(%dma_wait3A_523 : memref<10240x64xf32, #tpu.memory_space<vmem_shared>>)
      %add3A_524 = arith.constant 4 : i32
      %add3A_525 = arith.addi %while3A_483, %add3A_524 : i32
      %rem3A_526 = arith.constant 8 : i32
      %rem3A_527 = arith.remsi %add3A_525, %rem3A_526 : i32
      %mul3A_528 = arith.constant 32 : i32
      %mul3A_529 = arith.muli %rem3A_527, %mul3A_528 : i32
      %dma_start3A_530 = arith.constant 0 : i32
      %dma_start3A_531 = tpu.memref_slice %arg8[%mul3A_529, %dma_start3A_530] : memref<256x64xf32, #tpu.memory_space<vmem>> -> memref<32x64xf32, #tpu.memory_space<vmem>>
      %dma_start3A_532 = arith.constant 0 : i32
      %dma_start3A_533 = tpu.memref_slice %arg6[%add3A_525, %dma_start3A_532] : memref<313x32xi32, #tpu.memory_space<vmem>> -> memref<1x32xi32, #tpu.memory_space<vmem>>
      %dma_start3A_534 = tpu.memref_squeeze %dma_start3A_533 : memref<1x32xi32, #tpu.memory_space<vmem>> -> memref<32xi32, #tpu.memory_space<vmem>>
      %dma_start3A_535 = arith.constant 0 : i32
      %dma_start3A_536 = arith.constant 0 : i32
      %dma_start3A_537 = tpu.memref_slice %arg9[%dma_start3A_535, %dma_start3A_536] : memref<10000x64xf32, #tpu.memory_space<vmem_shared>> -> memref<10000x64xf32, #tpu.memory_space<vmem_shared>>
      tpu.enqueue_indirect_dma source(%dma_start3A_537 : memref<10000x64xf32, #tpu.memory_space<vmem_shared>>) target(%dma_start3A_531 : memref<32x64xf32, #tpu.memory_space<vmem>>) offsets(%dma_start3A_534 : memref<32xi32, #tpu.memory_space<vmem>>) semaphore(%arg11 : memref<!tpu.dma_semaphore, #tpu.memory_space<semaphore_mem>>)
    }
    %while3A_247 = arith.constant 1 : i32
    scf.for %while3A_483 = %while3A_245 to %while3A_241 step %while3A_247  : i32 {
      %rem3A_484 = arith.constant 8 : i32
      %rem3A_485 = arith.remsi %while3A_483, %rem3A_484 : i32
      %mul3A_486 = arith.constant 32 : i32
      %mul3A_487 = arith.muli %rem3A_485, %mul3A_486 : i32
      %dma_wait3A_488 = arith.constant 0 : i32
      %dma_wait3A_489 = arith.constant 0 : i32
      %dma_wait3A_490 = tpu.memref_slice %arg8[%mul3A_487, %dma_wait3A_489] : memref<256x64xf32, #tpu.memory_space<vmem>> -> memref<32x64xf32, #tpu.memory_space<vmem>>
      %dma_wait3A_491 = arith.constant 0 : i32
      %dma_wait3A_492 = tpu.memref_slice %arg6[%dma_wait3A_488, %dma_wait3A_491] : memref<313x32xi32, #tpu.memory_space<vmem>> -> memref<1x32xi32, #tpu.memory_space<vmem>>
      %dma_wait3A_493 = tpu.memref_squeeze %dma_wait3A_492 : memref<1x32xi32, #tpu.memory_space<vmem>> -> memref<32xi32, #tpu.memory_space<vmem>>
      %dma_wait3A_494 = arith.constant 0 : i32
      %dma_wait3A_495 = arith.constant 0 : i32
      %dma_wait3A_496 = tpu.memref_slice %arg9[%dma_wait3A_494, %dma_wait3A_495] : memref<10000x64xf32, #tpu.memory_space<vmem_shared>> -> memref<10000x64xf32, #tpu.memory_space<vmem_shared>>
      tpu.wait_indirect_dma semaphore(%arg11 : memref<!tpu.dma_semaphore, #tpu.memory_space<semaphore_mem>>) src(%dma_wait3A_496 : memref<10000x64xf32, #tpu.memory_space<vmem_shared>>) dst(%dma_wait3A_490 : memref<32x64xf32, #tpu.memory_space<vmem>>)
      %rem3A_497 = arith.constant 8 : i32
      %rem3A_498 = arith.remsi %while3A_483, %rem3A_497 : i32
      %mul3A_499 = arith.constant 32 : i32
      %mul3A_500 = arith.muli %rem3A_498, %mul3A_499 : i32
      %dma_start3A_501 = arith.constant 0 : i32
      %dma_start3A_502 = tpu.memref_slice %arg8[%mul3A_500, %dma_start3A_501] : memref<256x64xf32, #tpu.memory_space<vmem>> -> memref<32x64xf32, #tpu.memory_space<vmem>>
      %dma_start3A_503 = arith.constant 0 : i32
      %dma_start3A_504 = tpu.memref_slice %arg7[%while3A_483, %dma_start3A_503] : memref<313x32xi32, #tpu.memory_space<vmem>> -> memref<1x32xi32, #tpu.memory_space<vmem>>
      %dma_start3A_505 = tpu.memref_squeeze %dma_start3A_504 : memref<1x32xi32, #tpu.memory_space<vmem>> -> memref<32xi32, #tpu.memory_space<vmem>>
      %dma_start3A_506 = arith.constant 0 : i32
      %dma_start3A_507 = arith.constant 0 : i32
      %dma_start3A_508 = tpu.memref_slice %arg10[%dma_start3A_506, %dma_start3A_507] : memref<10240x64xf32, #tpu.memory_space<vmem_shared>> -> memref<10240x64xf32, #tpu.memory_space<vmem_shared>>
      tpu.enqueue_indirect_dma source(%dma_start3A_502 : memref<32x64xf32, #tpu.memory_space<vmem>>) target(%dma_start3A_508 : memref<10240x64xf32, #tpu.memory_space<vmem_shared>>) offsets(%dma_start3A_505 : memref<32xi32, #tpu.memory_space<vmem>>) semaphore(%arg12 : memref<!tpu.dma_semaphore, #tpu.memory_space<semaphore_mem>>) {add = true}
      %sub3A_509 = arith.constant 4 : i32
      %sub3A_510 = arith.subi %while3A_483, %sub3A_509 : i32
      %rem3A_511 = arith.constant 8 : i32
      %rem3A_512 = arith.remsi %sub3A_510, %rem3A_511 : i32
      %mul3A_513 = arith.constant 32 : i32
      %mul3A_514 = arith.muli %rem3A_512, %mul3A_513 : i32
      %dma_wait3A_515 = arith.constant 0 : i32
      %dma_wait3A_516 = arith.constant 0 : i32
      %dma_wait3A_517 = tpu.memref_slice %arg8[%mul3A_514, %dma_wait3A_516] : memref<256x64xf32, #tpu.memory_space<vmem>> -> memref<32x64xf32, #tpu.memory_space<vmem>>
      %dma_wait3A_518 = arith.constant 0 : i32
      %dma_wait3A_519 = tpu.memref_slice %arg7[%dma_wait3A_515, %dma_wait3A_518] : memref<313x32xi32, #tpu.memory_space<vmem>> -> memref<1x32xi32, #tpu.memory_space<vmem>>
      %dma_wait3A_520 = tpu.memref_squeeze %dma_wait3A_519 : memref<1x32xi32, #tpu.memory_space<vmem>> -> memref<32xi32, #tpu.memory_space<vmem>>
      %dma_wait3A_521 = arith.constant 0 : i32
      %dma_wait3A_522 = arith.constant 0 : i32
      %dma_wait3A_523 = tpu.memref_slice %arg10[%dma_wait3A_521, %dma_wait3A_522] : memref<10240x64xf32, #tpu.memory_space<vmem_shared>> -> memref<10240x64xf32, #tpu.memory_space<vmem_shared>>
      tpu.wait_indirect_dma semaphore(%arg12 : memref<!tpu.dma_semaphore, #tpu.memory_space<semaphore_mem>>) src(%dma_wait3A_517 : memref<32x64xf32, #tpu.memory_space<vmem>>) dst(%dma_wait3A_523 : memref<10240x64xf32, #tpu.memory_space<vmem_shared>>)
      %add3A_524 = arith.constant 4 : i32
      %add3A_525 = arith.addi %while3A_483, %add3A_524 : i32
      %rem3A_526 = arith.constant 8 : i32
      %rem3A_527 = arith.remsi %add3A_525, %rem3A_526 : i32
      %mul3A_528 = arith.constant 32 : i32
      %mul3A_529 = arith.muli %rem3A_527, %mul3A_528 : i32
      %dma_start3A_530 = arith.constant 0 : i32
      %dma_start3A_531 = tpu.memref_slice %arg8[%mul3A_529, %dma_start3A_530] : memref<256x64xf32, #tpu.memory_space<vmem>> -> memref<32x64xf32, #tpu.memory_space<vmem>>
      %dma_start3A_532 = arith.constant 0 : i32
      %dma_start3A_533 = tpu.memref_slice %arg6[%add3A_525, %dma_start3A_532] : memref<313x32xi32, #tpu.memory_space<vmem>> -> memref<1x32xi32, #tpu.memory_space<vmem>>
      %dma_start3A_534 = tpu.memref_squeeze %dma_start3A_533 : memref<1x32xi32, #tpu.memory_space<vmem>> -> memref<32xi32, #tpu.memory_space<vmem>>
      %dma_start3A_535 = arith.constant 0 : i32
      %dma_start3A_536 = arith.constant 0 : i32
      %dma_start3A_537 = tpu.memref_slice %arg9[%dma_start3A_535, %dma_start3A_536] : memref<10000x64xf32, #tpu.memory_space<vmem_shared>> -> memref<10000x64xf32, #tpu.memory_space<vmem_shared>>
      tpu.enqueue_indirect_dma source(%dma_start3A_537 : memref<10000x64xf32, #tpu.memory_space<vmem_shared>>) target(%dma_start3A_531 : memref<32x64xf32, #tpu.memory_space<vmem>>) offsets(%dma_start3A_534 : memref<32xi32, #tpu.memory_space<vmem>>) semaphore(%arg11 : memref<!tpu.dma_semaphore, #tpu.memory_space<semaphore_mem>>)
    }
    %sub3A_248 = arith.constant 4 : i32
    %sub3A_249 = arith.subi %add3A_16, %sub3A_248 : i32
    %add3A_250 = arith.constant 0 : i32
    %add3A_251 = arith.addi %sub3A_249, %add3A_250 : i32
    %rem3A_252 = arith.constant 8 : i32
    %rem3A_253 = arith.remsi %add3A_251, %rem3A_252 : i32
    %mul3A_254 = arith.constant 32 : i32
    %mul3A_255 = arith.muli %rem3A_253, %mul3A_254 : i32
    %dma_wait3A_256 = arith.constant 0 : i32
    %dma_wait3A_257 = arith.constant 0 : i32
    %dma_wait3A_258 = tpu.memref_slice %arg8[%mul3A_255, %dma_wait3A_257] : memref<256x64xf32, #tpu.memory_space<vmem>> -> memref<32x64xf32, #tpu.memory_space<vmem>>
    %dma_wait3A_259 = arith.constant 0 : i32
    %dma_wait3A_260 = tpu.memref_slice %arg6[%dma_wait3A_256, %dma_wait3A_259] : memref<313x32xi32, #tpu.memory_space<vmem>> -> memref<1x32xi32, #tpu.memory_space<vmem>>
    %dma_wait3A_261 = tpu.memref_squeeze %dma_wait3A_260 : memref<1x32xi32, #tpu.memory_space<vmem>> -> memref<32xi32, #tpu.memory_space<vmem>>
    %dma_wait3A_262 = arith.constant 0 : i32
    %dma_wait3A_263 = arith.constant 0 : i32
    %dma_wait3A_264 = tpu.memref_slice %arg9[%dma_wait3A_262, %dma_wait3A_263] : memref<10000x64xf32, #tpu.memory_space<vmem_shared>> -> memref<10000x64xf32, #tpu.memory_space<vmem_shared>>
    tpu.wait_indirect_dma semaphore(%arg11 : memref<!tpu.dma_semaphore, #tpu.memory_space<semaphore_mem>>) src(%dma_wait3A_264 : memref<10000x64xf32, #tpu.memory_space<vmem_shared>>) dst(%dma_wait3A_258 : memref<32x64xf32, #tpu.memory_space<vmem>>)
    %rem3A_265 = arith.constant 8 : i32
    %rem3A_266 = arith.remsi %add3A_251, %rem3A_265 : i32
    %mul3A_267 = arith.constant 32 : i32
    %mul3A_268 = arith.muli %rem3A_266, %mul3A_267 : i32
    %dma_start3A_269 = arith.constant 0 : i32
    %dma_start3A_270 = tpu.memref_slice %arg8[%mul3A_268, %dma_start3A_269] : memref<256x64xf32, #tpu.memory_space<vmem>> -> memref<32x64xf32, #tpu.memory_space<vmem>>
    %dma_start3A_271 = arith.constant 0 : i32
    %dma_start3A_272 = tpu.memref_slice %arg7[%add3A_251, %dma_start3A_271] : memref<313x32xi32, #tpu.memory_space<vmem>> -> memref<1x32xi32, #tpu.memory_space<vmem>>
    %dma_start3A_273 = tpu.memref_squeeze %dma_start3A_272 : memref<1x32xi32, #tpu.memory_space<vmem>> -> memref<32xi32, #tpu.memory_space<vmem>>
    %dma_start3A_274 = arith.constant 0 : i32
    %dma_start3A_275 = arith.constant 0 : i32
    %dma_start3A_276 = tpu.memref_slice %arg10[%dma_start3A_274, %dma_start3A_275] : memref<10240x64xf32, #tpu.memory_space<vmem_shared>> -> memref<10240x64xf32, #tpu.memory_space<vmem_shared>>
    tpu.enqueue_indirect_dma source(%dma_start3A_270 : memref<32x64xf32, #tpu.memory_space<vmem>>) target(%dma_start3A_276 : memref<10240x64xf32, #tpu.memory_space<vmem_shared>>) offsets(%dma_start3A_273 : memref<32xi32, #tpu.memory_space<vmem>>) semaphore(%arg12 : memref<!tpu.dma_semaphore, #tpu.memory_space<semaphore_mem>>) {add = true}
    %sub3A_277 = arith.constant 4 : i32
    %sub3A_278 = arith.subi %add3A_251, %sub3A_277 : i32
    %rem3A_279 = arith.constant 8 : i32
    %rem3A_280 = arith.remsi %sub3A_278, %rem3A_279 : i32
    %mul3A_281 = arith.constant 32 : i32
    %mul3A_282 = arith.muli %rem3A_280, %mul3A_281 : i32
    %dma_wait3A_283 = arith.constant 0 : i32
    %dma_wait3A_284 = arith.constant 0 : i32
    %dma_wait3A_285 = tpu.memref_slice %arg8[%mul3A_282, %dma_wait3A_284] : memref<256x64xf32, #tpu.memory_space<vmem>> -> memref<32x64xf32, #tpu.memory_space<vmem>>
    %dma_wait3A_286 = arith.constant 0 : i32
    %dma_wait3A_287 = tpu.memref_slice %arg7[%dma_wait3A_283, %dma_wait3A_286] : memref<313x32xi32, #tpu.memory_space<vmem>> -> memref<1x32xi32, #tpu.memory_space<vmem>>
    %dma_wait3A_288 = tpu.memref_squeeze %dma_wait3A_287 : memref<1x32xi32, #tpu.memory_space<vmem>> -> memref<32xi32, #tpu.memory_space<vmem>>
    %dma_wait3A_289 = arith.constant 0 : i32
    %dma_wait3A_290 = arith.constant 0 : i32
    %dma_wait3A_291 = tpu.memref_slice %arg10[%dma_wait3A_289, %dma_wait3A_290] : memref<10240x64xf32, #tpu.memory_space<vmem_shared>> -> memref<10240x64xf32, #tpu.memory_space<vmem_shared>>
    tpu.wait_indirect_dma semaphore(%arg12 : memref<!tpu.dma_semaphore, #tpu.memory_space<semaphore_mem>>) src(%dma_wait3A_285 : memref<32x64xf32, #tpu.memory_space<vmem>>) dst(%dma_wait3A_291 : memref<10240x64xf32, #tpu.memory_space<vmem_shared>>)
    %sub3A_292 = arith.constant 4 : i32
    %sub3A_293 = arith.subi %add3A_16, %sub3A_292 : i32
    %add3A_294 = arith.constant 1 : i32
    %add3A_295 = arith.addi %sub3A_293, %add3A_294 : i32
    %rem3A_296 = arith.constant 8 : i32
    %rem3A_297 = arith.remsi %add3A_295, %rem3A_296 : i32
    %mul3A_298 = arith.constant 32 : i32
    %mul3A_299 = arith.muli %rem3A_297, %mul3A_298 : i32
    %dma_wait3A_300 = arith.constant 0 : i32
    %dma_wait3A_301 = arith.constant 0 : i32
    %dma_wait3A_302 = tpu.memref_slice %arg8[%mul3A_299, %dma_wait3A_301] : memref<256x64xf32, #tpu.memory_space<vmem>> -> memref<32x64xf32, #tpu.memory_space<vmem>>
    %dma_wait3A_303 = arith.constant 0 : i32
    %dma_wait3A_304 = tpu.memref_slice %arg6[%dma_wait3A_300, %dma_wait3A_303] : memref<313x32xi32, #tpu.memory_space<vmem>> -> memref<1x32xi32, #tpu.memory_space<vmem>>
    %dma_wait3A_305 = tpu.memref_squeeze %dma_wait3A_304 : memref<1x32xi32, #tpu.memory_space<vmem>> -> memref<32xi32, #tpu.memory_space<vmem>>
    %dma_wait3A_306 = arith.constant 0 : i32
    %dma_wait3A_307 = arith.constant 0 : i32
    %dma_wait3A_308 = tpu.memref_slice %arg9[%dma_wait3A_306, %dma_wait3A_307] : memref<10000x64xf32, #tpu.memory_space<vmem_shared>> -> memref<10000x64xf32, #tpu.memory_space<vmem_shared>>
    tpu.wait_indirect_dma semaphore(%arg11 : memref<!tpu.dma_semaphore, #tpu.memory_space<semaphore_mem>>) src(%dma_wait3A_308 : memref<10000x64xf32, #tpu.memory_space<vmem_shared>>) dst(%dma_wait3A_302 : memref<32x64xf32, #tpu.memory_space<vmem>>)
    %rem3A_309 = arith.constant 8 : i32
    %rem3A_310 = arith.remsi %add3A_295, %rem3A_309 : i32
    %mul3A_311 = arith.constant 32 : i32
    %mul3A_312 = arith.muli %rem3A_310, %mul3A_311 : i32
    %dma_start3A_313 = arith.constant 0 : i32
    %dma_start3A_314 = tpu.memref_slice %arg8[%mul3A_312, %dma_start3A_313] : memref<256x64xf32, #tpu.memory_space<vmem>> -> memref<32x64xf32, #tpu.memory_space<vmem>>
    %dma_start3A_315 = arith.constant 0 : i32
    %dma_start3A_316 = tpu.memref_slice %arg7[%add3A_295, %dma_start3A_315] : memref<313x32xi32, #tpu.memory_space<vmem>> -> memref<1x32xi32, #tpu.memory_space<vmem>>
    %dma_start3A_317 = tpu.memref_squeeze %dma_start3A_316 : memref<1x32xi32, #tpu.memory_space<vmem>> -> memref<32xi32, #tpu.memory_space<vmem>>
    %dma_start3A_318 = arith.constant 0 : i32
    %dma_start3A_319 = arith.constant 0 : i32
    %dma_start3A_320 = tpu.memref_slice %arg10[%dma_start3A_318, %dma_start3A_319] : memref<10240x64xf32, #tpu.memory_space<vmem_shared>> -> memref<10240x64xf32, #tpu.memory_space<vmem_shared>>
    tpu.enqueue_indirect_dma source(%dma_start3A_314 : memref<32x64xf32, #tpu.memory_space<vmem>>) target(%dma_start3A_320 : memref<10240x64xf32, #tpu.memory_space<vmem_shared>>) offsets(%dma_start3A_317 : memref<32xi32, #tpu.memory_space<vmem>>) semaphore(%arg12 : memref<!tpu.dma_semaphore, #tpu.memory_space<semaphore_mem>>) {add = true}
    %sub3A_321 = arith.constant 4 : i32
    %sub3A_322 = arith.subi %add3A_295, %sub3A_321 : i32
    %rem3A_323 = arith.constant 8 : i32
    %rem3A_324 = arith.remsi %sub3A_322, %rem3A_323 : i32
    %mul3A_325 = arith.constant 32 : i32
    %mul3A_326 = arith.muli %rem3A_324, %mul3A_325 : i32
    %dma_wait3A_327 = arith.constant 0 : i32
    %dma_wait3A_328 = arith.constant 0 : i32
    %dma_wait3A_329 = tpu.memref_slice %arg8[%mul3A_326, %dma_wait3A_328] : memref<256x64xf32, #tpu.memory_space<vmem>> -> memref<32x64xf32, #tpu.memory_space<vmem>>
    %dma_wait3A_330 = arith.constant 0 : i32
    %dma_wait3A_331 = tpu.memref_slice %arg7[%dma_wait3A_327, %dma_wait3A_330] : memref<313x32xi32, #tpu.memory_space<vmem>> -> memref<1x32xi32, #tpu.memory_space<vmem>>
    %dma_wait3A_332 = tpu.memref_squeeze %dma_wait3A_331 : memref<1x32xi32, #tpu.memory_space<vmem>> -> memref<32xi32, #tpu.memory_space<vmem>>
    %dma_wait3A_333 = arith.constant 0 : i32
    %dma_wait3A_334 = arith.constant 0 : i32
    %dma_wait3A_335 = tpu.memref_slice %arg10[%dma_wait3A_333, %dma_wait3A_334] : memref<10240x64xf32, #tpu.memory_space<vmem_shared>> -> memref<10240x64xf32, #tpu.memory_space<vmem_shared>>
    tpu.wait_indirect_dma semaphore(%arg12 : memref<!tpu.dma_semaphore, #tpu.memory_space<semaphore_mem>>) src(%dma_wait3A_329 : memref<32x64xf32, #tpu.memory_space<vmem>>) dst(%dma_wait3A_335 : memref<10240x64xf32, #tpu.memory_space<vmem_shared>>)
    %sub3A_336 = arith.constant 4 : i32
    %sub3A_337 = arith.subi %add3A_16, %sub3A_336 : i32
    %add3A_338 = arith.constant 2 : i32
    %add3A_339 = arith.addi %sub3A_337, %add3A_338 : i32
    %rem3A_340 = arith.constant 8 : i32
    %rem3A_341 = arith.remsi %add3A_339, %rem3A_340 : i32
    %mul3A_342 = arith.constant 32 : i32
    %mul3A_343 = arith.muli %rem3A_341, %mul3A_342 : i32
    %dma_wait3A_344 = arith.constant 0 : i32
    %dma_wait3A_345 = arith.constant 0 : i32
    %dma_wait3A_346 = tpu.memref_slice %arg8[%mul3A_343, %dma_wait3A_345] : memref<256x64xf32, #tpu.memory_space<vmem>> -> memref<32x64xf32, #tpu.memory_space<vmem>>
    %dma_wait3A_347 = arith.constant 0 : i32
    %dma_wait3A_348 = tpu.memref_slice %arg6[%dma_wait3A_344, %dma_wait3A_347] : memref<313x32xi32, #tpu.memory_space<vmem>> -> memref<1x32xi32, #tpu.memory_space<vmem>>
    %dma_wait3A_349 = tpu.memref_squeeze %dma_wait3A_348 : memref<1x32xi32, #tpu.memory_space<vmem>> -> memref<32xi32, #tpu.memory_space<vmem>>
    %dma_wait3A_350 = arith.constant 0 : i32
    %dma_wait3A_351 = arith.constant 0 : i32
    %dma_wait3A_352 = tpu.memref_slice %arg9[%dma_wait3A_350, %dma_wait3A_351] : memref<10000x64xf32, #tpu.memory_space<vmem_shared>> -> memref<10000x64xf32, #tpu.memory_space<vmem_shared>>
    tpu.wait_indirect_dma semaphore(%arg11 : memref<!tpu.dma_semaphore, #tpu.memory_space<semaphore_mem>>) src(%dma_wait3A_352 : memref<10000x64xf32, #tpu.memory_space<vmem_shared>>) dst(%dma_wait3A_346 : memref<32x64xf32, #tpu.memory_space<vmem>>)
    %rem3A_353 = arith.constant 8 : i32
    %rem3A_354 = arith.remsi %add3A_339, %rem3A_353 : i32
    %mul3A_355 = arith.constant 32 : i32
    %mul3A_356 = arith.muli %rem3A_354, %mul3A_355 : i32
    %dma_start3A_357 = arith.constant 0 : i32
    %dma_start3A_358 = tpu.memref_slice %arg8[%mul3A_356, %dma_start3A_357] : memref<256x64xf32, #tpu.memory_space<vmem>> -> memref<32x64xf32, #tpu.memory_space<vmem>>
    %dma_start3A_359 = arith.constant 0 : i32
    %dma_start3A_360 = tpu.memref_slice %arg7[%add3A_339, %dma_start3A_359] : memref<313x32xi32, #tpu.memory_space<vmem>> -> memref<1x32xi32, #tpu.memory_space<vmem>>
    %dma_start3A_361 = tpu.memref_squeeze %dma_start3A_360 : memref<1x32xi32, #tpu.memory_space<vmem>> -> memref<32xi32, #tpu.memory_space<vmem>>
    %dma_start3A_362 = arith.constant 0 : i32
    %dma_start3A_363 = arith.constant 0 : i32
    %dma_start3A_364 = tpu.memref_slice %arg10[%dma_start3A_362, %dma_start3A_363] : memref<10240x64xf32, #tpu.memory_space<vmem_shared>> -> memref<10240x64xf32, #tpu.memory_space<vmem_shared>>
    tpu.enqueue_indirect_dma source(%dma_start3A_358 : memref<32x64xf32, #tpu.memory_space<vmem>>) target(%dma_start3A_364 : memref<10240x64xf32, #tpu.memory_space<vmem_shared>>) offsets(%dma_start3A_361 : memref<32xi32, #tpu.memory_space<vmem>>) semaphore(%arg12 : memref<!tpu.dma_semaphore, #tpu.memory_space<semaphore_mem>>) {add = true}
    %sub3A_365 = arith.constant 4 : i32
    %sub3A_366 = arith.subi %add3A_339, %sub3A_365 : i32
    %rem3A_367 = arith.constant 8 : i32
    %rem3A_368 = arith.remsi %sub3A_366, %rem3A_367 : i32
    %mul3A_369 = arith.constant 32 : i32
    %mul3A_370 = arith.muli %rem3A_368, %mul3A_369 : i32
    %dma_wait3A_371 = arith.constant 0 : i32
    %dma_wait3A_372 = arith.constant 0 : i32
    %dma_wait3A_373 = tpu.memref_slice %arg8[%mul3A_370, %dma_wait3A_372] : memref<256x64xf32, #tpu.memory_space<vmem>> -> memref<32x64xf32, #tpu.memory_space<vmem>>
    %dma_wait3A_374 = arith.constant 0 : i32
    %dma_wait3A_375 = tpu.memref_slice %arg7[%dma_wait3A_371, %dma_wait3A_374] : memref<313x32xi32, #tpu.memory_space<vmem>> -> memref<1x32xi32, #tpu.memory_space<vmem>>
    %dma_wait3A_376 = tpu.memref_squeeze %dma_wait3A_375 : memref<1x32xi32, #tpu.memory_space<vmem>> -> memref<32xi32, #tpu.memory_space<vmem>>
    %dma_wait3A_377 = arith.constant 0 : i32
    %dma_wait3A_378 = arith.constant 0 : i32
    %dma_wait3A_379 = tpu.memref_slice %arg10[%dma_wait3A_377, %dma_wait3A_378] : memref<10240x64xf32, #tpu.memory_space<vmem_shared>> -> memref<10240x64xf32, #tpu.memory_space<vmem_shared>>
    tpu.wait_indirect_dma semaphore(%arg12 : memref<!tpu.dma_semaphore, #tpu.memory_space<semaphore_mem>>) src(%dma_wait3A_373 : memref<32x64xf32, #tpu.memory_space<vmem>>) dst(%dma_wait3A_379 : memref<10240x64xf32, #tpu.memory_space<vmem_shared>>)
    %sub3A_380 = arith.constant 4 : i32
    %sub3A_381 = arith.subi %add3A_16, %sub3A_380 : i32
    %add3A_382 = arith.constant 3 : i32
    %add3A_383 = arith.addi %sub3A_381, %add3A_382 : i32
    %rem3A_384 = arith.constant 8 : i32
    %rem3A_385 = arith.remsi %add3A_383, %rem3A_384 : i32
    %mul3A_386 = arith.constant 32 : i32
    %mul3A_387 = arith.muli %rem3A_385, %mul3A_386 : i32
    %dma_wait3A_388 = arith.constant 0 : i32
    %dma_wait3A_389 = arith.constant 0 : i32
    %dma_wait3A_390 = tpu.memref_slice %arg8[%mul3A_387, %dma_wait3A_389] : memref<256x64xf32, #tpu.memory_space<vmem>> -> memref<32x64xf32, #tpu.memory_space<vmem>>
    %dma_wait3A_391 = arith.constant 0 : i32
    %dma_wait3A_392 = tpu.memref_slice %arg6[%dma_wait3A_388, %dma_wait3A_391] : memref<313x32xi32, #tpu.memory_space<vmem>> -> memref<1x32xi32, #tpu.memory_space<vmem>>
    %dma_wait3A_393 = tpu.memref_squeeze %dma_wait3A_392 : memref<1x32xi32, #tpu.memory_space<vmem>> -> memref<32xi32, #tpu.memory_space<vmem>>
    %dma_wait3A_394 = arith.constant 0 : i32
    %dma_wait3A_395 = arith.constant 0 : i32
    %dma_wait3A_396 = tpu.memref_slice %arg9[%dma_wait3A_394, %dma_wait3A_395] : memref<10000x64xf32, #tpu.memory_space<vmem_shared>> -> memref<10000x64xf32, #tpu.memory_space<vmem_shared>>
    tpu.wait_indirect_dma semaphore(%arg11 : memref<!tpu.dma_semaphore, #tpu.memory_space<semaphore_mem>>) src(%dma_wait3A_396 : memref<10000x64xf32, #tpu.memory_space<vmem_shared>>) dst(%dma_wait3A_390 : memref<32x64xf32, #tpu.memory_space<vmem>>)
    %rem3A_397 = arith.constant 8 : i32
    %rem3A_398 = arith.remsi %add3A_383, %rem3A_397 : i32
    %mul3A_399 = arith.constant 32 : i32
    %mul3A_400 = arith.muli %rem3A_398, %mul3A_399 : i32
    %dma_start3A_401 = arith.constant 0 : i32
    %dma_start3A_402 = tpu.memref_slice %arg8[%mul3A_400, %dma_start3A_401] : memref<256x64xf32, #tpu.memory_space<vmem>> -> memref<32x64xf32, #tpu.memory_space<vmem>>
    %dma_start3A_403 = arith.constant 0 : i32
    %dma_start3A_404 = tpu.memref_slice %arg7[%add3A_383, %dma_start3A_403] : memref<313x32xi32, #tpu.memory_space<vmem>> -> memref<1x32xi32, #tpu.memory_space<vmem>>
    %dma_start3A_405 = tpu.memref_squeeze %dma_start3A_404 : memref<1x32xi32, #tpu.memory_space<vmem>> -> memref<32xi32, #tpu.memory_space<vmem>>
    %dma_start3A_406 = arith.constant 0 : i32
    %dma_start3A_407 = arith.constant 0 : i32
    %dma_start3A_408 = tpu.memref_slice %arg10[%dma_start3A_406, %dma_start3A_407] : memref<10240x64xf32, #tpu.memory_space<vmem_shared>> -> memref<10240x64xf32, #tpu.memory_space<vmem_shared>>
    tpu.enqueue_indirect_dma source(%dma_start3A_402 : memref<32x64xf32, #tpu.memory_space<vmem>>) target(%dma_start3A_408 : memref<10240x64xf32, #tpu.memory_space<vmem_shared>>) offsets(%dma_start3A_405 : memref<32xi32, #tpu.memory_space<vmem>>) semaphore(%arg12 : memref<!tpu.dma_semaphore, #tpu.memory_space<semaphore_mem>>) {add = true}
    %sub3A_409 = arith.constant 4 : i32
    %sub3A_410 = arith.subi %add3A_383, %sub3A_409 : i32
    %rem3A_411 = arith.constant 8 : i32
    %rem3A_412 = arith.remsi %sub3A_410, %rem3A_411 : i32
    %mul3A_413 = arith.constant 32 : i32
    %mul3A_414 = arith.muli %rem3A_412, %mul3A_413 : i32
    %dma_wait3A_415 = arith.constant 0 : i32
    %dma_wait3A_416 = arith.constant 0 : i32
    %dma_wait3A_417 = tpu.memref_slice %arg8[%mul3A_414, %dma_wait3A_416] : memref<256x64xf32, #tpu.memory_space<vmem>> -> memref<32x64xf32, #tpu.memory_space<vmem>>
    %dma_wait3A_418 = arith.constant 0 : i32
    %dma_wait3A_419 = tpu.memref_slice %arg7[%dma_wait3A_415, %dma_wait3A_418] : memref<313x32xi32, #tpu.memory_space<vmem>> -> memref<1x32xi32, #tpu.memory_space<vmem>>
    %dma_wait3A_420 = tpu.memref_squeeze %dma_wait3A_419 : memref<1x32xi32, #tpu.memory_space<vmem>> -> memref<32xi32, #tpu.memory_space<vmem>>
    %dma_wait3A_421 = arith.constant 0 : i32
    %dma_wait3A_422 = arith.constant 0 : i32
    %dma_wait3A_423 = tpu.memref_slice %arg10[%dma_wait3A_421, %dma_wait3A_422] : memref<10240x64xf32, #tpu.memory_space<vmem_shared>> -> memref<10240x64xf32, #tpu.memory_space<vmem_shared>>
    tpu.wait_indirect_dma semaphore(%arg12 : memref<!tpu.dma_semaphore, #tpu.memory_space<semaphore_mem>>) src(%dma_wait3A_417 : memref<32x64xf32, #tpu.memory_space<vmem>>) dst(%dma_wait3A_423 : memref<10240x64xf32, #tpu.memory_space<vmem_shared>>)
    %rem3A_424 = arith.constant 0 : i32
    %rem3A_425 = arith.constant 8 : i32
    %rem3A_426 = arith.remsi %rem3A_424, %rem3A_425 : i32
    %mul3A_427 = arith.constant 32 : i32
    %mul3A_428 = arith.muli %rem3A_426, %mul3A_427 : i32
    %dma_wait3A_429 = arith.constant 0 : i32
    %dma_wait3A_430 = arith.constant 0 : i32
    %dma_wait3A_431 = tpu.memref_slice %arg8[%mul3A_428, %dma_wait3A_430] : memref<256x64xf32, #tpu.memory_space<vmem>> -> memref<32x64xf32, #tpu.memory_space<vmem>>
    %dma_wait3A_432 = arith.constant 0 : i32
    %dma_wait3A_433 = tpu.memref_slice %arg7[%dma_wait3A_429, %dma_wait3A_432] : memref<313x32xi32, #tpu.memory_space<vmem>> -> memref<1x32xi32, #tpu.memory_space<vmem>>
    %dma_wait3A_434 = tpu.memref_squeeze %dma_wait3A_433 : memref<1x32xi32, #tpu.memory_space<vmem>> -> memref<32xi32, #tpu.memory_space<vmem>>
    %dma_wait3A_435 = arith.constant 0 : i32
    %dma_wait3A_436 = arith.constant 0 : i32
    %dma_wait3A_437 = tpu.memref_slice %arg10[%dma_wait3A_435, %dma_wait3A_436] : memref<10240x64xf32, #tpu.memory_space<vmem_shared>> -> memref<10240x64xf32, #tpu.memory_space<vmem_shared>>
    tpu.wait_indirect_dma semaphore(%arg12 : memref<!tpu.dma_semaphore, #tpu.memory_space<semaphore_mem>>) src(%dma_wait3A_431 : memref<32x64xf32, #tpu.memory_space<vmem>>) dst(%dma_wait3A_437 : memref<10240x64xf32, #tpu.memory_space<vmem_shared>>)
    %rem3A_438 = arith.constant 1 : i32
    %rem3A_439 = arith.constant 8 : i32
    %rem3A_440 = arith.remsi %rem3A_438, %rem3A_439 : i32
    %mul3A_441 = arith.constant 32 : i32
    %mul3A_442 = arith.muli %rem3A_440, %mul3A_441 : i32
    %dma_wait3A_443 = arith.constant 0 : i32
    %dma_wait3A_444 = arith.constant 0 : i32
    %dma_wait3A_445 = tpu.memref_slice %arg8[%mul3A_442, %dma_wait3A_444] : memref<256x64xf32, #tpu.memory_space<vmem>> -> memref<32x64xf32, #tpu.memory_space<vmem>>
    %dma_wait3A_446 = arith.constant 0 : i32
    %dma_wait3A_447 = tpu.memref_slice %arg7[%dma_wait3A_443, %dma_wait3A_446] : memref<313x32xi32, #tpu.memory_space<vmem>> -> memref<1x32xi32, #tpu.memory_space<vmem>>
    %dma_wait3A_448 = tpu.memref_squeeze %dma_wait3A_447 : memref<1x32xi32, #tpu.memory_space<vmem>> -> memref<32xi32, #tpu.memory_space<vmem>>
    %dma_wait3A_449 = arith.constant 0 : i32
    %dma_wait3A_450 = arith.constant 0 : i32
    %dma_wait3A_451 = tpu.memref_slice %arg10[%dma_wait3A_449, %dma_wait3A_450] : memref<10240x64xf32, #tpu.memory_space<vmem_shared>> -> memref<10240x64xf32, #tpu.memory_space<vmem_shared>>
    tpu.wait_indirect_dma semaphore(%arg12 : memref<!tpu.dma_semaphore, #tpu.memory_space<semaphore_mem>>) src(%dma_wait3A_445 : memref<32x64xf32, #tpu.memory_space<vmem>>) dst(%dma_wait3A_451 : memref<10240x64xf32, #tpu.memory_space<vmem_shared>>)
    %rem3A_452 = arith.constant 2 : i32
    %rem3A_453 = arith.constant 8 : i32
    %rem3A_454 = arith.remsi %rem3A_452, %rem3A_453 : i32
    %mul3A_455 = arith.constant 32 : i32
    %mul3A_456 = arith.muli %rem3A_454, %mul3A_455 : i32
    %dma_wait3A_457 = arith.constant 0 : i32
    %dma_wait3A_458 = arith.constant 0 : i32
    %dma_wait3A_459 = tpu.memref_slice %arg8[%mul3A_456, %dma_wait3A_458] : memref<256x64xf32, #tpu.memory_space<vmem>> -> memref<32x64xf32, #tpu.memory_space<vmem>>
    %dma_wait3A_460 = arith.constant 0 : i32
    %dma_wait3A_461 = tpu.memref_slice %arg7[%dma_wait3A_457, %dma_wait3A_460] : memref<313x32xi32, #tpu.memory_space<vmem>> -> memref<1x32xi32, #tpu.memory_space<vmem>>
    %dma_wait3A_462 = tpu.memref_squeeze %dma_wait3A_461 : memref<1x32xi32, #tpu.memory_space<vmem>> -> memref<32xi32, #tpu.memory_space<vmem>>
    %dma_wait3A_463 = arith.constant 0 : i32
    %dma_wait3A_464 = arith.constant 0 : i32
    %dma_wait3A_465 = tpu.memref_slice %arg10[%dma_wait3A_463, %dma_wait3A_464] : memref<10240x64xf32, #tpu.memory_space<vmem_shared>> -> memref<10240x64xf32, #tpu.memory_space<vmem_shared>>
    tpu.wait_indirect_dma semaphore(%arg12 : memref<!tpu.dma_semaphore, #tpu.memory_space<semaphore_mem>>) src(%dma_wait3A_459 : memref<32x64xf32, #tpu.memory_space<vmem>>) dst(%dma_wait3A_465 : memref<10240x64xf32, #tpu.memory_space<vmem_shared>>)
    %rem3A_466 = arith.constant 3 : i32
    %rem3A_467 = arith.constant 8 : i32
    %rem3A_468 = arith.remsi %rem3A_466, %rem3A_467 : i32
    %mul3A_469 = arith.constant 32 : i32
    %mul3A_470 = arith.muli %rem3A_468, %mul3A_469 : i32
    %dma_wait3A_471 = arith.constant 0 : i32
    %dma_wait3A_472 = arith.constant 0 : i32
    %dma_wait3A_473 = tpu.memref_slice %arg8[%mul3A_470, %dma_wait3A_472] : memref<256x64xf32, #tpu.memory_space<vmem>> -> memref<32x64xf32, #tpu.memory_space<vmem>>
    %dma_wait3A_474 = arith.constant 0 : i32
    %dma_wait3A_475 = tpu.memref_slice %arg7[%dma_wait3A_471, %dma_wait3A_474] : memref<313x32xi32, #tpu.memory_space<vmem>> -> memref<1x32xi32, #tpu.memory_space<vmem>>
    %dma_wait3A_476 = tpu.memref_squeeze %dma_wait3A_475 : memref<1x32xi32, #tpu.memory_space<vmem>> -> memref<32xi32, #tpu.memory_space<vmem>>
    %dma_wait3A_477 = arith.constant 0 : i32
    %dma_wait3A_478 = arith.constant 0 : i32
    %dma_wait3A_479 = tpu.memref_slice %arg10[%dma_wait3A_477, %dma_wait3A_478] : memref<10240x64xf32, #tpu.memory_space<vmem_shared>> -> memref<10240x64xf32, #tpu.memory_space<vmem_shared>>
    tpu.wait_indirect_dma semaphore(%arg12 : memref<!tpu.dma_semaphore, #tpu.memory_space<semaphore_mem>>) src(%dma_wait3A_473 : memref<32x64xf32, #tpu.memory_space<vmem>>) dst(%dma_wait3A_479 : memref<10240x64xf32, #tpu.memory_space<vmem_shared>>)
    %barrier3A_480 = arith.constant 0 : index
    tpu.barrier barrier_id(%barrier3A_480)
    %mul3A_481 = arith.constant 640 : i32
    %mul3A_482 = arith.muli %arg1, %mul3A_481 : i32
    "tpu.region"() ({
      %run_scoped3A_483 = tpu.sem_alloc : memref<!tpu.dma_semaphore, #tpu.memory_space<semaphore_mem>>
      %dma_start3A_484 = arith.constant 0 : i32
      %dma_start3A_485 = arith.constant 0 : i32
      %dma_start3A_486 = tpu.memref_slice %arg5[%arg0, %dma_start3A_484, %dma_start3A_485] : memref<2x10240x64xf32, #tpu.memory_space<hbm>> -> memref<1x10240x64xf32, #tpu.memory_space<hbm>>
      %dma_start3A_487 = tpu.memref_squeeze %dma_start3A_486 : memref<1x10240x64xf32, #tpu.memory_space<hbm>> -> memref<10240x64xf32, #tpu.memory_space<hbm>>
      %dma_start3A_488 = arith.constant 0 : i32
      %dma_start3A_489 = tpu.memref_slice %dma_start3A_487[%mul3A_482, %dma_start3A_488] : memref<10240x64xf32, #tpu.memory_space<hbm>> -> memref<640x64xf32, #tpu.memory_space<hbm>>
      %dma_start3A_490 = arith.constant 0 : i32
      %dma_start3A_491 = tpu.memref_slice %arg10[%mul3A_482, %dma_start3A_490] : memref<10240x64xf32, #tpu.memory_space<vmem_shared>> -> memref<640x64xf32, #tpu.memory_space<vmem_shared>>
      tpu.enqueue_dma source(%dma_start3A_491 : memref<640x64xf32, #tpu.memory_space<vmem_shared>>) target(%dma_start3A_489 : memref<640x64xf32, #tpu.memory_space<hbm>>) target_semaphore(%run_scoped3A_483 : memref<!tpu.dma_semaphore, #tpu.memory_space<semaphore_mem>>)
      %dma_wait3A_492 = arith.constant 0 : i32
      %dma_wait3A_493 = arith.constant 0 : i32
      %dma_wait3A_494 = tpu.memref_slice %arg5[%arg0, %dma_wait3A_492, %dma_wait3A_493] : memref<2x10240x64xf32, #tpu.memory_space<hbm>> -> memref<1x10240x64xf32, #tpu.memory_space<hbm>>
      %dma_wait3A_495 = tpu.memref_squeeze %dma_wait3A_494 : memref<1x10240x64xf32, #tpu.memory_space<hbm>> -> memref<10240x64xf32, #tpu.memory_space<hbm>>
      %dma_wait3A_496 = arith.constant 0 : i32
      %dma_wait3A_497 = tpu.memref_slice %dma_wait3A_495[%mul3A_482, %dma_wait3A_496] : memref<10240x64xf32, #tpu.memory_space<hbm>> -> memref<640x64xf32, #tpu.memory_space<hbm>>
      %dma_wait3A_498 = arith.constant 0 : i32
      %dma_wait3A_499 = tpu.memref_slice %arg10[%mul3A_482, %dma_wait3A_498] : memref<10240x64xf32, #tpu.memory_space<vmem_shared>> -> memref<640x64xf32, #tpu.memory_space<vmem_shared>>
      tpu.wait_dma2 semaphore(%run_scoped3A_483 : memref<!tpu.dma_semaphore, #tpu.memory_space<semaphore_mem>>) src(%dma_wait3A_499 : memref<640x64xf32, #tpu.memory_space<vmem_shared>>) dst(%dma_wait3A_497 : memref<640x64xf32, #tpu.memory_space<hbm>>)
      tpu.yield
    }) : () -> ()
    return
  }
}

#map = affine_map<(d0, d1) -> (0, 0)>
#map1 = affine_map<(d0, d1) -> (0, 0, 0)>
module attributes {stable_mosaic.version = 14 : i64} {
  func.func @body(%arg0: i32, %arg1: i32, %arg2: memref<10000x64xf32, #tpu.memory_space<hbm>>, %arg3: memref<2x10000x32xi32, #tpu.memory_space<hbm>>, %arg4: memref<640x64xf32, #tpu.memory_space<hbm>>, %arg5: memref<2x10240x64xf32, #tpu.memory_space<hbm>>, %arg6: memref<2x16x10240xf32, #tpu.memory_space<hbm>>, %arg7: memref<313x32xi32, #tpu.memory_space<vmem>>, %arg8: memref<313x32xi32, #tpu.memory_space<vmem>>, %arg9: memref<256x64xf32, #tpu.memory_space<vmem>>, %arg10: memref<10000x64xf32, #tpu.memory_space<vmem_shared>>, %arg11: memref<10240x64xf32, #tpu.memory_space<vmem_shared>>, %arg12: memref<!tpu.dma_semaphore, #tpu.memory_space<semaphore_mem>>, %arg13: memref<!tpu.dma_semaphore, #tpu.memory_space<semaphore_mem>>, %arg14: memref<10240xf32, #tpu.memory_space<vmem>>) attributes {dimension_semantics = [#tpu.dimension_semantics<core_parallel>, #tpu.dimension_semantics<subcore_parallel>], iteration_bounds = array<i64: 2, 16>, scalar_prefetch = 0 : i64, scratch_operands = 8 : i64, tpu.core_type = #tpu.core_type<sc_vector_subcore>, window_params = [{transform_indices = #map}, {transform_indices = #map1}, {transform_indices = #map}, {transform_indices = #map1}, {transform_indices = #map1}]} {
    %mul3A = arith.constant 2 : i32
    %mul3A_0 = arith.muli %arg1, %mul3A : i32
    %add3A = arith.addi %mul3A_0, %arg0 : i32
    %mul3A_1 = arith.constant 625 : i32
    %mul3A_2 = arith.muli %arg1, %mul3A_1 : i32
    "tpu.region"() ({
      %run_scoped3A_623 = tpu.sem_alloc : memref<!tpu.dma_semaphore, #tpu.memory_space<semaphore_mem>>
      %dma_start3A_624 = arith.constant 0 : i32
      %dma_start3A_625 = tpu.memref_slice %arg10[%mul3A_2, %dma_start3A_624] : memref<10000x64xf32, #tpu.memory_space<vmem_shared>> -> memref<625x64xf32, #tpu.memory_space<vmem_shared>>
      %dma_start3A_626 = arith.constant 0 : i32
      %dma_start3A_627 = tpu.memref_slice %arg2[%mul3A_2, %dma_start3A_626] : memref<10000x64xf32, #tpu.memory_space<hbm>> -> memref<625x64xf32, #tpu.memory_space<hbm>>
      tpu.enqueue_dma source(%dma_start3A_627 : memref<625x64xf32, #tpu.memory_space<hbm>>) target(%dma_start3A_625 : memref<625x64xf32, #tpu.memory_space<vmem_shared>>) target_semaphore(%run_scoped3A_623 : memref<!tpu.dma_semaphore, #tpu.memory_space<semaphore_mem>>)
      %dma_wait3A_628 = arith.constant 0 : i32
      %dma_wait3A_629 = tpu.memref_slice %arg10[%mul3A_2, %dma_wait3A_628] : memref<10000x64xf32, #tpu.memory_space<vmem_shared>> -> memref<625x64xf32, #tpu.memory_space<vmem_shared>>
      %dma_wait3A_630 = arith.constant 0 : i32
      %dma_wait3A_631 = tpu.memref_slice %arg2[%mul3A_2, %dma_wait3A_630] : memref<10000x64xf32, #tpu.memory_space<hbm>> -> memref<625x64xf32, #tpu.memory_space<hbm>>
      tpu.wait_dma2 semaphore(%run_scoped3A_623 : memref<!tpu.dma_semaphore, #tpu.memory_space<semaphore_mem>>) src(%dma_wait3A_631 : memref<625x64xf32, #tpu.memory_space<hbm>>) dst(%dma_wait3A_629 : memref<625x64xf32, #tpu.memory_space<vmem_shared>>)
      tpu.yield
    }) : () -> ()
    %mul3A_3 = arith.constant 640 : i32
    %mul3A_4 = arith.muli %arg1, %mul3A_3 : i32
    "tpu.region"() ({
      %run_scoped3A_623 = tpu.sem_alloc : memref<!tpu.dma_semaphore, #tpu.memory_space<semaphore_mem>>
      %dma_start3A_624 = arith.constant 0 : i32
      %dma_start3A_625 = tpu.memref_slice %arg11[%mul3A_4, %dma_start3A_624] : memref<10240x64xf32, #tpu.memory_space<vmem_shared>> -> memref<640x64xf32, #tpu.memory_space<vmem_shared>>
      tpu.enqueue_dma source(%arg4 : memref<640x64xf32, #tpu.memory_space<hbm>>) target(%dma_start3A_625 : memref<640x64xf32, #tpu.memory_space<vmem_shared>>) target_semaphore(%run_scoped3A_623 : memref<!tpu.dma_semaphore, #tpu.memory_space<semaphore_mem>>)
      %dma_wait3A_626 = arith.constant 0 : i32
      %dma_wait3A_627 = tpu.memref_slice %arg11[%mul3A_4, %dma_wait3A_626] : memref<10240x64xf32, #tpu.memory_space<vmem_shared>> -> memref<640x64xf32, #tpu.memory_space<vmem_shared>>
      tpu.wait_dma2 semaphore(%run_scoped3A_623 : memref<!tpu.dma_semaphore, #tpu.memory_space<semaphore_mem>>) src(%arg4 : memref<640x64xf32, #tpu.memory_space<hbm>>) dst(%dma_wait3A_627 : memref<640x64xf32, #tpu.memory_space<vmem_shared>>)
      tpu.yield
    }) : () -> ()
    %mul3A_5 = arith.constant 312 : i32
    %mul3A_6 = arith.muli %add3A, %mul3A_5 : i32
    %run_scoped3A = arith.constant 0 : i32
    "tpu.region"() ({
      %run_scoped3A_623 = tpu.sem_alloc : memref<!tpu.dma_semaphore, #tpu.memory_space<semaphore_mem>>
      %dma_start3A_624 = arith.constant 0 : i32
      %dma_start3A_625 = arith.constant 0 : i32
      %dma_start3A_626 = tpu.memref_slice %arg7[%dma_start3A_624, %dma_start3A_625] : memref<313x32xi32, #tpu.memory_space<vmem>> -> memref<312x32xi32, #tpu.memory_space<vmem>>
      %dma_start3A_627 = arith.constant 0 : i32
      %dma_start3A_628 = arith.constant 0 : i32
      %dma_start3A_629 = tpu.memref_slice %arg3[%run_scoped3A, %dma_start3A_627, %dma_start3A_628] : memref<2x10000x32xi32, #tpu.memory_space<hbm>> -> memref<1x10000x32xi32, #tpu.memory_space<hbm>>
      %dma_start3A_630 = tpu.memref_squeeze %dma_start3A_629 : memref<1x10000x32xi32, #tpu.memory_space<hbm>> -> memref<10000x32xi32, #tpu.memory_space<hbm>>
      %dma_start3A_631 = arith.constant 0 : i32
      %dma_start3A_632 = tpu.memref_slice %dma_start3A_630[%mul3A_6, %dma_start3A_631] : memref<10000x32xi32, #tpu.memory_space<hbm>> -> memref<312x32xi32, #tpu.memory_space<hbm>>
      %dma_start3A_633 = arith.constant 0 : i32
      %dma_start3A_634 = arith.constant 0 : i32
      %dma_start3A_635 = tpu.memref_slice %arg7[%dma_start3A_633, %dma_start3A_634] : memref<313x32xi32, #tpu.memory_space<vmem>> -> memref<312x32xi32, #tpu.memory_space<vmem>>
      %dma_start3A_636 = arith.constant 0 : i32
      %dma_start3A_637 = arith.constant 0 : i32
      %dma_start3A_638 = tpu.memref_slice %arg3[%run_scoped3A, %dma_start3A_636, %dma_start3A_637] : memref<2x10000x32xi32, #tpu.memory_space<hbm>> -> memref<1x10000x32xi32, #tpu.memory_space<hbm>>
      %dma_start3A_639 = tpu.memref_squeeze %dma_start3A_638 : memref<1x10000x32xi32, #tpu.memory_space<hbm>> -> memref<10000x32xi32, #tpu.memory_space<hbm>>
      %dma_start3A_640 = arith.constant 0 : i32
      %dma_start3A_641 = tpu.memref_slice %dma_start3A_639[%mul3A_6, %dma_start3A_640] : memref<10000x32xi32, #tpu.memory_space<hbm>> -> memref<312x32xi32, #tpu.memory_space<hbm>>
      tpu.enqueue_dma source(%dma_start3A_641 : memref<312x32xi32, #tpu.memory_space<hbm>>) target(%dma_start3A_635 : memref<312x32xi32, #tpu.memory_space<vmem>>) target_semaphore(%run_scoped3A_623 : memref<!tpu.dma_semaphore, #tpu.memory_space<semaphore_mem>>)
      %dma_wait3A_642 = arith.constant 0 : i32
      %dma_wait3A_643 = arith.constant 0 : i32
      %dma_wait3A_644 = tpu.memref_slice %arg7[%dma_wait3A_642, %dma_wait3A_643] : memref<313x32xi32, #tpu.memory_space<vmem>> -> memref<312x32xi32, #tpu.memory_space<vmem>>
      %dma_wait3A_645 = arith.constant 0 : i32
      %dma_wait3A_646 = arith.constant 0 : i32
      %dma_wait3A_647 = tpu.memref_slice %arg3[%run_scoped3A, %dma_wait3A_645, %dma_wait3A_646] : memref<2x10000x32xi32, #tpu.memory_space<hbm>> -> memref<1x10000x32xi32, #tpu.memory_space<hbm>>
      %dma_wait3A_648 = tpu.memref_squeeze %dma_wait3A_647 : memref<1x10000x32xi32, #tpu.memory_space<hbm>> -> memref<10000x32xi32, #tpu.memory_space<hbm>>
      %dma_wait3A_649 = arith.constant 0 : i32
      %dma_wait3A_650 = tpu.memref_slice %dma_wait3A_648[%mul3A_6, %dma_wait3A_649] : memref<10000x32xi32, #tpu.memory_space<hbm>> -> memref<312x32xi32, #tpu.memory_space<hbm>>
      %dma_wait3A_651 = arith.constant 0 : i32
      %dma_wait3A_652 = arith.constant 0 : i32
      %dma_wait3A_653 = tpu.memref_slice %arg7[%dma_wait3A_651, %dma_wait3A_652] : memref<313x32xi32, #tpu.memory_space<vmem>> -> memref<312x32xi32, #tpu.memory_space<vmem>>
      %dma_wait3A_654 = arith.constant 0 : i32
      %dma_wait3A_655 = arith.constant 0 : i32
      %dma_wait3A_656 = tpu.memref_slice %arg3[%run_scoped3A, %dma_wait3A_654, %dma_wait3A_655] : memref<2x10000x32xi32, #tpu.memory_space<hbm>> -> memref<1x10000x32xi32, #tpu.memory_space<hbm>>
      %dma_wait3A_657 = tpu.memref_squeeze %dma_wait3A_656 : memref<1x10000x32xi32, #tpu.memory_space<hbm>> -> memref<10000x32xi32, #tpu.memory_space<hbm>>
      %dma_wait3A_658 = arith.constant 0 : i32
      %dma_wait3A_659 = tpu.memref_slice %dma_wait3A_657[%mul3A_6, %dma_wait3A_658] : memref<10000x32xi32, #tpu.memory_space<hbm>> -> memref<312x32xi32, #tpu.memory_space<hbm>>
      tpu.wait_dma2 semaphore(%run_scoped3A_623 : memref<!tpu.dma_semaphore, #tpu.memory_space<semaphore_mem>>) src(%dma_wait3A_659 : memref<312x32xi32, #tpu.memory_space<hbm>>) dst(%dma_wait3A_653 : memref<312x32xi32, #tpu.memory_space<vmem>>)
      tpu.yield
    }) : () -> ()
    %mul3A_7 = arith.constant 312 : i32
    %mul3A_8 = arith.muli %add3A, %mul3A_7 : i32
    %run_scoped3A_9 = arith.constant 1 : i32
    "tpu.region"() ({
      %run_scoped3A_623 = tpu.sem_alloc : memref<!tpu.dma_semaphore, #tpu.memory_space<semaphore_mem>>
      %dma_start3A_624 = arith.constant 0 : i32
      %dma_start3A_625 = arith.constant 0 : i32
      %dma_start3A_626 = tpu.memref_slice %arg8[%dma_start3A_624, %dma_start3A_625] : memref<313x32xi32, #tpu.memory_space<vmem>> -> memref<312x32xi32, #tpu.memory_space<vmem>>
      %dma_start3A_627 = arith.constant 0 : i32
      %dma_start3A_628 = arith.constant 0 : i32
      %dma_start3A_629 = tpu.memref_slice %arg3[%run_scoped3A_9, %dma_start3A_627, %dma_start3A_628] : memref<2x10000x32xi32, #tpu.memory_space<hbm>> -> memref<1x10000x32xi32, #tpu.memory_space<hbm>>
      %dma_start3A_630 = tpu.memref_squeeze %dma_start3A_629 : memref<1x10000x32xi32, #tpu.memory_space<hbm>> -> memref<10000x32xi32, #tpu.memory_space<hbm>>
      %dma_start3A_631 = arith.constant 0 : i32
      %dma_start3A_632 = tpu.memref_slice %dma_start3A_630[%mul3A_8, %dma_start3A_631] : memref<10000x32xi32, #tpu.memory_space<hbm>> -> memref<312x32xi32, #tpu.memory_space<hbm>>
      %dma_start3A_633 = arith.constant 0 : i32
      %dma_start3A_634 = arith.constant 0 : i32
      %dma_start3A_635 = tpu.memref_slice %arg8[%dma_start3A_633, %dma_start3A_634] : memref<313x32xi32, #tpu.memory_space<vmem>> -> memref<312x32xi32, #tpu.memory_space<vmem>>
      %dma_start3A_636 = arith.constant 0 : i32
      %dma_start3A_637 = arith.constant 0 : i32
      %dma_start3A_638 = tpu.memref_slice %arg3[%run_scoped3A_9, %dma_start3A_636, %dma_start3A_637] : memref<2x10000x32xi32, #tpu.memory_space<hbm>> -> memref<1x10000x32xi32, #tpu.memory_space<hbm>>
      %dma_start3A_639 = tpu.memref_squeeze %dma_start3A_638 : memref<1x10000x32xi32, #tpu.memory_space<hbm>> -> memref<10000x32xi32, #tpu.memory_space<hbm>>
      %dma_start3A_640 = arith.constant 0 : i32
      %dma_start3A_641 = tpu.memref_slice %dma_start3A_639[%mul3A_8, %dma_start3A_640] : memref<10000x32xi32, #tpu.memory_space<hbm>> -> memref<312x32xi32, #tpu.memory_space<hbm>>
      tpu.enqueue_dma source(%dma_start3A_641 : memref<312x32xi32, #tpu.memory_space<hbm>>) target(%dma_start3A_635 : memref<312x32xi32, #tpu.memory_space<vmem>>) target_semaphore(%run_scoped3A_623 : memref<!tpu.dma_semaphore, #tpu.memory_space<semaphore_mem>>)
      %dma_wait3A_642 = arith.constant 0 : i32
      %dma_wait3A_643 = arith.constant 0 : i32
      %dma_wait3A_644 = tpu.memref_slice %arg8[%dma_wait3A_642, %dma_wait3A_643] : memref<313x32xi32, #tpu.memory_space<vmem>> -> memref<312x32xi32, #tpu.memory_space<vmem>>
      %dma_wait3A_645 = arith.constant 0 : i32
      %dma_wait3A_646 = arith.constant 0 : i32
      %dma_wait3A_647 = tpu.memref_slice %arg3[%run_scoped3A_9, %dma_wait3A_645, %dma_wait3A_646] : memref<2x10000x32xi32, #tpu.memory_space<hbm>> -> memref<1x10000x32xi32, #tpu.memory_space<hbm>>
      %dma_wait3A_648 = tpu.memref_squeeze %dma_wait3A_647 : memref<1x10000x32xi32, #tpu.memory_space<hbm>> -> memref<10000x32xi32, #tpu.memory_space<hbm>>
      %dma_wait3A_649 = arith.constant 0 : i32
      %dma_wait3A_650 = tpu.memref_slice %dma_wait3A_648[%mul3A_8, %dma_wait3A_649] : memref<10000x32xi32, #tpu.memory_space<hbm>> -> memref<312x32xi32, #tpu.memory_space<hbm>>
      %dma_wait3A_651 = arith.constant 0 : i32
      %dma_wait3A_652 = arith.constant 0 : i32
      %dma_wait3A_653 = tpu.memref_slice %arg8[%dma_wait3A_651, %dma_wait3A_652] : memref<313x32xi32, #tpu.memory_space<vmem>> -> memref<312x32xi32, #tpu.memory_space<vmem>>
      %dma_wait3A_654 = arith.constant 0 : i32
      %dma_wait3A_655 = arith.constant 0 : i32
      %dma_wait3A_656 = tpu.memref_slice %arg3[%run_scoped3A_9, %dma_wait3A_654, %dma_wait3A_655] : memref<2x10000x32xi32, #tpu.memory_space<hbm>> -> memref<1x10000x32xi32, #tpu.memory_space<hbm>>
      %dma_wait3A_657 = tpu.memref_squeeze %dma_wait3A_656 : memref<1x10000x32xi32, #tpu.memory_space<hbm>> -> memref<10000x32xi32, #tpu.memory_space<hbm>>
      %dma_wait3A_658 = arith.constant 0 : i32
      %dma_wait3A_659 = tpu.memref_slice %dma_wait3A_657[%mul3A_8, %dma_wait3A_658] : memref<10000x32xi32, #tpu.memory_space<hbm>> -> memref<312x32xi32, #tpu.memory_space<hbm>>
      tpu.wait_dma2 semaphore(%run_scoped3A_623 : memref<!tpu.dma_semaphore, #tpu.memory_space<semaphore_mem>>) src(%dma_wait3A_659 : memref<312x32xi32, #tpu.memory_space<hbm>>) dst(%dma_wait3A_653 : memref<312x32xi32, #tpu.memory_space<vmem>>)
      tpu.yield
    }) : () -> ()
    %lt3A = arith.constant 16 : i32
    %lt3A_10 = arith.cmpi slt, %add3A, %lt3A : i32
    %convert_element_type3A = arith.extui %lt3A_10 : i1 to i32
    %cond3A = arith.constant 0 : i32
    %cond3A_11 = arith.cmpi ne, %convert_element_type3A, %cond3A : i32
    scf.if %cond3A_11 {
      %add3A_623 = arith.constant 9984 : i32
      %add3A_624 = arith.addi %add3A_623, %add3A : i32
      %run_scoped3A_625 = arith.constant 0 : i32
      "tpu.region"() ({
        %run_scoped3A_627 = tpu.sem_alloc : memref<!tpu.dma_semaphore, #tpu.memory_space<semaphore_mem>>
        %dma_start3A_628 = arith.constant 312 : i32
        %dma_start3A_629 = arith.constant 0 : i32
        %dma_start3A_630 = tpu.memref_slice %arg7[%dma_start3A_628, %dma_start3A_629] : memref<313x32xi32, #tpu.memory_space<vmem>> -> memref<1x32xi32, #tpu.memory_space<vmem>>
        %dma_start3A_631 = arith.constant 0 : i32
        %dma_start3A_632 = arith.constant 0 : i32
        %dma_start3A_633 = tpu.memref_slice %arg3[%run_scoped3A_625, %dma_start3A_631, %dma_start3A_632] : memref<2x10000x32xi32, #tpu.memory_space<hbm>> -> memref<1x10000x32xi32, #tpu.memory_space<hbm>>
        %dma_start3A_634 = tpu.memref_squeeze %dma_start3A_633 : memref<1x10000x32xi32, #tpu.memory_space<hbm>> -> memref<10000x32xi32, #tpu.memory_space<hbm>>
        %dma_start3A_635 = arith.constant 0 : i32
        %dma_start3A_636 = tpu.memref_slice %dma_start3A_634[%add3A_624, %dma_start3A_635] : memref<10000x32xi32, #tpu.memory_space<hbm>> -> memref<1x32xi32, #tpu.memory_space<hbm>>
        %dma_start3A_637 = arith.constant 312 : i32
        %dma_start3A_638 = arith.constant 0 : i32
        %dma_start3A_639 = tpu.memref_slice %arg7[%dma_start3A_637, %dma_start3A_638] : memref<313x32xi32, #tpu.memory_space<vmem>> -> memref<1x32xi32, #tpu.memory_space<vmem>>
        %dma_start3A_640 = arith.constant 0 : i32
        %dma_start3A_641 = arith.constant 0 : i32
        %dma_start3A_642 = tpu.memref_slice %arg3[%run_scoped3A_625, %dma_start3A_640, %dma_start3A_641] : memref<2x10000x32xi32, #tpu.memory_space<hbm>> -> memref<1x10000x32xi32, #tpu.memory_space<hbm>>
        %dma_start3A_643 = tpu.memref_squeeze %dma_start3A_642 : memref<1x10000x32xi32, #tpu.memory_space<hbm>> -> memref<10000x32xi32, #tpu.memory_space<hbm>>
        %dma_start3A_644 = arith.constant 0 : i32
        %dma_start3A_645 = tpu.memref_slice %dma_start3A_643[%add3A_624, %dma_start3A_644] : memref<10000x32xi32, #tpu.memory_space<hbm>> -> memref<1x32xi32, #tpu.memory_space<hbm>>
        tpu.enqueue_dma source(%dma_start3A_645 : memref<1x32xi32, #tpu.memory_space<hbm>>) target(%dma_start3A_639 : memref<1x32xi32, #tpu.memory_space<vmem>>) target_semaphore(%run_scoped3A_627 : memref<!tpu.dma_semaphore, #tpu.memory_space<semaphore_mem>>)
        %dma_wait3A_646 = arith.constant 312 : i32
        %dma_wait3A_647 = arith.constant 0 : i32
        %dma_wait3A_648 = tpu.memref_slice %arg7[%dma_wait3A_646, %dma_wait3A_647] : memref<313x32xi32, #tpu.memory_space<vmem>> -> memref<1x32xi32, #tpu.memory_space<vmem>>
        %dma_wait3A_649 = arith.constant 0 : i32
        %dma_wait3A_650 = arith.constant 0 : i32
        %dma_wait3A_651 = tpu.memref_slice %arg3[%run_scoped3A_625, %dma_wait3A_649, %dma_wait3A_650] : memref<2x10000x32xi32, #tpu.memory_space<hbm>> -> memref<1x10000x32xi32, #tpu.memory_space<hbm>>
        %dma_wait3A_652 = tpu.memref_squeeze %dma_wait3A_651 : memref<1x10000x32xi32, #tpu.memory_space<hbm>> -> memref<10000x32xi32, #tpu.memory_space<hbm>>
        %dma_wait3A_653 = arith.constant 0 : i32
        %dma_wait3A_654 = tpu.memref_slice %dma_wait3A_652[%add3A_624, %dma_wait3A_653] : memref<10000x32xi32, #tpu.memory_space<hbm>> -> memref<1x32xi32, #tpu.memory_space<hbm>>
        %dma_wait3A_655 = arith.constant 312 : i32
        %dma_wait3A_656 = arith.constant 0 : i32
        %dma_wait3A_657 = tpu.memref_slice %arg7[%dma_wait3A_655, %dma_wait3A_656] : memref<313x32xi32, #tpu.memory_space<vmem>> -> memref<1x32xi32, #tpu.memory_space<vmem>>
        %dma_wait3A_658 = arith.constant 0 : i32
        %dma_wait3A_659 = arith.constant 0 : i32
        %dma_wait3A_660 = tpu.memref_slice %arg3[%run_scoped3A_625, %dma_wait3A_658, %dma_wait3A_659] : memref<2x10000x32xi32, #tpu.memory_space<hbm>> -> memref<1x10000x32xi32, #tpu.memory_space<hbm>>
        %dma_wait3A_661 = tpu.memref_squeeze %dma_wait3A_660 : memref<1x10000x32xi32, #tpu.memory_space<hbm>> -> memref<10000x32xi32, #tpu.memory_space<hbm>>
        %dma_wait3A_662 = arith.constant 0 : i32
        %dma_wait3A_663 = tpu.memref_slice %dma_wait3A_661[%add3A_624, %dma_wait3A_662] : memref<10000x32xi32, #tpu.memory_space<hbm>> -> memref<1x32xi32, #tpu.memory_space<hbm>>
        tpu.wait_dma2 semaphore(%run_scoped3A_627 : memref<!tpu.dma_semaphore, #tpu.memory_space<semaphore_mem>>) src(%dma_wait3A_663 : memref<1x32xi32, #tpu.memory_space<hbm>>) dst(%dma_wait3A_657 : memref<1x32xi32, #tpu.memory_space<vmem>>)
        tpu.yield
      }) : () -> ()
      %run_scoped3A_626 = arith.constant 1 : i32
      "tpu.region"() ({
        %run_scoped3A_627 = tpu.sem_alloc : memref<!tpu.dma_semaphore, #tpu.memory_space<semaphore_mem>>
        %dma_start3A_628 = arith.constant 312 : i32
        %dma_start3A_629 = arith.constant 0 : i32
        %dma_start3A_630 = tpu.memref_slice %arg8[%dma_start3A_628, %dma_start3A_629] : memref<313x32xi32, #tpu.memory_space<vmem>> -> memref<1x32xi32, #tpu.memory_space<vmem>>
        %dma_start3A_631 = arith.constant 0 : i32
        %dma_start3A_632 = arith.constant 0 : i32
        %dma_start3A_633 = tpu.memref_slice %arg3[%run_scoped3A_626, %dma_start3A_631, %dma_start3A_632] : memref<2x10000x32xi32, #tpu.memory_space<hbm>> -> memref<1x10000x32xi32, #tpu.memory_space<hbm>>
        %dma_start3A_634 = tpu.memref_squeeze %dma_start3A_633 : memref<1x10000x32xi32, #tpu.memory_space<hbm>> -> memref<10000x32xi32, #tpu.memory_space<hbm>>
        %dma_start3A_635 = arith.constant 0 : i32
        %dma_start3A_636 = tpu.memref_slice %dma_start3A_634[%add3A_624, %dma_start3A_635] : memref<10000x32xi32, #tpu.memory_space<hbm>> -> memref<1x32xi32, #tpu.memory_space<hbm>>
        %dma_start3A_637 = arith.constant 312 : i32
        %dma_start3A_638 = arith.constant 0 : i32
        %dma_start3A_639 = tpu.memref_slice %arg8[%dma_start3A_637, %dma_start3A_638] : memref<313x32xi32, #tpu.memory_space<vmem>> -> memref<1x32xi32, #tpu.memory_space<vmem>>
        %dma_start3A_640 = arith.constant 0 : i32
        %dma_start3A_641 = arith.constant 0 : i32
        %dma_start3A_642 = tpu.memref_slice %arg3[%run_scoped3A_626, %dma_start3A_640, %dma_start3A_641] : memref<2x10000x32xi32, #tpu.memory_space<hbm>> -> memref<1x10000x32xi32, #tpu.memory_space<hbm>>
        %dma_start3A_643 = tpu.memref_squeeze %dma_start3A_642 : memref<1x10000x32xi32, #tpu.memory_space<hbm>> -> memref<10000x32xi32, #tpu.memory_space<hbm>>
        %dma_start3A_644 = arith.constant 0 : i32
        %dma_start3A_645 = tpu.memref_slice %dma_start3A_643[%add3A_624, %dma_start3A_644] : memref<10000x32xi32, #tpu.memory_space<hbm>> -> memref<1x32xi32, #tpu.memory_space<hbm>>
        tpu.enqueue_dma source(%dma_start3A_645 : memref<1x32xi32, #tpu.memory_space<hbm>>) target(%dma_start3A_639 : memref<1x32xi32, #tpu.memory_space<vmem>>) target_semaphore(%run_scoped3A_627 : memref<!tpu.dma_semaphore, #tpu.memory_space<semaphore_mem>>)
        %dma_wait3A_646 = arith.constant 312 : i32
        %dma_wait3A_647 = arith.constant 0 : i32
        %dma_wait3A_648 = tpu.memref_slice %arg8[%dma_wait3A_646, %dma_wait3A_647] : memref<313x32xi32, #tpu.memory_space<vmem>> -> memref<1x32xi32, #tpu.memory_space<vmem>>
        %dma_wait3A_649 = arith.constant 0 : i32
        %dma_wait3A_650 = arith.constant 0 : i32
        %dma_wait3A_651 = tpu.memref_slice %arg3[%run_scoped3A_626, %dma_wait3A_649, %dma_wait3A_650] : memref<2x10000x32xi32, #tpu.memory_space<hbm>> -> memref<1x10000x32xi32, #tpu.memory_space<hbm>>
        %dma_wait3A_652 = tpu.memref_squeeze %dma_wait3A_651 : memref<1x10000x32xi32, #tpu.memory_space<hbm>> -> memref<10000x32xi32, #tpu.memory_space<hbm>>
        %dma_wait3A_653 = arith.constant 0 : i32
        %dma_wait3A_654 = tpu.memref_slice %dma_wait3A_652[%add3A_624, %dma_wait3A_653] : memref<10000x32xi32, #tpu.memory_space<hbm>> -> memref<1x32xi32, #tpu.memory_space<hbm>>
        %dma_wait3A_655 = arith.constant 312 : i32
        %dma_wait3A_656 = arith.constant 0 : i32
        %dma_wait3A_657 = tpu.memref_slice %arg8[%dma_wait3A_655, %dma_wait3A_656] : memref<313x32xi32, #tpu.memory_space<vmem>> -> memref<1x32xi32, #tpu.memory_space<vmem>>
        %dma_wait3A_658 = arith.constant 0 : i32
        %dma_wait3A_659 = arith.constant 0 : i32
        %dma_wait3A_660 = tpu.memref_slice %arg3[%run_scoped3A_626, %dma_wait3A_658, %dma_wait3A_659] : memref<2x10000x32xi32, #tpu.memory_space<hbm>> -> memref<1x10000x32xi32, #tpu.memory_space<hbm>>
        %dma_wait3A_661 = tpu.memref_squeeze %dma_wait3A_660 : memref<1x10000x32xi32, #tpu.memory_space<hbm>> -> memref<10000x32xi32, #tpu.memory_space<hbm>>
        %dma_wait3A_662 = arith.constant 0 : i32
        %dma_wait3A_663 = tpu.memref_slice %dma_wait3A_661[%add3A_624, %dma_wait3A_662] : memref<10000x32xi32, #tpu.memory_space<hbm>> -> memref<1x32xi32, #tpu.memory_space<hbm>>
        tpu.wait_dma2 semaphore(%run_scoped3A_627 : memref<!tpu.dma_semaphore, #tpu.memory_space<semaphore_mem>>) src(%dma_wait3A_663 : memref<1x32xi32, #tpu.memory_space<hbm>>) dst(%dma_wait3A_657 : memref<1x32xi32, #tpu.memory_space<vmem>>)
        tpu.yield
      }) : () -> ()
    } else {
    }
    %lt3A_12 = arith.constant 16 : i32
    %lt3A_13 = arith.cmpi slt, %add3A, %lt3A_12 : i32
    %jit3A = arith.constant 1 : i32
    %jit3A_14 = arith.constant 0 : i32
    %select_n3A = arith.select %lt3A_13, %jit3A, %jit3A_14 : i32
    %add3A_15 = arith.constant 312 : i32
    %add3A_16 = arith.addi %add3A_15, %select_n3A : i32
    %broadcast_in_dim3A = arith.constant 0.000000e+00 : f32
    %broadcast_in_dim3A_17 = vector.broadcast %broadcast_in_dim3A : f32 to vector<16xf32>
    %scan3A = arith.constant 0 : i32
    %scan3A_18 = arith.constant 0 : i32
    %scan3A_19 = arith.constant 640 : i32
    %scan3A_20 = arith.addi %scan3A_18, %scan3A_19 : i32
    %scan3A_21 = arith.constant 1 : i32
    scf.for %scan3A_623 = %scan3A_18 to %scan3A_20 step %scan3A_21  : i32 {
      %mul3A_624 = arith.constant 16 : i32
      %mul3A_625 = arith.muli %scan3A_623, %mul3A_624 : i32
      %swap3A = arith.index_cast %mul3A_625 : i32 to index
      %swap3A_626 = tpu.vector_load %arg14[%swap3A] {strides = array<i32>} : memref<10240xf32, #tpu.memory_space<vmem>>, vector<16xf32>,
      tpu.vector_store %arg14[%swap3A], %broadcast_in_dim3A_17 {strides = array<i32>} : memref<10240xf32, #tpu.memory_space<vmem>>, vector<16xf32>,
    }
    %scan3A_22 = arith.constant 640 : i32
    %barrier3A = arith.constant 0 : index
    tpu.barrier barrier_id(%barrier3A)
    %rem3A = arith.constant 0 : i32
    %rem3A_23 = arith.constant 8 : i32
    %rem3A_24 = arith.remsi %rem3A, %rem3A_23 : i32
    %mul3A_25 = arith.constant 32 : i32
    %mul3A_26 = arith.muli %rem3A_24, %mul3A_25 : i32
    %dma_start3A = arith.constant 0 : i32
    %dma_start3A_27 = arith.constant 0 : i32
    %dma_start3A_28 = tpu.memref_slice %arg9[%mul3A_26, %dma_start3A_27] : memref<256x64xf32, #tpu.memory_space<vmem>> -> memref<32x64xf32, #tpu.memory_space<vmem>>
    %dma_start3A_29 = arith.constant 0 : i32
    %dma_start3A_30 = tpu.memref_slice %arg7[%dma_start3A, %dma_start3A_29] : memref<313x32xi32, #tpu.memory_space<vmem>> -> memref<1x32xi32, #tpu.memory_space<vmem>>
    %dma_start3A_31 = tpu.memref_squeeze %dma_start3A_30 : memref<1x32xi32, #tpu.memory_space<vmem>> -> memref<32xi32, #tpu.memory_space<vmem>>
    %dma_start3A_32 = arith.constant 0 : i32
    %dma_start3A_33 = arith.constant 0 : i32
    %dma_start3A_34 = tpu.memref_slice %arg10[%dma_start3A_32, %dma_start3A_33] : memref<10000x64xf32, #tpu.memory_space<vmem_shared>> -> memref<10000x64xf32, #tpu.memory_space<vmem_shared>>
    tpu.enqueue_indirect_dma source(%dma_start3A_34 : memref<10000x64xf32, #tpu.memory_space<vmem_shared>>) target(%dma_start3A_28 : memref<32x64xf32, #tpu.memory_space<vmem>>) offsets(%dma_start3A_31 : memref<32xi32, #tpu.memory_space<vmem>>) semaphore(%arg12 : memref<!tpu.dma_semaphore, #tpu.memory_space<semaphore_mem>>)
    %rem3A_35 = arith.constant 1 : i32
    %rem3A_36 = arith.constant 8 : i32
    %rem3A_37 = arith.remsi %rem3A_35, %rem3A_36 : i32
    %mul3A_38 = arith.constant 32 : i32
    %mul3A_39 = arith.muli %rem3A_37, %mul3A_38 : i32
    %dma_start3A_40 = arith.constant 1 : i32
    %dma_start3A_41 = arith.constant 0 : i32
    %dma_start3A_42 = tpu.memref_slice %arg9[%mul3A_39, %dma_start3A_41] : memref<256x64xf32, #tpu.memory_space<vmem>> -> memref<32x64xf32, #tpu.memory_space<vmem>>
    %dma_start3A_43 = arith.constant 0 : i32
    %dma_start3A_44 = tpu.memref_slice %arg7[%dma_start3A_40, %dma_start3A_43] : memref<313x32xi32, #tpu.memory_space<vmem>> -> memref<1x32xi32, #tpu.memory_space<vmem>>
    %dma_start3A_45 = tpu.memref_squeeze %dma_start3A_44 : memref<1x32xi32, #tpu.memory_space<vmem>> -> memref<32xi32, #tpu.memory_space<vmem>>
    %dma_start3A_46 = arith.constant 0 : i32
    %dma_start3A_47 = arith.constant 0 : i32
    %dma_start3A_48 = tpu.memref_slice %arg10[%dma_start3A_46, %dma_start3A_47] : memref<10000x64xf32, #tpu.memory_space<vmem_shared>> -> memref<10000x64xf32, #tpu.memory_space<vmem_shared>>
    tpu.enqueue_indirect_dma source(%dma_start3A_48 : memref<10000x64xf32, #tpu.memory_space<vmem_shared>>) target(%dma_start3A_42 : memref<32x64xf32, #tpu.memory_space<vmem>>) offsets(%dma_start3A_45 : memref<32xi32, #tpu.memory_space<vmem>>) semaphore(%arg12 : memref<!tpu.dma_semaphore, #tpu.memory_space<semaphore_mem>>)
    %rem3A_49 = arith.constant 2 : i32
    %rem3A_50 = arith.constant 8 : i32
    %rem3A_51 = arith.remsi %rem3A_49, %rem3A_50 : i32
    %mul3A_52 = arith.constant 32 : i32
    %mul3A_53 = arith.muli %rem3A_51, %mul3A_52 : i32
    %dma_start3A_54 = arith.constant 2 : i32
    %dma_start3A_55 = arith.constant 0 : i32
    %dma_start3A_56 = tpu.memref_slice %arg9[%mul3A_53, %dma_start3A_55] : memref<256x64xf32, #tpu.memory_space<vmem>> -> memref<32x64xf32, #tpu.memory_space<vmem>>
    %dma_start3A_57 = arith.constant 0 : i32
    %dma_start3A_58 = tpu.memref_slice %arg7[%dma_start3A_54, %dma_start3A_57] : memref<313x32xi32, #tpu.memory_space<vmem>> -> memref<1x32xi32, #tpu.memory_space<vmem>>
    %dma_start3A_59 = tpu.memref_squeeze %dma_start3A_58 : memref<1x32xi32, #tpu.memory_space<vmem>> -> memref<32xi32, #tpu.memory_space<vmem>>
    %dma_start3A_60 = arith.constant 0 : i32
    %dma_start3A_61 = arith.constant 0 : i32
    %dma_start3A_62 = tpu.memref_slice %arg10[%dma_start3A_60, %dma_start3A_61] : memref<10000x64xf32, #tpu.memory_space<vmem_shared>> -> memref<10000x64xf32, #tpu.memory_space<vmem_shared>>
    tpu.enqueue_indirect_dma source(%dma_start3A_62 : memref<10000x64xf32, #tpu.memory_space<vmem_shared>>) target(%dma_start3A_56 : memref<32x64xf32, #tpu.memory_space<vmem>>) offsets(%dma_start3A_59 : memref<32xi32, #tpu.memory_space<vmem>>) semaphore(%arg12 : memref<!tpu.dma_semaphore, #tpu.memory_space<semaphore_mem>>)
    %rem3A_63 = arith.constant 3 : i32
    %rem3A_64 = arith.constant 8 : i32
    %rem3A_65 = arith.remsi %rem3A_63, %rem3A_64 : i32
    %mul3A_66 = arith.constant 32 : i32
    %mul3A_67 = arith.muli %rem3A_65, %mul3A_66 : i32
    %dma_start3A_68 = arith.constant 3 : i32
    %dma_start3A_69 = arith.constant 0 : i32
    %dma_start3A_70 = tpu.memref_slice %arg9[%mul3A_67, %dma_start3A_69] : memref<256x64xf32, #tpu.memory_space<vmem>> -> memref<32x64xf32, #tpu.memory_space<vmem>>
    %dma_start3A_71 = arith.constant 0 : i32
    %dma_start3A_72 = tpu.memref_slice %arg7[%dma_start3A_68, %dma_start3A_71] : memref<313x32xi32, #tpu.memory_space<vmem>> -> memref<1x32xi32, #tpu.memory_space<vmem>>
    %dma_start3A_73 = tpu.memref_squeeze %dma_start3A_72 : memref<1x32xi32, #tpu.memory_space<vmem>> -> memref<32xi32, #tpu.memory_space<vmem>>
    %dma_start3A_74 = arith.constant 0 : i32
    %dma_start3A_75 = arith.constant 0 : i32
    %dma_start3A_76 = tpu.memref_slice %arg10[%dma_start3A_74, %dma_start3A_75] : memref<10000x64xf32, #tpu.memory_space<vmem_shared>> -> memref<10000x64xf32, #tpu.memory_space<vmem_shared>>
    tpu.enqueue_indirect_dma source(%dma_start3A_76 : memref<10000x64xf32, #tpu.memory_space<vmem_shared>>) target(%dma_start3A_70 : memref<32x64xf32, #tpu.memory_space<vmem>>) offsets(%dma_start3A_73 : memref<32xi32, #tpu.memory_space<vmem>>) semaphore(%arg12 : memref<!tpu.dma_semaphore, #tpu.memory_space<semaphore_mem>>)
    %rem3A_77 = arith.constant 0 : i32
    %rem3A_78 = arith.constant 8 : i32
    %rem3A_79 = arith.remsi %rem3A_77, %rem3A_78 : i32
    %mul3A_80 = arith.constant 32 : i32
    %mul3A_81 = arith.muli %rem3A_79, %mul3A_80 : i32
    %dma_wait3A = arith.constant 0 : i32
    %dma_wait3A_82 = arith.constant 0 : i32
    %dma_wait3A_83 = tpu.memref_slice %arg9[%mul3A_81, %dma_wait3A_82] : memref<256x64xf32, #tpu.memory_space<vmem>> -> memref<32x64xf32, #tpu.memory_space<vmem>>
    %dma_wait3A_84 = arith.constant 0 : i32
    %dma_wait3A_85 = tpu.memref_slice %arg7[%dma_wait3A, %dma_wait3A_84] : memref<313x32xi32, #tpu.memory_space<vmem>> -> memref<1x32xi32, #tpu.memory_space<vmem>>
    %dma_wait3A_86 = tpu.memref_squeeze %dma_wait3A_85 : memref<1x32xi32, #tpu.memory_space<vmem>> -> memref<32xi32, #tpu.memory_space<vmem>>
    %dma_wait3A_87 = arith.constant 0 : i32
    %dma_wait3A_88 = arith.constant 0 : i32
    %dma_wait3A_89 = tpu.memref_slice %arg10[%dma_wait3A_87, %dma_wait3A_88] : memref<10000x64xf32, #tpu.memory_space<vmem_shared>> -> memref<10000x64xf32, #tpu.memory_space<vmem_shared>>
    tpu.wait_indirect_dma semaphore(%arg12 : memref<!tpu.dma_semaphore, #tpu.memory_space<semaphore_mem>>) src(%dma_wait3A_89 : memref<10000x64xf32, #tpu.memory_space<vmem_shared>>) dst(%dma_wait3A_83 : memref<32x64xf32, #tpu.memory_space<vmem>>)
    %rem3A_90 = arith.constant 0 : i32
    %rem3A_91 = arith.constant 8 : i32
    %rem3A_92 = arith.remsi %rem3A_90, %rem3A_91 : i32
    %mul3A_93 = arith.constant 32 : i32
    %mul3A_94 = arith.muli %rem3A_92, %mul3A_93 : i32
    %dma_start3A_95 = arith.constant 0 : i32
    %dma_start3A_96 = arith.constant 0 : i32
    %dma_start3A_97 = tpu.memref_slice %arg9[%mul3A_94, %dma_start3A_96] : memref<256x64xf32, #tpu.memory_space<vmem>> -> memref<32x64xf32, #tpu.memory_space<vmem>>
    %dma_start3A_98 = arith.constant 0 : i32
    %dma_start3A_99 = tpu.memref_slice %arg8[%dma_start3A_95, %dma_start3A_98] : memref<313x32xi32, #tpu.memory_space<vmem>> -> memref<1x32xi32, #tpu.memory_space<vmem>>
    %dma_start3A_100 = tpu.memref_squeeze %dma_start3A_99 : memref<1x32xi32, #tpu.memory_space<vmem>> -> memref<32xi32, #tpu.memory_space<vmem>>
    %dma_start3A_101 = arith.constant 0 : i32
    %dma_start3A_102 = arith.constant 0 : i32
    %dma_start3A_103 = tpu.memref_slice %arg11[%dma_start3A_101, %dma_start3A_102] : memref<10240x64xf32, #tpu.memory_space<vmem_shared>> -> memref<10240x64xf32, #tpu.memory_space<vmem_shared>>
    tpu.enqueue_indirect_dma source(%dma_start3A_97 : memref<32x64xf32, #tpu.memory_space<vmem>>) target(%dma_start3A_103 : memref<10240x64xf32, #tpu.memory_space<vmem_shared>>) offsets(%dma_start3A_100 : memref<32xi32, #tpu.memory_space<vmem>>) semaphore(%arg13 : memref<!tpu.dma_semaphore, #tpu.memory_space<semaphore_mem>>) {add = true}
    %get3A = arith.constant 0 : i32
    %get3A_104 = arith.index_cast %get3A : i32 to index
    %get3A_105 = arith.constant 0 : index
    %get3A_106 = tpu.vector_load %arg8[%get3A_104, %get3A_105] {strides = array<i32>} : memref<313x32xi32, #tpu.memory_space<vmem>>, vector<16xi32>,
    %broadcast_in_dim3A_107 = arith.constant true
    %broadcast_in_dim3A_108 = vector.broadcast %broadcast_in_dim3A_107 : i1 to vector<16xi1>
    %unique3A, %unique3A_109 = tpu.scan_count mask(%broadcast_in_dim3A_108 : vector<16xi1>) value(%get3A_106 : vector<16xi32>) : vector<16xi1>, vector<16xi32>
    %convert_element_type3A_110 = arith.sitofp %unique3A_109 : vector<16xi32> to vector<16xf32>
    tpu.vector_store_idx %arg14[%get3A_106], %convert_element_type3A_110 masked %unique3A {add = true} : memref<10240xf32, #tpu.memory_space<vmem>>[vector<16xi32>], vector<16xf32>, vector<16xi1>
    %get3A_111 = arith.constant 0 : i32
    %get3A_112 = arith.index_cast %get3A_111 : i32 to index
    %get3A_113 = arith.constant 16 : index
    %get3A_114 = tpu.vector_load %arg8[%get3A_112, %get3A_113] {strides = array<i32>} : memref<313x32xi32, #tpu.memory_space<vmem>>, vector<16xi32>,
    %broadcast_in_dim3A_115 = arith.constant true
    %broadcast_in_dim3A_116 = vector.broadcast %broadcast_in_dim3A_115 : i1 to vector<16xi1>
    %unique3A_117, %unique3A_118 = tpu.scan_count mask(%broadcast_in_dim3A_116 : vector<16xi1>) value(%get3A_114 : vector<16xi32>) : vector<16xi1>, vector<16xi32>
    %convert_element_type3A_119 = arith.sitofp %unique3A_118 : vector<16xi32> to vector<16xf32>
    tpu.vector_store_idx %arg14[%get3A_114], %convert_element_type3A_119 masked %unique3A_117 {add = true} : memref<10240xf32, #tpu.memory_space<vmem>>[vector<16xi32>], vector<16xf32>, vector<16xi1>
    %rem3A_120 = arith.constant 4 : i32
    %rem3A_121 = arith.constant 8 : i32
    %rem3A_122 = arith.remsi %rem3A_120, %rem3A_121 : i32
    %mul3A_123 = arith.constant 32 : i32
    %mul3A_124 = arith.muli %rem3A_122, %mul3A_123 : i32
    %dma_start3A_125 = arith.constant 4 : i32
    %dma_start3A_126 = arith.constant 0 : i32
    %dma_start3A_127 = tpu.memref_slice %arg9[%mul3A_124, %dma_start3A_126] : memref<256x64xf32, #tpu.memory_space<vmem>> -> memref<32x64xf32, #tpu.memory_space<vmem>>
    %dma_start3A_128 = arith.constant 0 : i32
    %dma_start3A_129 = tpu.memref_slice %arg7[%dma_start3A_125, %dma_start3A_128] : memref<313x32xi32, #tpu.memory_space<vmem>> -> memref<1x32xi32, #tpu.memory_space<vmem>>
    %dma_start3A_130 = tpu.memref_squeeze %dma_start3A_129 : memref<1x32xi32, #tpu.memory_space<vmem>> -> memref<32xi32, #tpu.memory_space<vmem>>
    %dma_start3A_131 = arith.constant 0 : i32
    %dma_start3A_132 = arith.constant 0 : i32
    %dma_start3A_133 = tpu.memref_slice %arg10[%dma_start3A_131, %dma_start3A_132] : memref<10000x64xf32, #tpu.memory_space<vmem_shared>> -> memref<10000x64xf32, #tpu.memory_space<vmem_shared>>
    tpu.enqueue_indirect_dma source(%dma_start3A_133 : memref<10000x64xf32, #tpu.memory_space<vmem_shared>>) target(%dma_start3A_127 : memref<32x64xf32, #tpu.memory_space<vmem>>) offsets(%dma_start3A_130 : memref<32xi32, #tpu.memory_space<vmem>>) semaphore(%arg12 : memref<!tpu.dma_semaphore, #tpu.memory_space<semaphore_mem>>)
    %rem3A_134 = arith.constant 1 : i32
    %rem3A_135 = arith.constant 8 : i32
    %rem3A_136 = arith.remsi %rem3A_134, %rem3A_135 : i32
    %mul3A_137 = arith.constant 32 : i32
    %mul3A_138 = arith.muli %rem3A_136, %mul3A_137 : i32
    %dma_wait3A_139 = arith.constant 0 : i32
    %dma_wait3A_140 = arith.constant 0 : i32
    %dma_wait3A_141 = tpu.memref_slice %arg9[%mul3A_138, %dma_wait3A_140] : memref<256x64xf32, #tpu.memory_space<vmem>> -> memref<32x64xf32, #tpu.memory_space<vmem>>
    %dma_wait3A_142 = arith.constant 0 : i32
    %dma_wait3A_143 = tpu.memref_slice %arg7[%dma_wait3A_139, %dma_wait3A_142] : memref<313x32xi32, #tpu.memory_space<vmem>> -> memref<1x32xi32, #tpu.memory_space<vmem>>
    %dma_wait3A_144 = tpu.memref_squeeze %dma_wait3A_143 : memref<1x32xi32, #tpu.memory_space<vmem>> -> memref<32xi32, #tpu.memory_space<vmem>>
    %dma_wait3A_145 = arith.constant 0 : i32
    %dma_wait3A_146 = arith.constant 0 : i32
    %dma_wait3A_147 = tpu.memref_slice %arg10[%dma_wait3A_145, %dma_wait3A_146] : memref<10000x64xf32, #tpu.memory_space<vmem_shared>> -> memref<10000x64xf32, #tpu.memory_space<vmem_shared>>
    tpu.wait_indirect_dma semaphore(%arg12 : memref<!tpu.dma_semaphore, #tpu.memory_space<semaphore_mem>>) src(%dma_wait3A_147 : memref<10000x64xf32, #tpu.memory_space<vmem_shared>>) dst(%dma_wait3A_141 : memref<32x64xf32, #tpu.memory_space<vmem>>)
    %rem3A_148 = arith.constant 1 : i32
    %rem3A_149 = arith.constant 8 : i32
    %rem3A_150 = arith.remsi %rem3A_148, %rem3A_149 : i32
    %mul3A_151 = arith.constant 32 : i32
    %mul3A_152 = arith.muli %rem3A_150, %mul3A_151 : i32
    %dma_start3A_153 = arith.constant 1 : i32
    %dma_start3A_154 = arith.constant 0 : i32
    %dma_start3A_155 = tpu.memref_slice %arg9[%mul3A_152, %dma_start3A_154] : memref<256x64xf32, #tpu.memory_space<vmem>> -> memref<32x64xf32, #tpu.memory_space<vmem>>
    %dma_start3A_156 = arith.constant 0 : i32
    %dma_start3A_157 = tpu.memref_slice %arg8[%dma_start3A_153, %dma_start3A_156] : memref<313x32xi32, #tpu.memory_space<vmem>> -> memref<1x32xi32, #tpu.memory_space<vmem>>
    %dma_start3A_158 = tpu.memref_squeeze %dma_start3A_157 : memref<1x32xi32, #tpu.memory_space<vmem>> -> memref<32xi32, #tpu.memory_space<vmem>>
    %dma_start3A_159 = arith.constant 0 : i32
    %dma_start3A_160 = arith.constant 0 : i32
    %dma_start3A_161 = tpu.memref_slice %arg11[%dma_start3A_159, %dma_start3A_160] : memref<10240x64xf32, #tpu.memory_space<vmem_shared>> -> memref<10240x64xf32, #tpu.memory_space<vmem_shared>>
    tpu.enqueue_indirect_dma source(%dma_start3A_155 : memref<32x64xf32, #tpu.memory_space<vmem>>) target(%dma_start3A_161 : memref<10240x64xf32, #tpu.memory_space<vmem_shared>>) offsets(%dma_start3A_158 : memref<32xi32, #tpu.memory_space<vmem>>) semaphore(%arg13 : memref<!tpu.dma_semaphore, #tpu.memory_space<semaphore_mem>>) {add = true}
    %get3A_162 = arith.constant 1 : i32
    %get3A_163 = arith.index_cast %get3A_162 : i32 to index
    %get3A_164 = arith.constant 0 : index
    %get3A_165 = tpu.vector_load %arg8[%get3A_163, %get3A_164] {strides = array<i32>} : memref<313x32xi32, #tpu.memory_space<vmem>>, vector<16xi32>,
    %broadcast_in_dim3A_166 = arith.constant true
    %broadcast_in_dim3A_167 = vector.broadcast %broadcast_in_dim3A_166 : i1 to vector<16xi1>
    %unique3A_168, %unique3A_169 = tpu.scan_count mask(%broadcast_in_dim3A_167 : vector<16xi1>) value(%get3A_165 : vector<16xi32>) : vector<16xi1>, vector<16xi32>
    %convert_element_type3A_170 = arith.sitofp %unique3A_169 : vector<16xi32> to vector<16xf32>
    tpu.vector_store_idx %arg14[%get3A_165], %convert_element_type3A_170 masked %unique3A_168 {add = true} : memref<10240xf32, #tpu.memory_space<vmem>>[vector<16xi32>], vector<16xf32>, vector<16xi1>
    %get3A_171 = arith.constant 1 : i32
    %get3A_172 = arith.index_cast %get3A_171 : i32 to index
    %get3A_173 = arith.constant 16 : index
    %get3A_174 = tpu.vector_load %arg8[%get3A_172, %get3A_173] {strides = array<i32>} : memref<313x32xi32, #tpu.memory_space<vmem>>, vector<16xi32>,
    %broadcast_in_dim3A_175 = arith.constant true
    %broadcast_in_dim3A_176 = vector.broadcast %broadcast_in_dim3A_175 : i1 to vector<16xi1>
    %unique3A_177, %unique3A_178 = tpu.scan_count mask(%broadcast_in_dim3A_176 : vector<16xi1>) value(%get3A_174 : vector<16xi32>) : vector<16xi1>, vector<16xi32>
    %convert_element_type3A_179 = arith.sitofp %unique3A_178 : vector<16xi32> to vector<16xf32>
    tpu.vector_store_idx %arg14[%get3A_174], %convert_element_type3A_179 masked %unique3A_177 {add = true} : memref<10240xf32, #tpu.memory_space<vmem>>[vector<16xi32>], vector<16xf32>, vector<16xi1>
    %rem3A_180 = arith.constant 5 : i32
    %rem3A_181 = arith.constant 8 : i32
    %rem3A_182 = arith.remsi %rem3A_180, %rem3A_181 : i32
    %mul3A_183 = arith.constant 32 : i32
    %mul3A_184 = arith.muli %rem3A_182, %mul3A_183 : i32
    %dma_start3A_185 = arith.constant 5 : i32
    %dma_start3A_186 = arith.constant 0 : i32
    %dma_start3A_187 = tpu.memref_slice %arg9[%mul3A_184, %dma_start3A_186] : memref<256x64xf32, #tpu.memory_space<vmem>> -> memref<32x64xf32, #tpu.memory_space<vmem>>
    %dma_start3A_188 = arith.constant 0 : i32
    %dma_start3A_189 = tpu.memref_slice %arg7[%dma_start3A_185, %dma_start3A_188] : memref<313x32xi32, #tpu.memory_space<vmem>> -> memref<1x32xi32, #tpu.memory_space<vmem>>
    %dma_start3A_190 = tpu.memref_squeeze %dma_start3A_189 : memref<1x32xi32, #tpu.memory_space<vmem>> -> memref<32xi32, #tpu.memory_space<vmem>>
    %dma_start3A_191 = arith.constant 0 : i32
    %dma_start3A_192 = arith.constant 0 : i32
    %dma_start3A_193 = tpu.memref_slice %arg10[%dma_start3A_191, %dma_start3A_192] : memref<10000x64xf32, #tpu.memory_space<vmem_shared>> -> memref<10000x64xf32, #tpu.memory_space<vmem_shared>>
    tpu.enqueue_indirect_dma source(%dma_start3A_193 : memref<10000x64xf32, #tpu.memory_space<vmem_shared>>) target(%dma_start3A_187 : memref<32x64xf32, #tpu.memory_space<vmem>>) offsets(%dma_start3A_190 : memref<32xi32, #tpu.memory_space<vmem>>) semaphore(%arg12 : memref<!tpu.dma_semaphore, #tpu.memory_space<semaphore_mem>>)
    %rem3A_194 = arith.constant 2 : i32
    %rem3A_195 = arith.constant 8 : i32
    %rem3A_196 = arith.remsi %rem3A_194, %rem3A_195 : i32
    %mul3A_197 = arith.constant 32 : i32
    %mul3A_198 = arith.muli %rem3A_196, %mul3A_197 : i32
    %dma_wait3A_199 = arith.constant 0 : i32
    %dma_wait3A_200 = arith.constant 0 : i32
    %dma_wait3A_201 = tpu.memref_slice %arg9[%mul3A_198, %dma_wait3A_200] : memref<256x64xf32, #tpu.memory_space<vmem>> -> memref<32x64xf32, #tpu.memory_space<vmem>>
    %dma_wait3A_202 = arith.constant 0 : i32
    %dma_wait3A_203 = tpu.memref_slice %arg7[%dma_wait3A_199, %dma_wait3A_202] : memref<313x32xi32, #tpu.memory_space<vmem>> -> memref<1x32xi32, #tpu.memory_space<vmem>>
    %dma_wait3A_204 = tpu.memref_squeeze %dma_wait3A_203 : memref<1x32xi32, #tpu.memory_space<vmem>> -> memref<32xi32, #tpu.memory_space<vmem>>
    %dma_wait3A_205 = arith.constant 0 : i32
    %dma_wait3A_206 = arith.constant 0 : i32
    %dma_wait3A_207 = tpu.memref_slice %arg10[%dma_wait3A_205, %dma_wait3A_206] : memref<10000x64xf32, #tpu.memory_space<vmem_shared>> -> memref<10000x64xf32, #tpu.memory_space<vmem_shared>>
    tpu.wait_indirect_dma semaphore(%arg12 : memref<!tpu.dma_semaphore, #tpu.memory_space<semaphore_mem>>) src(%dma_wait3A_207 : memref<10000x64xf32, #tpu.memory_space<vmem_shared>>) dst(%dma_wait3A_201 : memref<32x64xf32, #tpu.memory_space<vmem>>)
    %rem3A_208 = arith.constant 2 : i32
    %rem3A_209 = arith.constant 8 : i32
    %rem3A_210 = arith.remsi %rem3A_208, %rem3A_209 : i32
    %mul3A_211 = arith.constant 32 : i32
    %mul3A_212 = arith.muli %rem3A_210, %mul3A_211 : i32
    %dma_start3A_213 = arith.constant 2 : i32
    %dma_start3A_214 = arith.constant 0 : i32
    %dma_start3A_215 = tpu.memref_slice %arg9[%mul3A_212, %dma_start3A_214] : memref<256x64xf32, #tpu.memory_space<vmem>> -> memref<32x64xf32, #tpu.memory_space<vmem>>
    %dma_start3A_216 = arith.constant 0 : i32
    %dma_start3A_217 = tpu.memref_slice %arg8[%dma_start3A_213, %dma_start3A_216] : memref<313x32xi32, #tpu.memory_space<vmem>> -> memref<1x32xi32, #tpu.memory_space<vmem>>
    %dma_start3A_218 = tpu.memref_squeeze %dma_start3A_217 : memref<1x32xi32, #tpu.memory_space<vmem>> -> memref<32xi32, #tpu.memory_space<vmem>>
    %dma_start3A_219 = arith.constant 0 : i32
    %dma_start3A_220 = arith.constant 0 : i32
    %dma_start3A_221 = tpu.memref_slice %arg11[%dma_start3A_219, %dma_start3A_220] : memref<10240x64xf32, #tpu.memory_space<vmem_shared>> -> memref<10240x64xf32, #tpu.memory_space<vmem_shared>>
    tpu.enqueue_indirect_dma source(%dma_start3A_215 : memref<32x64xf32, #tpu.memory_space<vmem>>) target(%dma_start3A_221 : memref<10240x64xf32, #tpu.memory_space<vmem_shared>>) offsets(%dma_start3A_218 : memref<32xi32, #tpu.memory_space<vmem>>) semaphore(%arg13 : memref<!tpu.dma_semaphore, #tpu.memory_space<semaphore_mem>>) {add = true}
    %get3A_222 = arith.constant 2 : i32
    %get3A_223 = arith.index_cast %get3A_222 : i32 to index
    %get3A_224 = arith.constant 0 : index
    %get3A_225 = tpu.vector_load %arg8[%get3A_223, %get3A_224] {strides = array<i32>} : memref<313x32xi32, #tpu.memory_space<vmem>>, vector<16xi32>,
    %broadcast_in_dim3A_226 = arith.constant true
    %broadcast_in_dim3A_227 = vector.broadcast %broadcast_in_dim3A_226 : i1 to vector<16xi1>
    %unique3A_228, %unique3A_229 = tpu.scan_count mask(%broadcast_in_dim3A_227 : vector<16xi1>) value(%get3A_225 : vector<16xi32>) : vector<16xi1>, vector<16xi32>
    %convert_element_type3A_230 = arith.sitofp %unique3A_229 : vector<16xi32> to vector<16xf32>
    tpu.vector_store_idx %arg14[%get3A_225], %convert_element_type3A_230 masked %unique3A_228 {add = true} : memref<10240xf32, #tpu.memory_space<vmem>>[vector<16xi32>], vector<16xf32>, vector<16xi1>
    %get3A_231 = arith.constant 2 : i32
    %get3A_232 = arith.index_cast %get3A_231 : i32 to index
    %get3A_233 = arith.constant 16 : index
    %get3A_234 = tpu.vector_load %arg8[%get3A_232, %get3A_233] {strides = array<i32>} : memref<313x32xi32, #tpu.memory_space<vmem>>, vector<16xi32>,
    %broadcast_in_dim3A_235 = arith.constant true
    %broadcast_in_dim3A_236 = vector.broadcast %broadcast_in_dim3A_235 : i1 to vector<16xi1>
    %unique3A_237, %unique3A_238 = tpu.scan_count mask(%broadcast_in_dim3A_236 : vector<16xi1>) value(%get3A_234 : vector<16xi32>) : vector<16xi1>, vector<16xi32>
    %convert_element_type3A_239 = arith.sitofp %unique3A_238 : vector<16xi32> to vector<16xf32>
    tpu.vector_store_idx %arg14[%get3A_234], %convert_element_type3A_239 masked %unique3A_237 {add = true} : memref<10240xf32, #tpu.memory_space<vmem>>[vector<16xi32>], vector<16xf32>, vector<16xi1>
    %rem3A_240 = arith.constant 6 : i32
    %rem3A_241 = arith.constant 8 : i32
    %rem3A_242 = arith.remsi %rem3A_240, %rem3A_241 : i32
    %mul3A_243 = arith.constant 32 : i32
    %mul3A_244 = arith.muli %rem3A_242, %mul3A_243 : i32
    %dma_start3A_245 = arith.constant 6 : i32
    %dma_start3A_246 = arith.constant 0 : i32
    %dma_start3A_247 = tpu.memref_slice %arg9[%mul3A_244, %dma_start3A_246] : memref<256x64xf32, #tpu.memory_space<vmem>> -> memref<32x64xf32, #tpu.memory_space<vmem>>
    %dma_start3A_248 = arith.constant 0 : i32
    %dma_start3A_249 = tpu.memref_slice %arg7[%dma_start3A_245, %dma_start3A_248] : memref<313x32xi32, #tpu.memory_space<vmem>> -> memref<1x32xi32, #tpu.memory_space<vmem>>
    %dma_start3A_250 = tpu.memref_squeeze %dma_start3A_249 : memref<1x32xi32, #tpu.memory_space<vmem>> -> memref<32xi32, #tpu.memory_space<vmem>>
    %dma_start3A_251 = arith.constant 0 : i32
    %dma_start3A_252 = arith.constant 0 : i32
    %dma_start3A_253 = tpu.memref_slice %arg10[%dma_start3A_251, %dma_start3A_252] : memref<10000x64xf32, #tpu.memory_space<vmem_shared>> -> memref<10000x64xf32, #tpu.memory_space<vmem_shared>>
    tpu.enqueue_indirect_dma source(%dma_start3A_253 : memref<10000x64xf32, #tpu.memory_space<vmem_shared>>) target(%dma_start3A_247 : memref<32x64xf32, #tpu.memory_space<vmem>>) offsets(%dma_start3A_250 : memref<32xi32, #tpu.memory_space<vmem>>) semaphore(%arg12 : memref<!tpu.dma_semaphore, #tpu.memory_space<semaphore_mem>>)
    %rem3A_254 = arith.constant 3 : i32
    %rem3A_255 = arith.constant 8 : i32
    %rem3A_256 = arith.remsi %rem3A_254, %rem3A_255 : i32
    %mul3A_257 = arith.constant 32 : i32
    %mul3A_258 = arith.muli %rem3A_256, %mul3A_257 : i32
    %dma_wait3A_259 = arith.constant 0 : i32
    %dma_wait3A_260 = arith.constant 0 : i32
    %dma_wait3A_261 = tpu.memref_slice %arg9[%mul3A_258, %dma_wait3A_260] : memref<256x64xf32, #tpu.memory_space<vmem>> -> memref<32x64xf32, #tpu.memory_space<vmem>>
    %dma_wait3A_262 = arith.constant 0 : i32
    %dma_wait3A_263 = tpu.memref_slice %arg7[%dma_wait3A_259, %dma_wait3A_262] : memref<313x32xi32, #tpu.memory_space<vmem>> -> memref<1x32xi32, #tpu.memory_space<vmem>>
    %dma_wait3A_264 = tpu.memref_squeeze %dma_wait3A_263 : memref<1x32xi32, #tpu.memory_space<vmem>> -> memref<32xi32, #tpu.memory_space<vmem>>
    %dma_wait3A_265 = arith.constant 0 : i32
    %dma_wait3A_266 = arith.constant 0 : i32
    %dma_wait3A_267 = tpu.memref_slice %arg10[%dma_wait3A_265, %dma_wait3A_266] : memref<10000x64xf32, #tpu.memory_space<vmem_shared>> -> memref<10000x64xf32, #tpu.memory_space<vmem_shared>>
    tpu.wait_indirect_dma semaphore(%arg12 : memref<!tpu.dma_semaphore, #tpu.memory_space<semaphore_mem>>) src(%dma_wait3A_267 : memref<10000x64xf32, #tpu.memory_space<vmem_shared>>) dst(%dma_wait3A_261 : memref<32x64xf32, #tpu.memory_space<vmem>>)
    %rem3A_268 = arith.constant 3 : i32
    %rem3A_269 = arith.constant 8 : i32
    %rem3A_270 = arith.remsi %rem3A_268, %rem3A_269 : i32
    %mul3A_271 = arith.constant 32 : i32
    %mul3A_272 = arith.muli %rem3A_270, %mul3A_271 : i32
    %dma_start3A_273 = arith.constant 3 : i32
    %dma_start3A_274 = arith.constant 0 : i32
    %dma_start3A_275 = tpu.memref_slice %arg9[%mul3A_272, %dma_start3A_274] : memref<256x64xf32, #tpu.memory_space<vmem>> -> memref<32x64xf32, #tpu.memory_space<vmem>>
    %dma_start3A_276 = arith.constant 0 : i32
    %dma_start3A_277 = tpu.memref_slice %arg8[%dma_start3A_273, %dma_start3A_276] : memref<313x32xi32, #tpu.memory_space<vmem>> -> memref<1x32xi32, #tpu.memory_space<vmem>>
    %dma_start3A_278 = tpu.memref_squeeze %dma_start3A_277 : memref<1x32xi32, #tpu.memory_space<vmem>> -> memref<32xi32, #tpu.memory_space<vmem>>
    %dma_start3A_279 = arith.constant 0 : i32
    %dma_start3A_280 = arith.constant 0 : i32
    %dma_start3A_281 = tpu.memref_slice %arg11[%dma_start3A_279, %dma_start3A_280] : memref<10240x64xf32, #tpu.memory_space<vmem_shared>> -> memref<10240x64xf32, #tpu.memory_space<vmem_shared>>
    tpu.enqueue_indirect_dma source(%dma_start3A_275 : memref<32x64xf32, #tpu.memory_space<vmem>>) target(%dma_start3A_281 : memref<10240x64xf32, #tpu.memory_space<vmem_shared>>) offsets(%dma_start3A_278 : memref<32xi32, #tpu.memory_space<vmem>>) semaphore(%arg13 : memref<!tpu.dma_semaphore, #tpu.memory_space<semaphore_mem>>) {add = true}
    %get3A_282 = arith.constant 3 : i32
    %get3A_283 = arith.index_cast %get3A_282 : i32 to index
    %get3A_284 = arith.constant 0 : index
    %get3A_285 = tpu.vector_load %arg8[%get3A_283, %get3A_284] {strides = array<i32>} : memref<313x32xi32, #tpu.memory_space<vmem>>, vector<16xi32>,
    %broadcast_in_dim3A_286 = arith.constant true
    %broadcast_in_dim3A_287 = vector.broadcast %broadcast_in_dim3A_286 : i1 to vector<16xi1>
    %unique3A_288, %unique3A_289 = tpu.scan_count mask(%broadcast_in_dim3A_287 : vector<16xi1>) value(%get3A_285 : vector<16xi32>) : vector<16xi1>, vector<16xi32>
    %convert_element_type3A_290 = arith.sitofp %unique3A_289 : vector<16xi32> to vector<16xf32>
    tpu.vector_store_idx %arg14[%get3A_285], %convert_element_type3A_290 masked %unique3A_288 {add = true} : memref<10240xf32, #tpu.memory_space<vmem>>[vector<16xi32>], vector<16xf32>, vector<16xi1>
    %get3A_291 = arith.constant 3 : i32
    %get3A_292 = arith.index_cast %get3A_291 : i32 to index
    %get3A_293 = arith.constant 16 : index
    %get3A_294 = tpu.vector_load %arg8[%get3A_292, %get3A_293] {strides = array<i32>} : memref<313x32xi32, #tpu.memory_space<vmem>>, vector<16xi32>,
    %broadcast_in_dim3A_295 = arith.constant true
    %broadcast_in_dim3A_296 = vector.broadcast %broadcast_in_dim3A_295 : i1 to vector<16xi1>
    %unique3A_297, %unique3A_298 = tpu.scan_count mask(%broadcast_in_dim3A_296 : vector<16xi1>) value(%get3A_294 : vector<16xi32>) : vector<16xi1>, vector<16xi32>
    %convert_element_type3A_299 = arith.sitofp %unique3A_298 : vector<16xi32> to vector<16xf32>
    tpu.vector_store_idx %arg14[%get3A_294], %convert_element_type3A_299 masked %unique3A_297 {add = true} : memref<10240xf32, #tpu.memory_space<vmem>>[vector<16xi32>], vector<16xf32>, vector<16xi1>
    %rem3A_300 = arith.constant 7 : i32
    %rem3A_301 = arith.constant 8 : i32
    %rem3A_302 = arith.remsi %rem3A_300, %rem3A_301 : i32
    %mul3A_303 = arith.constant 32 : i32
    %mul3A_304 = arith.muli %rem3A_302, %mul3A_303 : i32
    %dma_start3A_305 = arith.constant 7 : i32
    %dma_start3A_306 = arith.constant 0 : i32
    %dma_start3A_307 = tpu.memref_slice %arg9[%mul3A_304, %dma_start3A_306] : memref<256x64xf32, #tpu.memory_space<vmem>> -> memref<32x64xf32, #tpu.memory_space<vmem>>
    %dma_start3A_308 = arith.constant 0 : i32
    %dma_start3A_309 = tpu.memref_slice %arg7[%dma_start3A_305, %dma_start3A_308] : memref<313x32xi32, #tpu.memory_space<vmem>> -> memref<1x32xi32, #tpu.memory_space<vmem>>
    %dma_start3A_310 = tpu.memref_squeeze %dma_start3A_309 : memref<1x32xi32, #tpu.memory_space<vmem>> -> memref<32xi32, #tpu.memory_space<vmem>>
    %dma_start3A_311 = arith.constant 0 : i32
    %dma_start3A_312 = arith.constant 0 : i32
    %dma_start3A_313 = tpu.memref_slice %arg10[%dma_start3A_311, %dma_start3A_312] : memref<10000x64xf32, #tpu.memory_space<vmem_shared>> -> memref<10000x64xf32, #tpu.memory_space<vmem_shared>>
    tpu.enqueue_indirect_dma source(%dma_start3A_313 : memref<10000x64xf32, #tpu.memory_space<vmem_shared>>) target(%dma_start3A_307 : memref<32x64xf32, #tpu.memory_space<vmem>>) offsets(%dma_start3A_310 : memref<32xi32, #tpu.memory_space<vmem>>) semaphore(%arg12 : memref<!tpu.dma_semaphore, #tpu.memory_space<semaphore_mem>>)
    %sub3A = arith.constant 4 : i32
    %sub3A_314 = arith.subi %add3A_16, %sub3A : i32
    %while3A = arith.constant 0 : i32
    %while3A_315 = arith.constant 4 : i32
    %while3A_316 = arith.subi %sub3A_314, %while3A_315 : i32
    %while3A_317 = arith.addi %while3A_315, %while3A_316 : i32
    %while3A_318 = arith.constant 1 : i32
    %while3A_319 = arith.divsi %while3A_316, %while3A_318 : i32
    %while3A_320 = arith.muli %while3A_319, %while3A_318 : i32
    %while3A_321 = arith.addi %while3A_315, %while3A_320 : i32
    %while3A_322 = arith.constant 1 : i32
    scf.for %while3A_623 = %while3A_315 to %while3A_321 step %while3A_322  : i32 {
      %rem3A_624 = arith.constant 8 : i32
      %rem3A_625 = arith.remsi %while3A_623, %rem3A_624 : i32
      %mul3A_626 = arith.constant 32 : i32
      %mul3A_627 = arith.muli %rem3A_625, %mul3A_626 : i32
      %dma_wait3A_628 = arith.constant 0 : i32
      %dma_wait3A_629 = arith.constant 0 : i32
      %dma_wait3A_630 = tpu.memref_slice %arg9[%mul3A_627, %dma_wait3A_629] : memref<256x64xf32, #tpu.memory_space<vmem>> -> memref<32x64xf32, #tpu.memory_space<vmem>>
      %dma_wait3A_631 = arith.constant 0 : i32
      %dma_wait3A_632 = tpu.memref_slice %arg7[%dma_wait3A_628, %dma_wait3A_631] : memref<313x32xi32, #tpu.memory_space<vmem>> -> memref<1x32xi32, #tpu.memory_space<vmem>>
      %dma_wait3A_633 = tpu.memref_squeeze %dma_wait3A_632 : memref<1x32xi32, #tpu.memory_space<vmem>> -> memref<32xi32, #tpu.memory_space<vmem>>
      %dma_wait3A_634 = arith.constant 0 : i32
      %dma_wait3A_635 = arith.constant 0 : i32
      %dma_wait3A_636 = tpu.memref_slice %arg10[%dma_wait3A_634, %dma_wait3A_635] : memref<10000x64xf32, #tpu.memory_space<vmem_shared>> -> memref<10000x64xf32, #tpu.memory_space<vmem_shared>>
      tpu.wait_indirect_dma semaphore(%arg12 : memref<!tpu.dma_semaphore, #tpu.memory_space<semaphore_mem>>) src(%dma_wait3A_636 : memref<10000x64xf32, #tpu.memory_space<vmem_shared>>) dst(%dma_wait3A_630 : memref<32x64xf32, #tpu.memory_space<vmem>>)
      %rem3A_637 = arith.constant 8 : i32
      %rem3A_638 = arith.remsi %while3A_623, %rem3A_637 : i32
      %mul3A_639 = arith.constant 32 : i32
      %mul3A_640 = arith.muli %rem3A_638, %mul3A_639 : i32
      %dma_start3A_641 = arith.constant 0 : i32
      %dma_start3A_642 = tpu.memref_slice %arg9[%mul3A_640, %dma_start3A_641] : memref<256x64xf32, #tpu.memory_space<vmem>> -> memref<32x64xf32, #tpu.memory_space<vmem>>
      %dma_start3A_643 = arith.constant 0 : i32
      %dma_start3A_644 = tpu.memref_slice %arg8[%while3A_623, %dma_start3A_643] : memref<313x32xi32, #tpu.memory_space<vmem>> -> memref<1x32xi32, #tpu.memory_space<vmem>>
      %dma_start3A_645 = tpu.memref_squeeze %dma_start3A_644 : memref<1x32xi32, #tpu.memory_space<vmem>> -> memref<32xi32, #tpu.memory_space<vmem>>
      %dma_start3A_646 = arith.constant 0 : i32
      %dma_start3A_647 = arith.constant 0 : i32
      %dma_start3A_648 = tpu.memref_slice %arg11[%dma_start3A_646, %dma_start3A_647] : memref<10240x64xf32, #tpu.memory_space<vmem_shared>> -> memref<10240x64xf32, #tpu.memory_space<vmem_shared>>
      tpu.enqueue_indirect_dma source(%dma_start3A_642 : memref<32x64xf32, #tpu.memory_space<vmem>>) target(%dma_start3A_648 : memref<10240x64xf32, #tpu.memory_space<vmem_shared>>) offsets(%dma_start3A_645 : memref<32xi32, #tpu.memory_space<vmem>>) semaphore(%arg13 : memref<!tpu.dma_semaphore, #tpu.memory_space<semaphore_mem>>) {add = true}
      %get3A_649 = arith.index_cast %while3A_623 : i32 to index
      %get3A_650 = arith.constant 0 : index
      %get3A_651 = tpu.vector_load %arg8[%get3A_649, %get3A_650] {strides = array<i32>} : memref<313x32xi32, #tpu.memory_space<vmem>>, vector<16xi32>,
      %broadcast_in_dim3A_652 = arith.constant true
      %broadcast_in_dim3A_653 = vector.broadcast %broadcast_in_dim3A_652 : i1 to vector<16xi1>
      %unique3A_654, %unique3A_655 = tpu.scan_count mask(%broadcast_in_dim3A_653 : vector<16xi1>) value(%get3A_651 : vector<16xi32>) : vector<16xi1>, vector<16xi32>
      %convert_element_type3A_656 = arith.sitofp %unique3A_655 : vector<16xi32> to vector<16xf32>
      tpu.vector_store_idx %arg14[%get3A_651], %convert_element_type3A_656 masked %unique3A_654 {add = true} : memref<10240xf32, #tpu.memory_space<vmem>>[vector<16xi32>], vector<16xf32>, vector<16xi1>
      %get3A_657 = arith.index_cast %while3A_623 : i32 to index
      %get3A_658 = arith.constant 16 : index
      %get3A_659 = tpu.vector_load %arg8[%get3A_657, %get3A_658] {strides = array<i32>} : memref<313x32xi32, #tpu.memory_space<vmem>>, vector<16xi32>,
      %broadcast_in_dim3A_660 = arith.constant true
      %broadcast_in_dim3A_661 = vector.broadcast %broadcast_in_dim3A_660 : i1 to vector<16xi1>
      %unique3A_662, %unique3A_663 = tpu.scan_count mask(%broadcast_in_dim3A_661 : vector<16xi1>) value(%get3A_659 : vector<16xi32>) : vector<16xi1>, vector<16xi32>
      %convert_element_type3A_664 = arith.sitofp %unique3A_663 : vector<16xi32> to vector<16xf32>
      tpu.vector_store_idx %arg14[%get3A_659], %convert_element_type3A_664 masked %unique3A_662 {add = true} : memref<10240xf32, #tpu.memory_space<vmem>>[vector<16xi32>], vector<16xf32>, vector<16xi1>
      %sub3A_665 = arith.constant 4 : i32
      %sub3A_666 = arith.subi %while3A_623, %sub3A_665 : i32
      %rem3A_667 = arith.constant 8 : i32
      %rem3A_668 = arith.remsi %sub3A_666, %rem3A_667 : i32
      %mul3A_669 = arith.constant 32 : i32
      %mul3A_670 = arith.muli %rem3A_668, %mul3A_669 : i32
      %dma_wait3A_671 = arith.constant 0 : i32
      %dma_wait3A_672 = arith.constant 0 : i32
      %dma_wait3A_673 = tpu.memref_slice %arg9[%mul3A_670, %dma_wait3A_672] : memref<256x64xf32, #tpu.memory_space<vmem>> -> memref<32x64xf32, #tpu.memory_space<vmem>>
      %dma_wait3A_674 = arith.constant 0 : i32
      %dma_wait3A_675 = tpu.memref_slice %arg8[%dma_wait3A_671, %dma_wait3A_674] : memref<313x32xi32, #tpu.memory_space<vmem>> -> memref<1x32xi32, #tpu.memory_space<vmem>>
      %dma_wait3A_676 = tpu.memref_squeeze %dma_wait3A_675 : memref<1x32xi32, #tpu.memory_space<vmem>> -> memref<32xi32, #tpu.memory_space<vmem>>
      %dma_wait3A_677 = arith.constant 0 : i32
      %dma_wait3A_678 = arith.constant 0 : i32
      %dma_wait3A_679 = tpu.memref_slice %arg11[%dma_wait3A_677, %dma_wait3A_678] : memref<10240x64xf32, #tpu.memory_space<vmem_shared>> -> memref<10240x64xf32, #tpu.memory_space<vmem_shared>>
      tpu.wait_indirect_dma semaphore(%arg13 : memref<!tpu.dma_semaphore, #tpu.memory_space<semaphore_mem>>) src(%dma_wait3A_673 : memref<32x64xf32, #tpu.memory_space<vmem>>) dst(%dma_wait3A_679 : memref<10240x64xf32, #tpu.memory_space<vmem_shared>>)
      %add3A_680 = arith.constant 4 : i32
      %add3A_681 = arith.addi %while3A_623, %add3A_680 : i32
      %rem3A_682 = arith.constant 8 : i32
      %rem3A_683 = arith.remsi %add3A_681, %rem3A_682 : i32
      %mul3A_684 = arith.constant 32 : i32
      %mul3A_685 = arith.muli %rem3A_683, %mul3A_684 : i32
      %dma_start3A_686 = arith.constant 0 : i32
      %dma_start3A_687 = tpu.memref_slice %arg9[%mul3A_685, %dma_start3A_686] : memref<256x64xf32, #tpu.memory_space<vmem>> -> memref<32x64xf32, #tpu.memory_space<vmem>>
      %dma_start3A_688 = arith.constant 0 : i32
      %dma_start3A_689 = tpu.memref_slice %arg7[%add3A_681, %dma_start3A_688] : memref<313x32xi32, #tpu.memory_space<vmem>> -> memref<1x32xi32, #tpu.memory_space<vmem>>
      %dma_start3A_690 = tpu.memref_squeeze %dma_start3A_689 : memref<1x32xi32, #tpu.memory_space<vmem>> -> memref<32xi32, #tpu.memory_space<vmem>>
      %dma_start3A_691 = arith.constant 0 : i32
      %dma_start3A_692 = arith.constant 0 : i32
      %dma_start3A_693 = tpu.memref_slice %arg10[%dma_start3A_691, %dma_start3A_692] : memref<10000x64xf32, #tpu.memory_space<vmem_shared>> -> memref<10000x64xf32, #tpu.memory_space<vmem_shared>>
      tpu.enqueue_indirect_dma source(%dma_start3A_693 : memref<10000x64xf32, #tpu.memory_space<vmem_shared>>) target(%dma_start3A_687 : memref<32x64xf32, #tpu.memory_space<vmem>>) offsets(%dma_start3A_690 : memref<32xi32, #tpu.memory_space<vmem>>) semaphore(%arg12 : memref<!tpu.dma_semaphore, #tpu.memory_space<semaphore_mem>>)
    }
    %while3A_323 = arith.constant 1 : i32
    scf.for %while3A_623 = %while3A_321 to %while3A_317 step %while3A_323  : i32 {
      %rem3A_624 = arith.constant 8 : i32
      %rem3A_625 = arith.remsi %while3A_623, %rem3A_624 : i32
      %mul3A_626 = arith.constant 32 : i32
      %mul3A_627 = arith.muli %rem3A_625, %mul3A_626 : i32
      %dma_wait3A_628 = arith.constant 0 : i32
      %dma_wait3A_629 = arith.constant 0 : i32
      %dma_wait3A_630 = tpu.memref_slice %arg9[%mul3A_627, %dma_wait3A_629] : memref<256x64xf32, #tpu.memory_space<vmem>> -> memref<32x64xf32, #tpu.memory_space<vmem>>
      %dma_wait3A_631 = arith.constant 0 : i32
      %dma_wait3A_632 = tpu.memref_slice %arg7[%dma_wait3A_628, %dma_wait3A_631] : memref<313x32xi32, #tpu.memory_space<vmem>> -> memref<1x32xi32, #tpu.memory_space<vmem>>
      %dma_wait3A_633 = tpu.memref_squeeze %dma_wait3A_632 : memref<1x32xi32, #tpu.memory_space<vmem>> -> memref<32xi32, #tpu.memory_space<vmem>>
      %dma_wait3A_634 = arith.constant 0 : i32
      %dma_wait3A_635 = arith.constant 0 : i32
      %dma_wait3A_636 = tpu.memref_slice %arg10[%dma_wait3A_634, %dma_wait3A_635] : memref<10000x64xf32, #tpu.memory_space<vmem_shared>> -> memref<10000x64xf32, #tpu.memory_space<vmem_shared>>
      tpu.wait_indirect_dma semaphore(%arg12 : memref<!tpu.dma_semaphore, #tpu.memory_space<semaphore_mem>>) src(%dma_wait3A_636 : memref<10000x64xf32, #tpu.memory_space<vmem_shared>>) dst(%dma_wait3A_630 : memref<32x64xf32, #tpu.memory_space<vmem>>)
      %rem3A_637 = arith.constant 8 : i32
      %rem3A_638 = arith.remsi %while3A_623, %rem3A_637 : i32
      %mul3A_639 = arith.constant 32 : i32
      %mul3A_640 = arith.muli %rem3A_638, %mul3A_639 : i32
      %dma_start3A_641 = arith.constant 0 : i32
      %dma_start3A_642 = tpu.memref_slice %arg9[%mul3A_640, %dma_start3A_641] : memref<256x64xf32, #tpu.memory_space<vmem>> -> memref<32x64xf32, #tpu.memory_space<vmem>>
      %dma_start3A_643 = arith.constant 0 : i32
      %dma_start3A_644 = tpu.memref_slice %arg8[%while3A_623, %dma_start3A_643] : memref<313x32xi32, #tpu.memory_space<vmem>> -> memref<1x32xi32, #tpu.memory_space<vmem>>
      %dma_start3A_645 = tpu.memref_squeeze %dma_start3A_644 : memref<1x32xi32, #tpu.memory_space<vmem>> -> memref<32xi32, #tpu.memory_space<vmem>>
      %dma_start3A_646 = arith.constant 0 : i32
      %dma_start3A_647 = arith.constant 0 : i32
      %dma_start3A_648 = tpu.memref_slice %arg11[%dma_start3A_646, %dma_start3A_647] : memref<10240x64xf32, #tpu.memory_space<vmem_shared>> -> memref<10240x64xf32, #tpu.memory_space<vmem_shared>>
      tpu.enqueue_indirect_dma source(%dma_start3A_642 : memref<32x64xf32, #tpu.memory_space<vmem>>) target(%dma_start3A_648 : memref<10240x64xf32, #tpu.memory_space<vmem_shared>>) offsets(%dma_start3A_645 : memref<32xi32, #tpu.memory_space<vmem>>) semaphore(%arg13 : memref<!tpu.dma_semaphore, #tpu.memory_space<semaphore_mem>>) {add = true}
      %get3A_649 = arith.index_cast %while3A_623 : i32 to index
      %get3A_650 = arith.constant 0 : index
      %get3A_651 = tpu.vector_load %arg8[%get3A_649, %get3A_650] {strides = array<i32>} : memref<313x32xi32, #tpu.memory_space<vmem>>, vector<16xi32>,
      %broadcast_in_dim3A_652 = arith.constant true
      %broadcast_in_dim3A_653 = vector.broadcast %broadcast_in_dim3A_652 : i1 to vector<16xi1>
      %unique3A_654, %unique3A_655 = tpu.scan_count mask(%broadcast_in_dim3A_653 : vector<16xi1>) value(%get3A_651 : vector<16xi32>) : vector<16xi1>, vector<16xi32>
      %convert_element_type3A_656 = arith.sitofp %unique3A_655 : vector<16xi32> to vector<16xf32>
      tpu.vector_store_idx %arg14[%get3A_651], %convert_element_type3A_656 masked %unique3A_654 {add = true} : memref<10240xf32, #tpu.memory_space<vmem>>[vector<16xi32>], vector<16xf32>, vector<16xi1>
      %get3A_657 = arith.index_cast %while3A_623 : i32 to index
      %get3A_658 = arith.constant 16 : index
      %get3A_659 = tpu.vector_load %arg8[%get3A_657, %get3A_658] {strides = array<i32>} : memref<313x32xi32, #tpu.memory_space<vmem>>, vector<16xi32>,
      %broadcast_in_dim3A_660 = arith.constant true
      %broadcast_in_dim3A_661 = vector.broadcast %broadcast_in_dim3A_660 : i1 to vector<16xi1>
      %unique3A_662, %unique3A_663 = tpu.scan_count mask(%broadcast_in_dim3A_661 : vector<16xi1>) value(%get3A_659 : vector<16xi32>) : vector<16xi1>, vector<16xi32>
      %convert_element_type3A_664 = arith.sitofp %unique3A_663 : vector<16xi32> to vector<16xf32>
      tpu.vector_store_idx %arg14[%get3A_659], %convert_element_type3A_664 masked %unique3A_662 {add = true} : memref<10240xf32, #tpu.memory_space<vmem>>[vector<16xi32>], vector<16xf32>, vector<16xi1>
      %sub3A_665 = arith.constant 4 : i32
      %sub3A_666 = arith.subi %while3A_623, %sub3A_665 : i32
      %rem3A_667 = arith.constant 8 : i32
      %rem3A_668 = arith.remsi %sub3A_666, %rem3A_667 : i32
      %mul3A_669 = arith.constant 32 : i32
      %mul3A_670 = arith.muli %rem3A_668, %mul3A_669 : i32
      %dma_wait3A_671 = arith.constant 0 : i32
      %dma_wait3A_672 = arith.constant 0 : i32
      %dma_wait3A_673 = tpu.memref_slice %arg9[%mul3A_670, %dma_wait3A_672] : memref<256x64xf32, #tpu.memory_space<vmem>> -> memref<32x64xf32, #tpu.memory_space<vmem>>
      %dma_wait3A_674 = arith.constant 0 : i32
      %dma_wait3A_675 = tpu.memref_slice %arg8[%dma_wait3A_671, %dma_wait3A_674] : memref<313x32xi32, #tpu.memory_space<vmem>> -> memref<1x32xi32, #tpu.memory_space<vmem>>
      %dma_wait3A_676 = tpu.memref_squeeze %dma_wait3A_675 : memref<1x32xi32, #tpu.memory_space<vmem>> -> memref<32xi32, #tpu.memory_space<vmem>>
      %dma_wait3A_677 = arith.constant 0 : i32
      %dma_wait3A_678 = arith.constant 0 : i32
      %dma_wait3A_679 = tpu.memref_slice %arg11[%dma_wait3A_677, %dma_wait3A_678] : memref<10240x64xf32, #tpu.memory_space<vmem_shared>> -> memref<10240x64xf32, #tpu.memory_space<vmem_shared>>
      tpu.wait_indirect_dma semaphore(%arg13 : memref<!tpu.dma_semaphore, #tpu.memory_space<semaphore_mem>>) src(%dma_wait3A_673 : memref<32x64xf32, #tpu.memory_space<vmem>>) dst(%dma_wait3A_679 : memref<10240x64xf32, #tpu.memory_space<vmem_shared>>)
      %add3A_680 = arith.constant 4 : i32
      %add3A_681 = arith.addi %while3A_623, %add3A_680 : i32
      %rem3A_682 = arith.constant 8 : i32
      %rem3A_683 = arith.remsi %add3A_681, %rem3A_682 : i32
      %mul3A_684 = arith.constant 32 : i32
      %mul3A_685 = arith.muli %rem3A_683, %mul3A_684 : i32
      %dma_start3A_686 = arith.constant 0 : i32
      %dma_start3A_687 = tpu.memref_slice %arg9[%mul3A_685, %dma_start3A_686] : memref<256x64xf32, #tpu.memory_space<vmem>> -> memref<32x64xf32, #tpu.memory_space<vmem>>
      %dma_start3A_688 = arith.constant 0 : i32
      %dma_start3A_689 = tpu.memref_slice %arg7[%add3A_681, %dma_start3A_688] : memref<313x32xi32, #tpu.memory_space<vmem>> -> memref<1x32xi32, #tpu.memory_space<vmem>>
      %dma_start3A_690 = tpu.memref_squeeze %dma_start3A_689 : memref<1x32xi32, #tpu.memory_space<vmem>> -> memref<32xi32, #tpu.memory_space<vmem>>
      %dma_start3A_691 = arith.constant 0 : i32
      %dma_start3A_692 = arith.constant 0 : i32
      %dma_start3A_693 = tpu.memref_slice %arg10[%dma_start3A_691, %dma_start3A_692] : memref<10000x64xf32, #tpu.memory_space<vmem_shared>> -> memref<10000x64xf32, #tpu.memory_space<vmem_shared>>
      tpu.enqueue_indirect_dma source(%dma_start3A_693 : memref<10000x64xf32, #tpu.memory_space<vmem_shared>>) target(%dma_start3A_687 : memref<32x64xf32, #tpu.memory_space<vmem>>) offsets(%dma_start3A_690 : memref<32xi32, #tpu.memory_space<vmem>>) semaphore(%arg12 : memref<!tpu.dma_semaphore, #tpu.memory_space<semaphore_mem>>)
    }
    %sub3A_324 = arith.constant 4 : i32
    %sub3A_325 = arith.subi %add3A_16, %sub3A_324 : i32
    %add3A_326 = arith.constant 0 : i32
    %add3A_327 = arith.addi %sub3A_325, %add3A_326 : i32
    %rem3A_328 = arith.constant 8 : i32
    %rem3A_329 = arith.remsi %add3A_327, %rem3A_328 : i32
    %mul3A_330 = arith.constant 32 : i32
    %mul3A_331 = arith.muli %rem3A_329, %mul3A_330 : i32
    %dma_wait3A_332 = arith.constant 0 : i32
    %dma_wait3A_333 = arith.constant 0 : i32
    %dma_wait3A_334 = tpu.memref_slice %arg9[%mul3A_331, %dma_wait3A_333] : memref<256x64xf32, #tpu.memory_space<vmem>> -> memref<32x64xf32, #tpu.memory_space<vmem>>
    %dma_wait3A_335 = arith.constant 0 : i32
    %dma_wait3A_336 = tpu.memref_slice %arg7[%dma_wait3A_332, %dma_wait3A_335] : memref<313x32xi32, #tpu.memory_space<vmem>> -> memref<1x32xi32, #tpu.memory_space<vmem>>
    %dma_wait3A_337 = tpu.memref_squeeze %dma_wait3A_336 : memref<1x32xi32, #tpu.memory_space<vmem>> -> memref<32xi32, #tpu.memory_space<vmem>>
    %dma_wait3A_338 = arith.constant 0 : i32
    %dma_wait3A_339 = arith.constant 0 : i32
    %dma_wait3A_340 = tpu.memref_slice %arg10[%dma_wait3A_338, %dma_wait3A_339] : memref<10000x64xf32, #tpu.memory_space<vmem_shared>> -> memref<10000x64xf32, #tpu.memory_space<vmem_shared>>
    tpu.wait_indirect_dma semaphore(%arg12 : memref<!tpu.dma_semaphore, #tpu.memory_space<semaphore_mem>>) src(%dma_wait3A_340 : memref<10000x64xf32, #tpu.memory_space<vmem_shared>>) dst(%dma_wait3A_334 : memref<32x64xf32, #tpu.memory_space<vmem>>)
    %rem3A_341 = arith.constant 8 : i32
    %rem3A_342 = arith.remsi %add3A_327, %rem3A_341 : i32
    %mul3A_343 = arith.constant 32 : i32
    %mul3A_344 = arith.muli %rem3A_342, %mul3A_343 : i32
    %dma_start3A_345 = arith.constant 0 : i32
    %dma_start3A_346 = tpu.memref_slice %arg9[%mul3A_344, %dma_start3A_345] : memref<256x64xf32, #tpu.memory_space<vmem>> -> memref<32x64xf32, #tpu.memory_space<vmem>>
    %dma_start3A_347 = arith.constant 0 : i32
    %dma_start3A_348 = tpu.memref_slice %arg8[%add3A_327, %dma_start3A_347] : memref<313x32xi32, #tpu.memory_space<vmem>> -> memref<1x32xi32, #tpu.memory_space<vmem>>
    %dma_start3A_349 = tpu.memref_squeeze %dma_start3A_348 : memref<1x32xi32, #tpu.memory_space<vmem>> -> memref<32xi32, #tpu.memory_space<vmem>>
    %dma_start3A_350 = arith.constant 0 : i32
    %dma_start3A_351 = arith.constant 0 : i32
    %dma_start3A_352 = tpu.memref_slice %arg11[%dma_start3A_350, %dma_start3A_351] : memref<10240x64xf32, #tpu.memory_space<vmem_shared>> -> memref<10240x64xf32, #tpu.memory_space<vmem_shared>>
    tpu.enqueue_indirect_dma source(%dma_start3A_346 : memref<32x64xf32, #tpu.memory_space<vmem>>) target(%dma_start3A_352 : memref<10240x64xf32, #tpu.memory_space<vmem_shared>>) offsets(%dma_start3A_349 : memref<32xi32, #tpu.memory_space<vmem>>) semaphore(%arg13 : memref<!tpu.dma_semaphore, #tpu.memory_space<semaphore_mem>>) {add = true}
    %get3A_353 = arith.index_cast %add3A_327 : i32 to index
    %get3A_354 = arith.constant 0 : index
    %get3A_355 = tpu.vector_load %arg8[%get3A_353, %get3A_354] {strides = array<i32>} : memref<313x32xi32, #tpu.memory_space<vmem>>, vector<16xi32>,
    %broadcast_in_dim3A_356 = arith.constant true
    %broadcast_in_dim3A_357 = vector.broadcast %broadcast_in_dim3A_356 : i1 to vector<16xi1>
    %unique3A_358, %unique3A_359 = tpu.scan_count mask(%broadcast_in_dim3A_357 : vector<16xi1>) value(%get3A_355 : vector<16xi32>) : vector<16xi1>, vector<16xi32>
    %convert_element_type3A_360 = arith.sitofp %unique3A_359 : vector<16xi32> to vector<16xf32>
    tpu.vector_store_idx %arg14[%get3A_355], %convert_element_type3A_360 masked %unique3A_358 {add = true} : memref<10240xf32, #tpu.memory_space<vmem>>[vector<16xi32>], vector<16xf32>, vector<16xi1>
    %get3A_361 = arith.index_cast %add3A_327 : i32 to index
    %get3A_362 = arith.constant 16 : index
    %get3A_363 = tpu.vector_load %arg8[%get3A_361, %get3A_362] {strides = array<i32>} : memref<313x32xi32, #tpu.memory_space<vmem>>, vector<16xi32>,
    %broadcast_in_dim3A_364 = arith.constant true
    %broadcast_in_dim3A_365 = vector.broadcast %broadcast_in_dim3A_364 : i1 to vector<16xi1>
    %unique3A_366, %unique3A_367 = tpu.scan_count mask(%broadcast_in_dim3A_365 : vector<16xi1>) value(%get3A_363 : vector<16xi32>) : vector<16xi1>, vector<16xi32>
    %convert_element_type3A_368 = arith.sitofp %unique3A_367 : vector<16xi32> to vector<16xf32>
    tpu.vector_store_idx %arg14[%get3A_363], %convert_element_type3A_368 masked %unique3A_366 {add = true} : memref<10240xf32, #tpu.memory_space<vmem>>[vector<16xi32>], vector<16xf32>, vector<16xi1>
    %sub3A_369 = arith.constant 4 : i32
    %sub3A_370 = arith.subi %add3A_327, %sub3A_369 : i32
    %rem3A_371 = arith.constant 8 : i32
    %rem3A_372 = arith.remsi %sub3A_370, %rem3A_371 : i32
    %mul3A_373 = arith.constant 32 : i32
    %mul3A_374 = arith.muli %rem3A_372, %mul3A_373 : i32
    %dma_wait3A_375 = arith.constant 0 : i32
    %dma_wait3A_376 = arith.constant 0 : i32
    %dma_wait3A_377 = tpu.memref_slice %arg9[%mul3A_374, %dma_wait3A_376] : memref<256x64xf32, #tpu.memory_space<vmem>> -> memref<32x64xf32, #tpu.memory_space<vmem>>
    %dma_wait3A_378 = arith.constant 0 : i32
    %dma_wait3A_379 = tpu.memref_slice %arg8[%dma_wait3A_375, %dma_wait3A_378] : memref<313x32xi32, #tpu.memory_space<vmem>> -> memref<1x32xi32, #tpu.memory_space<vmem>>
    %dma_wait3A_380 = tpu.memref_squeeze %dma_wait3A_379 : memref<1x32xi32, #tpu.memory_space<vmem>> -> memref<32xi32, #tpu.memory_space<vmem>>
    %dma_wait3A_381 = arith.constant 0 : i32
    %dma_wait3A_382 = arith.constant 0 : i32
    %dma_wait3A_383 = tpu.memref_slice %arg11[%dma_wait3A_381, %dma_wait3A_382] : memref<10240x64xf32, #tpu.memory_space<vmem_shared>> -> memref<10240x64xf32, #tpu.memory_space<vmem_shared>>
    tpu.wait_indirect_dma semaphore(%arg13 : memref<!tpu.dma_semaphore, #tpu.memory_space<semaphore_mem>>) src(%dma_wait3A_377 : memref<32x64xf32, #tpu.memory_space<vmem>>) dst(%dma_wait3A_383 : memref<10240x64xf32, #tpu.memory_space<vmem_shared>>)
    %sub3A_384 = arith.constant 4 : i32
    %sub3A_385 = arith.subi %add3A_16, %sub3A_384 : i32
    %add3A_386 = arith.constant 1 : i32
    %add3A_387 = arith.addi %sub3A_385, %add3A_386 : i32
    %rem3A_388 = arith.constant 8 : i32
    %rem3A_389 = arith.remsi %add3A_387, %rem3A_388 : i32
    %mul3A_390 = arith.constant 32 : i32
    %mul3A_391 = arith.muli %rem3A_389, %mul3A_390 : i32
    %dma_wait3A_392 = arith.constant 0 : i32
    %dma_wait3A_393 = arith.constant 0 : i32
    %dma_wait3A_394 = tpu.memref_slice %arg9[%mul3A_391, %dma_wait3A_393] : memref<256x64xf32, #tpu.memory_space<vmem>> -> memref<32x64xf32, #tpu.memory_space<vmem>>
    %dma_wait3A_395 = arith.constant 0 : i32
    %dma_wait3A_396 = tpu.memref_slice %arg7[%dma_wait3A_392, %dma_wait3A_395] : memref<313x32xi32, #tpu.memory_space<vmem>> -> memref<1x32xi32, #tpu.memory_space<vmem>>
    %dma_wait3A_397 = tpu.memref_squeeze %dma_wait3A_396 : memref<1x32xi32, #tpu.memory_space<vmem>> -> memref<32xi32, #tpu.memory_space<vmem>>
    %dma_wait3A_398 = arith.constant 0 : i32
    %dma_wait3A_399 = arith.constant 0 : i32
    %dma_wait3A_400 = tpu.memref_slice %arg10[%dma_wait3A_398, %dma_wait3A_399] : memref<10000x64xf32, #tpu.memory_space<vmem_shared>> -> memref<10000x64xf32, #tpu.memory_space<vmem_shared>>
    tpu.wait_indirect_dma semaphore(%arg12 : memref<!tpu.dma_semaphore, #tpu.memory_space<semaphore_mem>>) src(%dma_wait3A_400 : memref<10000x64xf32, #tpu.memory_space<vmem_shared>>) dst(%dma_wait3A_394 : memref<32x64xf32, #tpu.memory_space<vmem>>)
    %rem3A_401 = arith.constant 8 : i32
    %rem3A_402 = arith.remsi %add3A_387, %rem3A_401 : i32
    %mul3A_403 = arith.constant 32 : i32
    %mul3A_404 = arith.muli %rem3A_402, %mul3A_403 : i32
    %dma_start3A_405 = arith.constant 0 : i32
    %dma_start3A_406 = tpu.memref_slice %arg9[%mul3A_404, %dma_start3A_405] : memref<256x64xf32, #tpu.memory_space<vmem>> -> memref<32x64xf32, #tpu.memory_space<vmem>>
    %dma_start3A_407 = arith.constant 0 : i32
    %dma_start3A_408 = tpu.memref_slice %arg8[%add3A_387, %dma_start3A_407] : memref<313x32xi32, #tpu.memory_space<vmem>> -> memref<1x32xi32, #tpu.memory_space<vmem>>
    %dma_start3A_409 = tpu.memref_squeeze %dma_start3A_408 : memref<1x32xi32, #tpu.memory_space<vmem>> -> memref<32xi32, #tpu.memory_space<vmem>>
    %dma_start3A_410 = arith.constant 0 : i32
    %dma_start3A_411 = arith.constant 0 : i32
    %dma_start3A_412 = tpu.memref_slice %arg11[%dma_start3A_410, %dma_start3A_411] : memref<10240x64xf32, #tpu.memory_space<vmem_shared>> -> memref<10240x64xf32, #tpu.memory_space<vmem_shared>>
    tpu.enqueue_indirect_dma source(%dma_start3A_406 : memref<32x64xf32, #tpu.memory_space<vmem>>) target(%dma_start3A_412 : memref<10240x64xf32, #tpu.memory_space<vmem_shared>>) offsets(%dma_start3A_409 : memref<32xi32, #tpu.memory_space<vmem>>) semaphore(%arg13 : memref<!tpu.dma_semaphore, #tpu.memory_space<semaphore_mem>>) {add = true}
    %get3A_413 = arith.index_cast %add3A_387 : i32 to index
    %get3A_414 = arith.constant 0 : index
    %get3A_415 = tpu.vector_load %arg8[%get3A_413, %get3A_414] {strides = array<i32>} : memref<313x32xi32, #tpu.memory_space<vmem>>, vector<16xi32>,
    %broadcast_in_dim3A_416 = arith.constant true
    %broadcast_in_dim3A_417 = vector.broadcast %broadcast_in_dim3A_416 : i1 to vector<16xi1>
    %unique3A_418, %unique3A_419 = tpu.scan_count mask(%broadcast_in_dim3A_417 : vector<16xi1>) value(%get3A_415 : vector<16xi32>) : vector<16xi1>, vector<16xi32>
    %convert_element_type3A_420 = arith.sitofp %unique3A_419 : vector<16xi32> to vector<16xf32>
    tpu.vector_store_idx %arg14[%get3A_415], %convert_element_type3A_420 masked %unique3A_418 {add = true} : memref<10240xf32, #tpu.memory_space<vmem>>[vector<16xi32>], vector<16xf32>, vector<16xi1>
    %get3A_421 = arith.index_cast %add3A_387 : i32 to index
    %get3A_422 = arith.constant 16 : index
    %get3A_423 = tpu.vector_load %arg8[%get3A_421, %get3A_422] {strides = array<i32>} : memref<313x32xi32, #tpu.memory_space<vmem>>, vector<16xi32>,
    %broadcast_in_dim3A_424 = arith.constant true
    %broadcast_in_dim3A_425 = vector.broadcast %broadcast_in_dim3A_424 : i1 to vector<16xi1>
    %unique3A_426, %unique3A_427 = tpu.scan_count mask(%broadcast_in_dim3A_425 : vector<16xi1>) value(%get3A_423 : vector<16xi32>) : vector<16xi1>, vector<16xi32>
    %convert_element_type3A_428 = arith.sitofp %unique3A_427 : vector<16xi32> to vector<16xf32>
    tpu.vector_store_idx %arg14[%get3A_423], %convert_element_type3A_428 masked %unique3A_426 {add = true} : memref<10240xf32, #tpu.memory_space<vmem>>[vector<16xi32>], vector<16xf32>, vector<16xi1>
    %sub3A_429 = arith.constant 4 : i32
    %sub3A_430 = arith.subi %add3A_387, %sub3A_429 : i32
    %rem3A_431 = arith.constant 8 : i32
    %rem3A_432 = arith.remsi %sub3A_430, %rem3A_431 : i32
    %mul3A_433 = arith.constant 32 : i32
    %mul3A_434 = arith.muli %rem3A_432, %mul3A_433 : i32
    %dma_wait3A_435 = arith.constant 0 : i32
    %dma_wait3A_436 = arith.constant 0 : i32
    %dma_wait3A_437 = tpu.memref_slice %arg9[%mul3A_434, %dma_wait3A_436] : memref<256x64xf32, #tpu.memory_space<vmem>> -> memref<32x64xf32, #tpu.memory_space<vmem>>
    %dma_wait3A_438 = arith.constant 0 : i32
    %dma_wait3A_439 = tpu.memref_slice %arg8[%dma_wait3A_435, %dma_wait3A_438] : memref<313x32xi32, #tpu.memory_space<vmem>> -> memref<1x32xi32, #tpu.memory_space<vmem>>
    %dma_wait3A_440 = tpu.memref_squeeze %dma_wait3A_439 : memref<1x32xi32, #tpu.memory_space<vmem>> -> memref<32xi32, #tpu.memory_space<vmem>>
    %dma_wait3A_441 = arith.constant 0 : i32
    %dma_wait3A_442 = arith.constant 0 : i32
    %dma_wait3A_443 = tpu.memref_slice %arg11[%dma_wait3A_441, %dma_wait3A_442] : memref<10240x64xf32, #tpu.memory_space<vmem_shared>> -> memref<10240x64xf32, #tpu.memory_space<vmem_shared>>
    tpu.wait_indirect_dma semaphore(%arg13 : memref<!tpu.dma_semaphore, #tpu.memory_space<semaphore_mem>>) src(%dma_wait3A_437 : memref<32x64xf32, #tpu.memory_space<vmem>>) dst(%dma_wait3A_443 : memref<10240x64xf32, #tpu.memory_space<vmem_shared>>)
    %sub3A_444 = arith.constant 4 : i32
    %sub3A_445 = arith.subi %add3A_16, %sub3A_444 : i32
    %add3A_446 = arith.constant 2 : i32
    %add3A_447 = arith.addi %sub3A_445, %add3A_446 : i32
    %rem3A_448 = arith.constant 8 : i32
    %rem3A_449 = arith.remsi %add3A_447, %rem3A_448 : i32
    %mul3A_450 = arith.constant 32 : i32
    %mul3A_451 = arith.muli %rem3A_449, %mul3A_450 : i32
    %dma_wait3A_452 = arith.constant 0 : i32
    %dma_wait3A_453 = arith.constant 0 : i32
    %dma_wait3A_454 = tpu.memref_slice %arg9[%mul3A_451, %dma_wait3A_453] : memref<256x64xf32, #tpu.memory_space<vmem>> -> memref<32x64xf32, #tpu.memory_space<vmem>>
    %dma_wait3A_455 = arith.constant 0 : i32
    %dma_wait3A_456 = tpu.memref_slice %arg7[%dma_wait3A_452, %dma_wait3A_455] : memref<313x32xi32, #tpu.memory_space<vmem>> -> memref<1x32xi32, #tpu.memory_space<vmem>>
    %dma_wait3A_457 = tpu.memref_squeeze %dma_wait3A_456 : memref<1x32xi32, #tpu.memory_space<vmem>> -> memref<32xi32, #tpu.memory_space<vmem>>
    %dma_wait3A_458 = arith.constant 0 : i32
    %dma_wait3A_459 = arith.constant 0 : i32
    %dma_wait3A_460 = tpu.memref_slice %arg10[%dma_wait3A_458, %dma_wait3A_459] : memref<10000x64xf32, #tpu.memory_space<vmem_shared>> -> memref<10000x64xf32, #tpu.memory_space<vmem_shared>>
    tpu.wait_indirect_dma semaphore(%arg12 : memref<!tpu.dma_semaphore, #tpu.memory_space<semaphore_mem>>) src(%dma_wait3A_460 : memref<10000x64xf32, #tpu.memory_space<vmem_shared>>) dst(%dma_wait3A_454 : memref<32x64xf32, #tpu.memory_space<vmem>>)
    %rem3A_461 = arith.constant 8 : i32
    %rem3A_462 = arith.remsi %add3A_447, %rem3A_461 : i32
    %mul3A_463 = arith.constant 32 : i32
    %mul3A_464 = arith.muli %rem3A_462, %mul3A_463 : i32
    %dma_start3A_465 = arith.constant 0 : i32
    %dma_start3A_466 = tpu.memref_slice %arg9[%mul3A_464, %dma_start3A_465] : memref<256x64xf32, #tpu.memory_space<vmem>> -> memref<32x64xf32, #tpu.memory_space<vmem>>
    %dma_start3A_467 = arith.constant 0 : i32
    %dma_start3A_468 = tpu.memref_slice %arg8[%add3A_447, %dma_start3A_467] : memref<313x32xi32, #tpu.memory_space<vmem>> -> memref<1x32xi32, #tpu.memory_space<vmem>>
    %dma_start3A_469 = tpu.memref_squeeze %dma_start3A_468 : memref<1x32xi32, #tpu.memory_space<vmem>> -> memref<32xi32, #tpu.memory_space<vmem>>
    %dma_start3A_470 = arith.constant 0 : i32
    %dma_start3A_471 = arith.constant 0 : i32
    %dma_start3A_472 = tpu.memref_slice %arg11[%dma_start3A_470, %dma_start3A_471] : memref<10240x64xf32, #tpu.memory_space<vmem_shared>> -> memref<10240x64xf32, #tpu.memory_space<vmem_shared>>
    tpu.enqueue_indirect_dma source(%dma_start3A_466 : memref<32x64xf32, #tpu.memory_space<vmem>>) target(%dma_start3A_472 : memref<10240x64xf32, #tpu.memory_space<vmem_shared>>) offsets(%dma_start3A_469 : memref<32xi32, #tpu.memory_space<vmem>>) semaphore(%arg13 : memref<!tpu.dma_semaphore, #tpu.memory_space<semaphore_mem>>) {add = true}
    %get3A_473 = arith.index_cast %add3A_447 : i32 to index
    %get3A_474 = arith.constant 0 : index
    %get3A_475 = tpu.vector_load %arg8[%get3A_473, %get3A_474] {strides = array<i32>} : memref<313x32xi32, #tpu.memory_space<vmem>>, vector<16xi32>,
    %broadcast_in_dim3A_476 = arith.constant true
    %broadcast_in_dim3A_477 = vector.broadcast %broadcast_in_dim3A_476 : i1 to vector<16xi1>
    %unique3A_478, %unique3A_479 = tpu.scan_count mask(%broadcast_in_dim3A_477 : vector<16xi1>) value(%get3A_475 : vector<16xi32>) : vector<16xi1>, vector<16xi32>
    %convert_element_type3A_480 = arith.sitofp %unique3A_479 : vector<16xi32> to vector<16xf32>
    tpu.vector_store_idx %arg14[%get3A_475], %convert_element_type3A_480 masked %unique3A_478 {add = true} : memref<10240xf32, #tpu.memory_space<vmem>>[vector<16xi32>], vector<16xf32>, vector<16xi1>
    %get3A_481 = arith.index_cast %add3A_447 : i32 to index
    %get3A_482 = arith.constant 16 : index
    %get3A_483 = tpu.vector_load %arg8[%get3A_481, %get3A_482] {strides = array<i32>} : memref<313x32xi32, #tpu.memory_space<vmem>>, vector<16xi32>,
    %broadcast_in_dim3A_484 = arith.constant true
    %broadcast_in_dim3A_485 = vector.broadcast %broadcast_in_dim3A_484 : i1 to vector<16xi1>
    %unique3A_486, %unique3A_487 = tpu.scan_count mask(%broadcast_in_dim3A_485 : vector<16xi1>) value(%get3A_483 : vector<16xi32>) : vector<16xi1>, vector<16xi32>
    %convert_element_type3A_488 = arith.sitofp %unique3A_487 : vector<16xi32> to vector<16xf32>
    tpu.vector_store_idx %arg14[%get3A_483], %convert_element_type3A_488 masked %unique3A_486 {add = true} : memref<10240xf32, #tpu.memory_space<vmem>>[vector<16xi32>], vector<16xf32>, vector<16xi1>
    %sub3A_489 = arith.constant 4 : i32
    %sub3A_490 = arith.subi %add3A_447, %sub3A_489 : i32
    %rem3A_491 = arith.constant 8 : i32
    %rem3A_492 = arith.remsi %sub3A_490, %rem3A_491 : i32
    %mul3A_493 = arith.constant 32 : i32
    %mul3A_494 = arith.muli %rem3A_492, %mul3A_493 : i32
    %dma_wait3A_495 = arith.constant 0 : i32
    %dma_wait3A_496 = arith.constant 0 : i32
    %dma_wait3A_497 = tpu.memref_slice %arg9[%mul3A_494, %dma_wait3A_496] : memref<256x64xf32, #tpu.memory_space<vmem>> -> memref<32x64xf32, #tpu.memory_space<vmem>>
    %dma_wait3A_498 = arith.constant 0 : i32
    %dma_wait3A_499 = tpu.memref_slice %arg8[%dma_wait3A_495, %dma_wait3A_498] : memref<313x32xi32, #tpu.memory_space<vmem>> -> memref<1x32xi32, #tpu.memory_space<vmem>>
    %dma_wait3A_500 = tpu.memref_squeeze %dma_wait3A_499 : memref<1x32xi32, #tpu.memory_space<vmem>> -> memref<32xi32, #tpu.memory_space<vmem>>
    %dma_wait3A_501 = arith.constant 0 : i32
    %dma_wait3A_502 = arith.constant 0 : i32
    %dma_wait3A_503 = tpu.memref_slice %arg11[%dma_wait3A_501, %dma_wait3A_502] : memref<10240x64xf32, #tpu.memory_space<vmem_shared>> -> memref<10240x64xf32, #tpu.memory_space<vmem_shared>>
    tpu.wait_indirect_dma semaphore(%arg13 : memref<!tpu.dma_semaphore, #tpu.memory_space<semaphore_mem>>) src(%dma_wait3A_497 : memref<32x64xf32, #tpu.memory_space<vmem>>) dst(%dma_wait3A_503 : memref<10240x64xf32, #tpu.memory_space<vmem_shared>>)
    %sub3A_504 = arith.constant 4 : i32
    %sub3A_505 = arith.subi %add3A_16, %sub3A_504 : i32
    %add3A_506 = arith.constant 3 : i32
    %add3A_507 = arith.addi %sub3A_505, %add3A_506 : i32
    %rem3A_508 = arith.constant 8 : i32
    %rem3A_509 = arith.remsi %add3A_507, %rem3A_508 : i32
    %mul3A_510 = arith.constant 32 : i32
    %mul3A_511 = arith.muli %rem3A_509, %mul3A_510 : i32
    %dma_wait3A_512 = arith.constant 0 : i32
    %dma_wait3A_513 = arith.constant 0 : i32
    %dma_wait3A_514 = tpu.memref_slice %arg9[%mul3A_511, %dma_wait3A_513] : memref<256x64xf32, #tpu.memory_space<vmem>> -> memref<32x64xf32, #tpu.memory_space<vmem>>
    %dma_wait3A_515 = arith.constant 0 : i32
    %dma_wait3A_516 = tpu.memref_slice %arg7[%dma_wait3A_512, %dma_wait3A_515] : memref<313x32xi32, #tpu.memory_space<vmem>> -> memref<1x32xi32, #tpu.memory_space<vmem>>
    %dma_wait3A_517 = tpu.memref_squeeze %dma_wait3A_516 : memref<1x32xi32, #tpu.memory_space<vmem>> -> memref<32xi32, #tpu.memory_space<vmem>>
    %dma_wait3A_518 = arith.constant 0 : i32
    %dma_wait3A_519 = arith.constant 0 : i32
    %dma_wait3A_520 = tpu.memref_slice %arg10[%dma_wait3A_518, %dma_wait3A_519] : memref<10000x64xf32, #tpu.memory_space<vmem_shared>> -> memref<10000x64xf32, #tpu.memory_space<vmem_shared>>
    tpu.wait_indirect_dma semaphore(%arg12 : memref<!tpu.dma_semaphore, #tpu.memory_space<semaphore_mem>>) src(%dma_wait3A_520 : memref<10000x64xf32, #tpu.memory_space<vmem_shared>>) dst(%dma_wait3A_514 : memref<32x64xf32, #tpu.memory_space<vmem>>)
    %rem3A_521 = arith.constant 8 : i32
    %rem3A_522 = arith.remsi %add3A_507, %rem3A_521 : i32
    %mul3A_523 = arith.constant 32 : i32
    %mul3A_524 = arith.muli %rem3A_522, %mul3A_523 : i32
    %dma_start3A_525 = arith.constant 0 : i32
    %dma_start3A_526 = tpu.memref_slice %arg9[%mul3A_524, %dma_start3A_525] : memref<256x64xf32, #tpu.memory_space<vmem>> -> memref<32x64xf32, #tpu.memory_space<vmem>>
    %dma_start3A_527 = arith.constant 0 : i32
    %dma_start3A_528 = tpu.memref_slice %arg8[%add3A_507, %dma_start3A_527] : memref<313x32xi32, #tpu.memory_space<vmem>> -> memref<1x32xi32, #tpu.memory_space<vmem>>
    %dma_start3A_529 = tpu.memref_squeeze %dma_start3A_528 : memref<1x32xi32, #tpu.memory_space<vmem>> -> memref<32xi32, #tpu.memory_space<vmem>>
    %dma_start3A_530 = arith.constant 0 : i32
    %dma_start3A_531 = arith.constant 0 : i32
    %dma_start3A_532 = tpu.memref_slice %arg11[%dma_start3A_530, %dma_start3A_531] : memref<10240x64xf32, #tpu.memory_space<vmem_shared>> -> memref<10240x64xf32, #tpu.memory_space<vmem_shared>>
    tpu.enqueue_indirect_dma source(%dma_start3A_526 : memref<32x64xf32, #tpu.memory_space<vmem>>) target(%dma_start3A_532 : memref<10240x64xf32, #tpu.memory_space<vmem_shared>>) offsets(%dma_start3A_529 : memref<32xi32, #tpu.memory_space<vmem>>) semaphore(%arg13 : memref<!tpu.dma_semaphore, #tpu.memory_space<semaphore_mem>>) {add = true}
    %get3A_533 = arith.index_cast %add3A_507 : i32 to index
    %get3A_534 = arith.constant 0 : index
    %get3A_535 = tpu.vector_load %arg8[%get3A_533, %get3A_534] {strides = array<i32>} : memref<313x32xi32, #tpu.memory_space<vmem>>, vector<16xi32>,
    %broadcast_in_dim3A_536 = arith.constant true
    %broadcast_in_dim3A_537 = vector.broadcast %broadcast_in_dim3A_536 : i1 to vector<16xi1>
    %unique3A_538, %unique3A_539 = tpu.scan_count mask(%broadcast_in_dim3A_537 : vector<16xi1>) value(%get3A_535 : vector<16xi32>) : vector<16xi1>, vector<16xi32>
    %convert_element_type3A_540 = arith.sitofp %unique3A_539 : vector<16xi32> to vector<16xf32>
    tpu.vector_store_idx %arg14[%get3A_535], %convert_element_type3A_540 masked %unique3A_538 {add = true} : memref<10240xf32, #tpu.memory_space<vmem>>[vector<16xi32>], vector<16xf32>, vector<16xi1>
    %get3A_541 = arith.index_cast %add3A_507 : i32 to index
    %get3A_542 = arith.constant 16 : index
    %get3A_543 = tpu.vector_load %arg8[%get3A_541, %get3A_542] {strides = array<i32>} : memref<313x32xi32, #tpu.memory_space<vmem>>, vector<16xi32>,
    %broadcast_in_dim3A_544 = arith.constant true
    %broadcast_in_dim3A_545 = vector.broadcast %broadcast_in_dim3A_544 : i1 to vector<16xi1>
    %unique3A_546, %unique3A_547 = tpu.scan_count mask(%broadcast_in_dim3A_545 : vector<16xi1>) value(%get3A_543 : vector<16xi32>) : vector<16xi1>, vector<16xi32>
    %convert_element_type3A_548 = arith.sitofp %unique3A_547 : vector<16xi32> to vector<16xf32>
    tpu.vector_store_idx %arg14[%get3A_543], %convert_element_type3A_548 masked %unique3A_546 {add = true} : memref<10240xf32, #tpu.memory_space<vmem>>[vector<16xi32>], vector<16xf32>, vector<16xi1>
    %sub3A_549 = arith.constant 4 : i32
    %sub3A_550 = arith.subi %add3A_507, %sub3A_549 : i32
    %rem3A_551 = arith.constant 8 : i32
    %rem3A_552 = arith.remsi %sub3A_550, %rem3A_551 : i32
    %mul3A_553 = arith.constant 32 : i32
    %mul3A_554 = arith.muli %rem3A_552, %mul3A_553 : i32
    %dma_wait3A_555 = arith.constant 0 : i32
    %dma_wait3A_556 = arith.constant 0 : i32
    %dma_wait3A_557 = tpu.memref_slice %arg9[%mul3A_554, %dma_wait3A_556] : memref<256x64xf32, #tpu.memory_space<vmem>> -> memref<32x64xf32, #tpu.memory_space<vmem>>
    %dma_wait3A_558 = arith.constant 0 : i32
    %dma_wait3A_559 = tpu.memref_slice %arg8[%dma_wait3A_555, %dma_wait3A_558] : memref<313x32xi32, #tpu.memory_space<vmem>> -> memref<1x32xi32, #tpu.memory_space<vmem>>
    %dma_wait3A_560 = tpu.memref_squeeze %dma_wait3A_559 : memref<1x32xi32, #tpu.memory_space<vmem>> -> memref<32xi32, #tpu.memory_space<vmem>>
    %dma_wait3A_561 = arith.constant 0 : i32
    %dma_wait3A_562 = arith.constant 0 : i32
    %dma_wait3A_563 = tpu.memref_slice %arg11[%dma_wait3A_561, %dma_wait3A_562] : memref<10240x64xf32, #tpu.memory_space<vmem_shared>> -> memref<10240x64xf32, #tpu.memory_space<vmem_shared>>
    tpu.wait_indirect_dma semaphore(%arg13 : memref<!tpu.dma_semaphore, #tpu.memory_space<semaphore_mem>>) src(%dma_wait3A_557 : memref<32x64xf32, #tpu.memory_space<vmem>>) dst(%dma_wait3A_563 : memref<10240x64xf32, #tpu.memory_space<vmem_shared>>)
    %rem3A_564 = arith.constant 0 : i32
    %rem3A_565 = arith.constant 8 : i32
    %rem3A_566 = arith.remsi %rem3A_564, %rem3A_565 : i32
    %mul3A_567 = arith.constant 32 : i32
    %mul3A_568 = arith.muli %rem3A_566, %mul3A_567 : i32
    %dma_wait3A_569 = arith.constant 0 : i32
    %dma_wait3A_570 = arith.constant 0 : i32
    %dma_wait3A_571 = tpu.memref_slice %arg9[%mul3A_568, %dma_wait3A_570] : memref<256x64xf32, #tpu.memory_space<vmem>> -> memref<32x64xf32, #tpu.memory_space<vmem>>
    %dma_wait3A_572 = arith.constant 0 : i32
    %dma_wait3A_573 = tpu.memref_slice %arg8[%dma_wait3A_569, %dma_wait3A_572] : memref<313x32xi32, #tpu.memory_space<vmem>> -> memref<1x32xi32, #tpu.memory_space<vmem>>
    %dma_wait3A_574 = tpu.memref_squeeze %dma_wait3A_573 : memref<1x32xi32, #tpu.memory_space<vmem>> -> memref<32xi32, #tpu.memory_space<vmem>>
    %dma_wait3A_575 = arith.constant 0 : i32
    %dma_wait3A_576 = arith.constant 0 : i32
    %dma_wait3A_577 = tpu.memref_slice %arg11[%dma_wait3A_575, %dma_wait3A_576] : memref<10240x64xf32, #tpu.memory_space<vmem_shared>> -> memref<10240x64xf32, #tpu.memory_space<vmem_shared>>
    tpu.wait_indirect_dma semaphore(%arg13 : memref<!tpu.dma_semaphore, #tpu.memory_space<semaphore_mem>>) src(%dma_wait3A_571 : memref<32x64xf32, #tpu.memory_space<vmem>>) dst(%dma_wait3A_577 : memref<10240x64xf32, #tpu.memory_space<vmem_shared>>)
    %rem3A_578 = arith.constant 1 : i32
    %rem3A_579 = arith.constant 8 : i32
    %rem3A_580 = arith.remsi %rem3A_578, %rem3A_579 : i32
    %mul3A_581 = arith.constant 32 : i32
    %mul3A_582 = arith.muli %rem3A_580, %mul3A_581 : i32
    %dma_wait3A_583 = arith.constant 0 : i32
    %dma_wait3A_584 = arith.constant 0 : i32
    %dma_wait3A_585 = tpu.memref_slice %arg9[%mul3A_582, %dma_wait3A_584] : memref<256x64xf32, #tpu.memory_space<vmem>> -> memref<32x64xf32, #tpu.memory_space<vmem>>
    %dma_wait3A_586 = arith.constant 0 : i32
    %dma_wait3A_587 = tpu.memref_slice %arg8[%dma_wait3A_583, %dma_wait3A_586] : memref<313x32xi32, #tpu.memory_space<vmem>> -> memref<1x32xi32, #tpu.memory_space<vmem>>
    %dma_wait3A_588 = tpu.memref_squeeze %dma_wait3A_587 : memref<1x32xi32, #tpu.memory_space<vmem>> -> memref<32xi32, #tpu.memory_space<vmem>>
    %dma_wait3A_589 = arith.constant 0 : i32
    %dma_wait3A_590 = arith.constant 0 : i32
    %dma_wait3A_591 = tpu.memref_slice %arg11[%dma_wait3A_589, %dma_wait3A_590] : memref<10240x64xf32, #tpu.memory_space<vmem_shared>> -> memref<10240x64xf32, #tpu.memory_space<vmem_shared>>
    tpu.wait_indirect_dma semaphore(%arg13 : memref<!tpu.dma_semaphore, #tpu.memory_space<semaphore_mem>>) src(%dma_wait3A_585 : memref<32x64xf32, #tpu.memory_space<vmem>>) dst(%dma_wait3A_591 : memref<10240x64xf32, #tpu.memory_space<vmem_shared>>)
    %rem3A_592 = arith.constant 2 : i32
    %rem3A_593 = arith.constant 8 : i32
    %rem3A_594 = arith.remsi %rem3A_592, %rem3A_593 : i32
    %mul3A_595 = arith.constant 32 : i32
    %mul3A_596 = arith.muli %rem3A_594, %mul3A_595 : i32
    %dma_wait3A_597 = arith.constant 0 : i32
    %dma_wait3A_598 = arith.constant 0 : i32
    %dma_wait3A_599 = tpu.memref_slice %arg9[%mul3A_596, %dma_wait3A_598] : memref<256x64xf32, #tpu.memory_space<vmem>> -> memref<32x64xf32, #tpu.memory_space<vmem>>
    %dma_wait3A_600 = arith.constant 0 : i32
    %dma_wait3A_601 = tpu.memref_slice %arg8[%dma_wait3A_597, %dma_wait3A_600] : memref<313x32xi32, #tpu.memory_space<vmem>> -> memref<1x32xi32, #tpu.memory_space<vmem>>
    %dma_wait3A_602 = tpu.memref_squeeze %dma_wait3A_601 : memref<1x32xi32, #tpu.memory_space<vmem>> -> memref<32xi32, #tpu.memory_space<vmem>>
    %dma_wait3A_603 = arith.constant 0 : i32
    %dma_wait3A_604 = arith.constant 0 : i32
    %dma_wait3A_605 = tpu.memref_slice %arg11[%dma_wait3A_603, %dma_wait3A_604] : memref<10240x64xf32, #tpu.memory_space<vmem_shared>> -> memref<10240x64xf32, #tpu.memory_space<vmem_shared>>
    tpu.wait_indirect_dma semaphore(%arg13 : memref<!tpu.dma_semaphore, #tpu.memory_space<semaphore_mem>>) src(%dma_wait3A_599 : memref<32x64xf32, #tpu.memory_space<vmem>>) dst(%dma_wait3A_605 : memref<10240x64xf32, #tpu.memory_space<vmem_shared>>)
    %rem3A_606 = arith.constant 3 : i32
    %rem3A_607 = arith.constant 8 : i32
    %rem3A_608 = arith.remsi %rem3A_606, %rem3A_607 : i32
    %mul3A_609 = arith.constant 32 : i32
    %mul3A_610 = arith.muli %rem3A_608, %mul3A_609 : i32
    %dma_wait3A_611 = arith.constant 0 : i32
    %dma_wait3A_612 = arith.constant 0 : i32
    %dma_wait3A_613 = tpu.memref_slice %arg9[%mul3A_610, %dma_wait3A_612] : memref<256x64xf32, #tpu.memory_space<vmem>> -> memref<32x64xf32, #tpu.memory_space<vmem>>
    %dma_wait3A_614 = arith.constant 0 : i32
    %dma_wait3A_615 = tpu.memref_slice %arg8[%dma_wait3A_611, %dma_wait3A_614] : memref<313x32xi32, #tpu.memory_space<vmem>> -> memref<1x32xi32, #tpu.memory_space<vmem>>
    %dma_wait3A_616 = tpu.memref_squeeze %dma_wait3A_615 : memref<1x32xi32, #tpu.memory_space<vmem>> -> memref<32xi32, #tpu.memory_space<vmem>>
    %dma_wait3A_617 = arith.constant 0 : i32
    %dma_wait3A_618 = arith.constant 0 : i32
    %dma_wait3A_619 = tpu.memref_slice %arg11[%dma_wait3A_617, %dma_wait3A_618] : memref<10240x64xf32, #tpu.memory_space<vmem_shared>> -> memref<10240x64xf32, #tpu.memory_space<vmem_shared>>
    tpu.wait_indirect_dma semaphore(%arg13 : memref<!tpu.dma_semaphore, #tpu.memory_space<semaphore_mem>>) src(%dma_wait3A_613 : memref<32x64xf32, #tpu.memory_space<vmem>>) dst(%dma_wait3A_619 : memref<10240x64xf32, #tpu.memory_space<vmem_shared>>)
    %barrier3A_620 = arith.constant 0 : index
    tpu.barrier barrier_id(%barrier3A_620)
    %mul3A_621 = arith.constant 640 : i32
    %mul3A_622 = arith.muli %arg1, %mul3A_621 : i32
    "tpu.region"() ({
      %run_scoped3A_623 = tpu.sem_alloc : memref<!tpu.dma_semaphore, #tpu.memory_space<semaphore_mem>>
      %dma_start3A_624 = arith.constant 0 : i32
      %dma_start3A_625 = arith.constant 0 : i32
      %dma_start3A_626 = tpu.memref_slice %arg5[%arg0, %dma_start3A_624, %dma_start3A_625] : memref<2x10240x64xf32, #tpu.memory_space<hbm>> -> memref<1x10240x64xf32, #tpu.memory_space<hbm>>
      %dma_start3A_627 = tpu.memref_squeeze %dma_start3A_626 : memref<1x10240x64xf32, #tpu.memory_space<hbm>> -> memref<10240x64xf32, #tpu.memory_space<hbm>>
      %dma_start3A_628 = arith.constant 0 : i32
      %dma_start3A_629 = tpu.memref_slice %dma_start3A_627[%mul3A_622, %dma_start3A_628] : memref<10240x64xf32, #tpu.memory_space<hbm>> -> memref<640x64xf32, #tpu.memory_space<hbm>>
      %dma_start3A_630 = arith.constant 0 : i32
      %dma_start3A_631 = tpu.memref_slice %arg11[%mul3A_622, %dma_start3A_630] : memref<10240x64xf32, #tpu.memory_space<vmem_shared>> -> memref<640x64xf32, #tpu.memory_space<vmem_shared>>
      tpu.enqueue_dma source(%dma_start3A_631 : memref<640x64xf32, #tpu.memory_space<vmem_shared>>) target(%dma_start3A_629 : memref<640x64xf32, #tpu.memory_space<hbm>>) target_semaphore(%run_scoped3A_623 : memref<!tpu.dma_semaphore, #tpu.memory_space<semaphore_mem>>)
      %dma_wait3A_632 = arith.constant 0 : i32
      %dma_wait3A_633 = arith.constant 0 : i32
      %dma_wait3A_634 = tpu.memref_slice %arg5[%arg0, %dma_wait3A_632, %dma_wait3A_633] : memref<2x10240x64xf32, #tpu.memory_space<hbm>> -> memref<1x10240x64xf32, #tpu.memory_space<hbm>>
      %dma_wait3A_635 = tpu.memref_squeeze %dma_wait3A_634 : memref<1x10240x64xf32, #tpu.memory_space<hbm>> -> memref<10240x64xf32, #tpu.memory_space<hbm>>
      %dma_wait3A_636 = arith.constant 0 : i32
      %dma_wait3A_637 = tpu.memref_slice %dma_wait3A_635[%mul3A_622, %dma_wait3A_636] : memref<10240x64xf32, #tpu.memory_space<hbm>> -> memref<640x64xf32, #tpu.memory_space<hbm>>
      %dma_wait3A_638 = arith.constant 0 : i32
      %dma_wait3A_639 = tpu.memref_slice %arg11[%mul3A_622, %dma_wait3A_638] : memref<10240x64xf32, #tpu.memory_space<vmem_shared>> -> memref<640x64xf32, #tpu.memory_space<vmem_shared>>
      tpu.wait_dma2 semaphore(%run_scoped3A_623 : memref<!tpu.dma_semaphore, #tpu.memory_space<semaphore_mem>>) src(%dma_wait3A_639 : memref<640x64xf32, #tpu.memory_space<vmem_shared>>) dst(%dma_wait3A_637 : memref<640x64xf32, #tpu.memory_space<hbm>>)
      tpu.yield
    }) : () -> ()
    "tpu.region"() ({
      %run_scoped3A_623 = tpu.sem_alloc : memref<!tpu.dma_semaphore, #tpu.memory_space<semaphore_mem>>
      %dma_start3A_624 = arith.constant 0 : i32
      %dma_start3A_625 = arith.constant 0 : i32
      %dma_start3A_626 = tpu.memref_slice %arg6[%arg0, %dma_start3A_624, %dma_start3A_625] : memref<2x16x10240xf32, #tpu.memory_space<hbm>> -> memref<1x16x10240xf32, #tpu.memory_space<hbm>>
      %dma_start3A_627 = tpu.memref_squeeze %dma_start3A_626 : memref<1x16x10240xf32, #tpu.memory_space<hbm>> -> memref<16x10240xf32, #tpu.memory_space<hbm>>
      %dma_start3A_628 = arith.constant 0 : i32
      %dma_start3A_629 = tpu.memref_slice %dma_start3A_627[%arg1, %dma_start3A_628] : memref<16x10240xf32, #tpu.memory_space<hbm>> -> memref<1x10240xf32, #tpu.memory_space<hbm>>
      %dma_start3A_630 = tpu.memref_squeeze %dma_start3A_629 : memref<1x10240xf32, #tpu.memory_space<hbm>> -> memref<10240xf32, #tpu.memory_space<hbm>>
      %dma_start3A_631 = arith.constant 0 : i32
      %dma_start3A_632 = arith.constant 0 : i32
      %dma_start3A_633 = tpu.memref_slice %arg6[%arg0, %dma_start3A_631, %dma_start3A_632] : memref<2x16x10240xf32, #tpu.memory_space<hbm>> -> memref<1x16x10240xf32, #tpu.memory_space<hbm>>
      %dma_start3A_634 = tpu.memref_squeeze %dma_start3A_633 : memref<1x16x10240xf32, #tpu.memory_space<hbm>> -> memref<16x10240xf32, #tpu.memory_space<hbm>>
      %dma_start3A_635 = arith.constant 0 : i32
      %dma_start3A_636 = tpu.memref_slice %dma_start3A_634[%arg1, %dma_start3A_635] : memref<16x10240xf32, #tpu.memory_space<hbm>> -> memref<1x10240xf32, #tpu.memory_space<hbm>>
      %dma_start3A_637 = tpu.memref_squeeze %dma_start3A_636 : memref<1x10240xf32, #tpu.memory_space<hbm>> -> memref<10240xf32, #tpu.memory_space<hbm>>
      tpu.enqueue_dma source(%arg14 : memref<10240xf32, #tpu.memory_space<vmem>>) target(%dma_start3A_637 : memref<10240xf32, #tpu.memory_space<hbm>>) target_semaphore(%run_scoped3A_623 : memref<!tpu.dma_semaphore, #tpu.memory_space<semaphore_mem>>)
      %dma_wait3A_638 = arith.constant 0 : i32
      %dma_wait3A_639 = arith.constant 0 : i32
      %dma_wait3A_640 = tpu.memref_slice %arg6[%arg0, %dma_wait3A_638, %dma_wait3A_639] : memref<2x16x10240xf32, #tpu.memory_space<hbm>> -> memref<1x16x10240xf32, #tpu.memory_space<hbm>>
      %dma_wait3A_641 = tpu.memref_squeeze %dma_wait3A_640 : memref<1x16x10240xf32, #tpu.memory_space<hbm>> -> memref<16x10240xf32, #tpu.memory_space<hbm>>
      %dma_wait3A_642 = arith.constant 0 : i32
      %dma_wait3A_643 = tpu.memref_slice %dma_wait3A_641[%arg1, %dma_wait3A_642] : memref<16x10240xf32, #tpu.memory_space<hbm>> -> memref<1x10240xf32, #tpu.memory_space<hbm>>
      %dma_wait3A_644 = tpu.memref_squeeze %dma_wait3A_643 : memref<1x10240xf32, #tpu.memory_space<hbm>> -> memref<10240xf32, #tpu.memory_space<hbm>>
      %dma_wait3A_645 = arith.constant 0 : i32
      %dma_wait3A_646 = arith.constant 0 : i32
      %dma_wait3A_647 = tpu.memref_slice %arg6[%arg0, %dma_wait3A_645, %dma_wait3A_646] : memref<2x16x10240xf32, #tpu.memory_space<hbm>> -> memref<1x16x10240xf32, #tpu.memory_space<hbm>>
      %dma_wait3A_648 = tpu.memref_squeeze %dma_wait3A_647 : memref<1x16x10240xf32, #tpu.memory_space<hbm>> -> memref<16x10240xf32, #tpu.memory_space<hbm>>
      %dma_wait3A_649 = arith.constant 0 : i32
      %dma_wait3A_650 = tpu.memref_slice %dma_wait3A_648[%arg1, %dma_wait3A_649] : memref<16x10240xf32, #tpu.memory_space<hbm>> -> memref<1x10240xf32, #tpu.memory_space<hbm>>
      %dma_wait3A_651 = tpu.memref_squeeze %dma_wait3A_650 : memref<1x10240xf32, #tpu.memory_space<hbm>> -> memref<10240xf32, #tpu.memory_space<hbm>>
      tpu.wait_dma2 semaphore(%run_scoped3A_623 : memref<!tpu.dma_semaphore, #tpu.memory_space<semaphore_mem>>) src(%arg14 : memref<10240xf32, #tpu.memory_space<vmem>>) dst(%dma_wait3A_651 : memref<10240xf32, #tpu.memory_space<hbm>>)
      tpu.yield
    }) : () -> ()
    return
  }
}

module attributes {stable_mosaic.version = 14 : i64} {
  func.func @_pre_body(%arg0: i32, %arg1: memref<1024x128xf32, #tpu.memory_space<vmem>>, %arg2: memref<128x64xf32, #tpu.memory_space<vmem>>, %arg3: memref<128x64xf32, #tpu.memory_space<vmem>>, %arg4: memref<1x64xf32, #tpu.memory_space<vmem>>, %arg5: memref<1024x64xf32, #tpu.memory_space<vmem>>, %arg6: memref<1024x64xf32, #tpu.memory_space<vmem>>) attributes {dimension_semantics = [#tpu.dimension_semantics<arbitrary>], iteration_bounds = array<i64: 10>, scalar_prefetch = 0 : i64, scratch_operands = 0 : i64, tpu.core_type = #tpu.core_type<tc>, window_params = [{transform_indices = @transform_0, window_bounds = array<i64: 1024, 128>}, {pipeline_mode = #tpu.pipeline_mode<synchronous>, transform_indices = @transform_1, window_bounds = array<i64: 128, 64>}, {pipeline_mode = #tpu.pipeline_mode<synchronous>, transform_indices = @transform_2, window_bounds = array<i64: 128, 64>}, {pipeline_mode = #tpu.pipeline_mode<synchronous>, transform_indices = @transform_3, window_bounds = array<i64: 1, 64>}, {transform_indices = @transform_4, window_bounds = array<i64: 1024, 64>}, {transform_indices = @transform_5, window_bounds = array<i64: 1024, 64>}]} {
    %get3A = arith.constant 0 : index
    %get3A_0 = arith.constant 0 : index
    %get3A_1 = vector.load %arg1[%get3A, %get3A_0] : memref<1024x128xf32, #tpu.memory_space<vmem>>, vector<1024x128xf32>
    %get3A_2 = arith.constant 0 : index
    %get3A_3 = arith.constant 0 : index
    %get3A_4 = vector.load %arg2[%get3A_2, %get3A_3] : memref<128x64xf32, #tpu.memory_space<vmem>>, vector<128x64xf32>
    %dot_general3A = arith.constant dense<0.000000e+00> : vector<1024x64xf32>
    %dot_general3A_5 = tpu.matmul %get3A_1, %get3A_4, %dot_general3A {dimension_numbers = #tpu.dot_dimension_numbers<[1], [0], [0], [1], [0, 0, 1, 1], [], []>, transpose_lhs_hint = false} : vector<1024x128xf32>, vector<128x64xf32>, vector<1024x64xf32> -> vector<1024x64xf32>
    %swap3A = arith.constant 0 : index
    %swap3A_6 = arith.constant 0 : index
    %swap3A_7 = vector.load %arg5[%swap3A, %swap3A_6] : memref<1024x64xf32, #tpu.memory_space<vmem>>, vector<1024x64xf32>
    tpu.vector_store %arg5[%swap3A, %swap3A_6], %dot_general3A_5 {strides = array<i32>} : memref<1024x64xf32, #tpu.memory_space<vmem>>, vector<1024x64xf32>,
    %get3A_8 = arith.constant 0 : index
    %get3A_9 = arith.constant 0 : index
    %get3A_10 = vector.load %arg3[%get3A_8, %get3A_9] : memref<128x64xf32, #tpu.memory_space<vmem>>, vector<128x64xf32>
    %dot_general3A_11 = arith.constant dense<0.000000e+00> : vector<1024x64xf32>
    %dot_general3A_12 = tpu.matmul %get3A_1, %get3A_10, %dot_general3A_11 {dimension_numbers = #tpu.dot_dimension_numbers<[1], [0], [0], [1], [0, 0, 1, 1], [], []>, transpose_lhs_hint = false} : vector<1024x128xf32>, vector<128x64xf32>, vector<1024x64xf32> -> vector<1024x64xf32>
    %get3A_13 = arith.constant 0 : index
    %get3A_14 = arith.constant 0 : index
    %get3A_15 = vector.load %arg4[%get3A_13, %get3A_14] : memref<1x64xf32, #tpu.memory_space<vmem>>, vector<1x64xf32>
    %add3A = vector.broadcast %get3A_15 : vector<1x64xf32> to vector<1024x64xf32>
    %add3A_16 = arith.addf %dot_general3A_12, %add3A : vector<1024x64xf32>
    %swap3A_17 = arith.constant 0 : index
    %swap3A_18 = arith.constant 0 : index
    %swap3A_19 = vector.load %arg6[%swap3A_17, %swap3A_18] : memref<1024x64xf32, #tpu.memory_space<vmem>>, vector<1024x64xf32>
    tpu.vector_store %arg6[%swap3A_17, %swap3A_18], %add3A_16 {strides = array<i32>} : memref<1024x64xf32, #tpu.memory_space<vmem>>, vector<1024x64xf32>,
    return
  }
  func.func @transform_0(%arg0: i32) -> (i32, i32) {
    %c0_i32 = arith.constant 0 : i32
    %c0_i32_0 = arith.constant 0 : i32
    return %arg0, %c0_i32 : i32, i32
  }
  func.func @transform_1(%arg0: i32) -> (i32, i32) {
    %c0_i32 = arith.constant 0 : i32
    %c0_i32_0 = arith.constant 0 : i32
    %c0_i32_1 = arith.constant 0 : i32
    return %c0_i32, %c0_i32_0 : i32, i32
  }
  func.func @transform_2(%arg0: i32) -> (i32, i32) {
    %c0_i32 = arith.constant 0 : i32
    %c0_i32_0 = arith.constant 0 : i32
    %c0_i32_1 = arith.constant 0 : i32
    return %c0_i32, %c0_i32_0 : i32, i32
  }
  func.func @transform_3(%arg0: i32) -> (i32, i32) {
    %c0_i32 = arith.constant 0 : i32
    %c0_i32_0 = arith.constant 0 : i32
    %c0_i32_1 = arith.constant 0 : i32
    return %c0_i32, %c0_i32_0 : i32, i32
  }
  func.func @transform_4(%arg0: i32) -> (i32, i32) {
    %c0_i32 = arith.constant 0 : i32
    %c0_i32_0 = arith.constant 0 : i32
    return %arg0, %c0_i32 : i32, i32
  }
  func.func @transform_5(%arg0: i32) -> (i32, i32) {
    %c0_i32 = arith.constant 0 : i32
    %c0_i32_0 = arith.constant 0 : i32
    return %arg0, %c0_i32 : i32, i32
  }
}

module attributes {stable_mosaic.version = 14 : i64} {
  func.func @_mid_body(%arg0: i32, %arg1: memref<2x1024x64xf32, #tpu.memory_space<vmem>>, %arg2: memref<2x16x1024xf32, #tpu.memory_space<vmem>>, %arg3: memref<1024x64xf32, #tpu.memory_space<vmem>>, %arg4: memref<64x64xf32, #tpu.memory_space<vmem>>, %arg5: memref<64x64xf32, #tpu.memory_space<vmem>>, %arg6: memref<1x64xf32, #tpu.memory_space<vmem>>, %arg7: memref<1024x64xf32, #tpu.memory_space<vmem>>, %arg8: memref<1024x64xf32, #tpu.memory_space<vmem>>) attributes {dimension_semantics = [#tpu.dimension_semantics<arbitrary>], iteration_bounds = array<i64: 10>, scalar_prefetch = 0 : i64, scratch_operands = 0 : i64, tpu.core_type = #tpu.core_type<tc>, window_params = [{transform_indices = @transform_0, window_bounds = array<i64: 2, 1024, 64>}, {transform_indices = @transform_1, window_bounds = array<i64: 2, 16, 1024>}, {transform_indices = @transform_2, window_bounds = array<i64: 1024, 64>}, {pipeline_mode = #tpu.pipeline_mode<synchronous>, transform_indices = @transform_3, window_bounds = array<i64: 64, 64>}, {pipeline_mode = #tpu.pipeline_mode<synchronous>, transform_indices = @transform_4, window_bounds = array<i64: 64, 64>}, {pipeline_mode = #tpu.pipeline_mode<synchronous>, transform_indices = @transform_5, window_bounds = array<i64: 1, 64>}, {transform_indices = @transform_6, window_bounds = array<i64: 1024, 64>}, {transform_indices = @transform_7, window_bounds = array<i64: 1024, 64>}]} {
    %get3A = arith.constant 0 : index
    %get3A_0 = arith.constant 0 : index
    %get3A_1 = arith.constant 0 : index
    %get3A_2 = vector.load %arg2[%get3A, %get3A_0, %get3A_1] : memref<2x16x1024xf32, #tpu.memory_space<vmem>>, vector<2x16x1024xf32>
    %reduce_sum3A = arith.constant dense<0.000000e+00> : vector<1024xf32>
    %reduce_sum3A_3 = vector.multi_reduction <add>, %get3A_2, %reduce_sum3A [0, 1] : vector<2x16x1024xf32> to vector<1024xf32>
    %broadcast_in_dim3A = vector.shape_cast %reduce_sum3A_3 : vector<1024xf32> to vector<1024x1xf32>
    %get3A_4 = arith.constant 0 : index
    %get3A_5 = arith.constant 0 : index
    %get3A_6 = arith.constant 0 : index
    %get3A_7 = vector.load %arg1[%get3A_4, %get3A_5, %get3A_6] : memref<2x1024x64xf32, #tpu.memory_space<vmem>>, vector<1x1024x64xf32>
    %get3A_8 = vector.shape_cast %get3A_7 : vector<1x1024x64xf32> to vector<1024x64xf32>
    %get3A_9 = arith.constant 1 : index
    %get3A_10 = arith.constant 0 : index
    %get3A_11 = arith.constant 0 : index
    %get3A_12 = vector.load %arg1[%get3A_9, %get3A_10, %get3A_11] : memref<2x1024x64xf32, #tpu.memory_space<vmem>>, vector<1x1024x64xf32>
    %get3A_13 = vector.shape_cast %get3A_12 : vector<1x1024x64xf32> to vector<1024x64xf32>
    %add3A = arith.addf %get3A_8, %get3A_13 : vector<1024x64xf32>
    %max3A = arith.constant 1.000000e+00 : f32
    %max3A_14 = vector.broadcast %max3A : f32 to vector<1024x1xf32>
    %max3A_15 = arith.maximumf %broadcast_in_dim3A, %max3A_14 : vector<1024x1xf32>
    %div3A = vector.broadcast %max3A_15 : vector<1024x1xf32> to vector<1024x64xf32>
    %div3A_16 = arith.divf %add3A, %div3A : vector<1024x64xf32>
    %get3A_17 = arith.constant 0 : index
    %get3A_18 = arith.constant 0 : index
    %get3A_19 = vector.load %arg3[%get3A_17, %get3A_18] : memref<1024x64xf32, #tpu.memory_space<vmem>>, vector<1024x64xf32>
    %add3A_20 = arith.addf %div3A_16, %get3A_19 : vector<1024x64xf32>
    %max3A_21 = arith.constant 0.000000e+00 : f32
    %max3A_22 = vector.broadcast %max3A_21 : f32 to vector<1024x64xf32>
    %max3A_23 = arith.maximumf %add3A_20, %max3A_22 : vector<1024x64xf32>
    %get3A_24 = arith.constant 0 : index
    %get3A_25 = arith.constant 0 : index
    %get3A_26 = vector.load %arg4[%get3A_24, %get3A_25] : memref<64x64xf32, #tpu.memory_space<vmem>>, vector<64x64xf32>
    %dot_general3A = arith.constant dense<0.000000e+00> : vector<1024x64xf32>
    %dot_general3A_27 = tpu.matmul %max3A_23, %get3A_26, %dot_general3A {dimension_numbers = #tpu.dot_dimension_numbers<[1], [0], [0], [1], [0, 0, 1, 1], [], []>, transpose_lhs_hint = false} : vector<1024x64xf32>, vector<64x64xf32>, vector<1024x64xf32> -> vector<1024x64xf32>
    %swap3A = arith.constant 0 : index
    %swap3A_28 = arith.constant 0 : index
    %swap3A_29 = vector.load %arg7[%swap3A, %swap3A_28] : memref<1024x64xf32, #tpu.memory_space<vmem>>, vector<1024x64xf32>
    tpu.vector_store %arg7[%swap3A, %swap3A_28], %dot_general3A_27 {strides = array<i32>} : memref<1024x64xf32, #tpu.memory_space<vmem>>, vector<1024x64xf32>,
    %get3A_30 = arith.constant 0 : index
    %get3A_31 = arith.constant 0 : index
    %get3A_32 = vector.load %arg5[%get3A_30, %get3A_31] : memref<64x64xf32, #tpu.memory_space<vmem>>, vector<64x64xf32>
    %dot_general3A_33 = arith.constant dense<0.000000e+00> : vector<1024x64xf32>
    %dot_general3A_34 = tpu.matmul %max3A_23, %get3A_32, %dot_general3A_33 {dimension_numbers = #tpu.dot_dimension_numbers<[1], [0], [0], [1], [0, 0, 1, 1], [], []>, transpose_lhs_hint = false} : vector<1024x64xf32>, vector<64x64xf32>, vector<1024x64xf32> -> vector<1024x64xf32>
    %get3A_35 = arith.constant 0 : index
    %get3A_36 = arith.constant 0 : index
    %get3A_37 = vector.load %arg6[%get3A_35, %get3A_36] : memref<1x64xf32, #tpu.memory_space<vmem>>, vector<1x64xf32>
    %add3A_38 = vector.broadcast %get3A_37 : vector<1x64xf32> to vector<1024x64xf32>
    %add3A_39 = arith.addf %dot_general3A_34, %add3A_38 : vector<1024x64xf32>
    %swap3A_40 = arith.constant 0 : index
    %swap3A_41 = arith.constant 0 : index
    %swap3A_42 = vector.load %arg8[%swap3A_40, %swap3A_41] : memref<1024x64xf32, #tpu.memory_space<vmem>>, vector<1024x64xf32>
    tpu.vector_store %arg8[%swap3A_40, %swap3A_41], %add3A_39 {strides = array<i32>} : memref<1024x64xf32, #tpu.memory_space<vmem>>, vector<1024x64xf32>,
    return
  }
  func.func @transform_0(%arg0: i32) -> (i32, i32, i32) {
    %c0_i32 = arith.constant 0 : i32
    %c0_i32_0 = arith.constant 0 : i32
    %c0_i32_1 = arith.constant 0 : i32
    return %c0_i32, %arg0, %c0_i32_0 : i32, i32, i32
  }
  func.func @transform_1(%arg0: i32) -> (i32, i32, i32) {
    %c0_i32 = arith.constant 0 : i32
    %c0_i32_0 = arith.constant 0 : i32
    %c0_i32_1 = arith.constant 0 : i32
    return %c0_i32, %c0_i32_0, %arg0 : i32, i32, i32
  }
  func.func @transform_2(%arg0: i32) -> (i32, i32) {
    %c0_i32 = arith.constant 0 : i32
    %c0_i32_0 = arith.constant 0 : i32
    return %arg0, %c0_i32 : i32, i32
  }
  func.func @transform_3(%arg0: i32) -> (i32, i32) {
    %c0_i32 = arith.constant 0 : i32
    %c0_i32_0 = arith.constant 0 : i32
    %c0_i32_1 = arith.constant 0 : i32
    return %c0_i32, %c0_i32_0 : i32, i32
  }
  func.func @transform_4(%arg0: i32) -> (i32, i32) {
    %c0_i32 = arith.constant 0 : i32
    %c0_i32_0 = arith.constant 0 : i32
    %c0_i32_1 = arith.constant 0 : i32
    return %c0_i32, %c0_i32_0 : i32, i32
  }
  func.func @transform_5(%arg0: i32) -> (i32, i32) {
    %c0_i32 = arith.constant 0 : i32
    %c0_i32_0 = arith.constant 0 : i32
    %c0_i32_1 = arith.constant 0 : i32
    return %c0_i32, %c0_i32_0 : i32, i32
  }
  func.func @transform_6(%arg0: i32) -> (i32, i32) {
    %c0_i32 = arith.constant 0 : i32
    %c0_i32_0 = arith.constant 0 : i32
    return %arg0, %c0_i32 : i32, i32
  }
  func.func @transform_7(%arg0: i32) -> (i32, i32) {
    %c0_i32 = arith.constant 0 : i32
    %c0_i32_0 = arith.constant 0 : i32
    return %arg0, %c0_i32 : i32, i32
  }
}

module attributes {stable_mosaic.version = 14 : i64} {
  func.func @_post_body(%arg0: i32, %arg1: memref<2x1024x64xf32, #tpu.memory_space<vmem>>, %arg2: memref<2x16x1024xf32, #tpu.memory_space<vmem>>, %arg3: memref<1024x64xf32, #tpu.memory_space<vmem>>, %arg4: memref<64x2xf32, #tpu.memory_space<vmem>>, %arg5: memref<1x2xf32, #tpu.memory_space<vmem>>, %arg6: memref<1024x2xf32, #tpu.memory_space<vmem>>) attributes {dimension_semantics = [#tpu.dimension_semantics<arbitrary>], iteration_bounds = array<i64: 10>, scalar_prefetch = 0 : i64, scratch_operands = 0 : i64, tpu.core_type = #tpu.core_type<tc>, window_params = [{transform_indices = @transform_0, window_bounds = array<i64: 2, 1024, 64>}, {transform_indices = @transform_1, window_bounds = array<i64: 2, 16, 1024>}, {transform_indices = @transform_2, window_bounds = array<i64: 1024, 64>}, {pipeline_mode = #tpu.pipeline_mode<synchronous>, transform_indices = @transform_3, window_bounds = array<i64: 64, 2>}, {pipeline_mode = #tpu.pipeline_mode<synchronous>, transform_indices = @transform_4, window_bounds = array<i64: 1, 2>}, {transform_indices = @transform_5, window_bounds = array<i64: 1024, 2>}]} {
    %get3A = arith.constant 0 : index
    %get3A_0 = arith.constant 0 : index
    %get3A_1 = arith.constant 0 : index
    %get3A_2 = vector.load %arg2[%get3A, %get3A_0, %get3A_1] : memref<2x16x1024xf32, #tpu.memory_space<vmem>>, vector<2x16x1024xf32>
    %reduce_sum3A = arith.constant dense<0.000000e+00> : vector<1024xf32>
    %reduce_sum3A_3 = vector.multi_reduction <add>, %get3A_2, %reduce_sum3A [0, 1] : vector<2x16x1024xf32> to vector<1024xf32>
    %broadcast_in_dim3A = vector.shape_cast %reduce_sum3A_3 : vector<1024xf32> to vector<1024x1xf32>
    %get3A_4 = arith.constant 0 : index
    %get3A_5 = arith.constant 0 : index
    %get3A_6 = arith.constant 0 : index
    %get3A_7 = vector.load %arg1[%get3A_4, %get3A_5, %get3A_6] : memref<2x1024x64xf32, #tpu.memory_space<vmem>>, vector<1x1024x64xf32>
    %get3A_8 = vector.shape_cast %get3A_7 : vector<1x1024x64xf32> to vector<1024x64xf32>
    %get3A_9 = arith.constant 1 : index
    %get3A_10 = arith.constant 0 : index
    %get3A_11 = arith.constant 0 : index
    %get3A_12 = vector.load %arg1[%get3A_9, %get3A_10, %get3A_11] : memref<2x1024x64xf32, #tpu.memory_space<vmem>>, vector<1x1024x64xf32>
    %get3A_13 = vector.shape_cast %get3A_12 : vector<1x1024x64xf32> to vector<1024x64xf32>
    %add3A = arith.addf %get3A_8, %get3A_13 : vector<1024x64xf32>
    %max3A = arith.constant 1.000000e+00 : f32
    %max3A_14 = vector.broadcast %max3A : f32 to vector<1024x1xf32>
    %max3A_15 = arith.maximumf %broadcast_in_dim3A, %max3A_14 : vector<1024x1xf32>
    %div3A = vector.broadcast %max3A_15 : vector<1024x1xf32> to vector<1024x64xf32>
    %div3A_16 = arith.divf %add3A, %div3A : vector<1024x64xf32>
    %get3A_17 = arith.constant 0 : index
    %get3A_18 = arith.constant 0 : index
    %get3A_19 = vector.load %arg3[%get3A_17, %get3A_18] : memref<1024x64xf32, #tpu.memory_space<vmem>>, vector<1024x64xf32>
    %add3A_20 = arith.addf %div3A_16, %get3A_19 : vector<1024x64xf32>
    %max3A_21 = arith.constant 0.000000e+00 : f32
    %max3A_22 = vector.broadcast %max3A_21 : f32 to vector<1024x64xf32>
    %max3A_23 = arith.maximumf %add3A_20, %max3A_22 : vector<1024x64xf32>
    %get3A_24 = arith.constant 0 : index
    %get3A_25 = arith.constant 0 : index
    %get3A_26 = vector.load %arg4[%get3A_24, %get3A_25] : memref<64x2xf32, #tpu.memory_space<vmem>>, vector<64x2xf32>
    %dot_general3A = arith.constant dense<0.000000e+00> : vector<1024x2xf32>
    %dot_general3A_27 = tpu.matmul %max3A_23, %get3A_26, %dot_general3A {dimension_numbers = #tpu.dot_dimension_numbers<[1], [0], [0], [1], [0, 0, 1, 1], [], []>, transpose_lhs_hint = false} : vector<1024x64xf32>, vector<64x2xf32>, vector<1024x2xf32> -> vector<1024x2xf32>
    %get3A_28 = arith.constant 0 : index
    %get3A_29 = arith.constant 0 : index
    %get3A_30 = vector.load %arg5[%get3A_28, %get3A_29] : memref<1x2xf32, #tpu.memory_space<vmem>>, vector<1x2xf32>
    %add3A_31 = vector.broadcast %get3A_30 : vector<1x2xf32> to vector<1024x2xf32>
    %add3A_32 = arith.addf %dot_general3A_27, %add3A_31 : vector<1024x2xf32>
    %swap3A = arith.constant 0 : index
    %swap3A_33 = arith.constant 0 : index
    %swap3A_34 = vector.load %arg6[%swap3A, %swap3A_33] : memref<1024x2xf32, #tpu.memory_space<vmem>>, vector<1024x2xf32>
    tpu.vector_store %arg6[%swap3A, %swap3A_33], %add3A_32 {strides = array<i32>} : memref<1024x2xf32, #tpu.memory_space<vmem>>, vector<1024x2xf32>,
    return
  }
  func.func @transform_0(%arg0: i32) -> (i32, i32, i32) {
    %c0_i32 = arith.constant 0 : i32
    %c0_i32_0 = arith.constant 0 : i32
    %c0_i32_1 = arith.constant 0 : i32
    return %c0_i32, %arg0, %c0_i32_0 : i32, i32, i32
  }
  func.func @transform_1(%arg0: i32) -> (i32, i32, i32) {
    %c0_i32 = arith.constant 0 : i32
    %c0_i32_0 = arith.constant 0 : i32
    %c0_i32_1 = arith.constant 0 : i32
    return %c0_i32, %c0_i32_0, %arg0 : i32, i32, i32
  }
  func.func @transform_2(%arg0: i32) -> (i32, i32) {
    %c0_i32 = arith.constant 0 : i32
    %c0_i32_0 = arith.constant 0 : i32
    return %arg0, %c0_i32 : i32, i32
  }
  func.func @transform_3(%arg0: i32) -> (i32, i32) {
    %c0_i32 = arith.constant 0 : i32
    %c0_i32_0 = arith.constant 0 : i32
    %c0_i32_1 = arith.constant 0 : i32
    return %c0_i32, %c0_i32_0 : i32, i32
  }
  func.func @transform_4(%arg0: i32) -> (i32, i32) {
    %c0_i32 = arith.constant 0 : i32
    %c0_i32_0 = arith.constant 0 : i32
    %c0_i32_1 = arith.constant 0 : i32
    return %c0_i32, %c0_i32_0 : i32, i32
  }
  func.func @transform_5(%arg0: i32) -> (i32, i32) {
    %c0_i32 = arith.constant 0 : i32
    %c0_i32_0 = arith.constant 0 : i32
    return %arg0, %c0_i32 : i32, i32
  }
}

</mosaic_0001>

<sc_bundles>
// kernel: kernel.10.cloned.1.call-start
scs
__scs_entry_jumppad:
0x0: {  	(pc) =	sbr.rel $0x88, $3  }
0x1: {  	(tag) =	ssettag $0x0;
	lr =	simm.s32 $0x1  }
0x2: {  	[smem:$0x3F97] =	sst lr;
	_ =	strace $0xD0000000  }
0x3: {  	_ = 	snop  }
0x4: {  	_ = 	snop  }
0x5: {  	_ = 	snop  }
0x6: {  	_ = 	snop  }
0x7: {  	_ = 	snop  }
__scs_overlays_trampoline_lowered:
0x8: {  	[smem:$0x3FA6] =	sst s0  }
0x9: {  	[smem:$0x3FA7] =	sst s1  }
0xa: {  	[smem:$0x3FA8] =	sst s2  }
0xb: {  	[smem:$0x3FA9] =	sst s3  }
0xc: {  	[smem:$0x3FAA] =	sst s4  }
0xd: {  	[smem:$0x3FAB] =	sst s5  }
0xe: {  	[smem:$0x3FAC] =	sst s6  }
0xf: {  	[smem:$0x3FAD] =	sst s7  }
0x10: {  	[smem:$0x3FAE] =	sst s8  }
0x11: {  	[smem:$0x3FAF] =	sst s9;
	s0 =	simm.s32 @!p0 $0x0  }
0x12: {  	s1 =	sld [smem:$0x3F95];
	s0 =	simm.s32 @p0 $0x1  }
0x13: {  	[smem:$0x3FB0] =	sst s0;
	s0 =	simm.s32 @!p1 $0x0  }
0x14: {  	s2 =	sld [smem:$0x3F94];
	s0 =	simm.s32 @p1 $0x1  }
0x15: {  	[smem:$0x3FB1] =	sst s0;
	s0 =	simm.s32 @!p2 $0x0  }
0x16: {  	s3 =	sld [smem:$0x3FDB];
	s0 =	simm.s32 @p2 $0x1  }
0x17: {  	s4 =	simm.s32 $0x1BF5;
	[smem:$0x3FB3] =	sst s0  }
0x18: {  	s0 =	sld [smem:$0x3F96];
	_ =	swait.ge [sflag:s4], $0x0  }
0x19: {  	s7 =	sld [smem:$0x3F97]  }
0x1a: {  	s8 =	sadd.s32 $0xFFFFE003, lr  }
0x1b: {  	s9 =	sadd.s32 $0xFFFFFEF7, lr;
	s5 =	simm.s32 $0xFFFFFFFF;
	p2 =	slt.u32 s8, $0xFFFFF086  }
0x1c: {  	p1 =	slt.u32 s9, $0xF7A;
	s5 =	simm.s32 @!p2 $0x0  }
0x1d: {  	s5 =	simm.s32 @p1 $0x1;
	p0 =	seq.s32 s7, s2  }
0x1e: {  	s7 =	smul.u32 @!p0 $0xF7A, s2;
	p2 =	seq.s32 @!p0 s5, $0x0  }
0x1f: {  	s9 =	smul.u32 $0xF7A, s1;
	s8 =	simm.s32 @!p0 $0x1BF5;
	p2 =	por !p2, p0  }
0x20: {  	[sflag:s8] =	ssyncset.s32 @!p0 $0xFFFFF086;
	s6 =	sadd.s32 @!p0 s3, s7;
	s7 =	simm.s32 @!p0 $0x108  }
0x21: {  	s3 =	sadd.s32 s3, s9;
	s6 =	sadd.s32 @!p0 $0x88, s6;
	s7 =	simm.s32 @p2 $0x1082  }
0x22: {  	[simem:s7], [sflag:s8] =	dma.local @!p0 [hbm:s6], $0xF7A  }
0x23: {  	s9 =	sor.u32 $0xD0000000, s2;
	s6 =	simm.s32 $0x108;
	_ =	swait.ge @!p0 [sflag:s8], $0x0  }
0x24: {  	s3 =	sadd.s32 $0x88, s3;
	s6 =	simm.s32 @!p1 $0x1082;
	[sflag:s4] =	ssyncset.s32 $0xFFFFF086  }
0x25: {  	[simem:s6], [sflag:s4] =	dma.local [hbm:s3], $0xF7A  }
0x26: {  	[smem:$0x3F97] =	sst s1;
	(tag) =	ssettag s2;
	_ =	strace s9  }
0x27: {  	s1 =	sld [smem:$0x3FA7]  }
0x28: {  	s2 =	sld [smem:$0x3FA8]  }
0x29: {  	s4 =	sld [smem:$0x3FAA]  }
0x2a: {  	p0 =	seq.s32 s5, $0x0;
	s5 =	sld [smem:$0x3FAB]  }
0x2b: {  	s6 =	sld [smem:$0x3FAC]  }
0x2c: {  	s7 =	sld [smem:$0x3FAD]  }
0x2d: {  	s3 =	simm.s32 $0x108;
	s8 =	sld [smem:$0x3FAE]  }
0x2e: {  	s3 =	simm.s32 @!p0 $0x1082;
	s9 =	sld [smem:$0x3FAF]  }
0x2f: {  	lr =	sadd.s32 s0, s3;
	s0 =	sld [smem:$0x3FA6]  }
0x30: {  	s3 =	sld [smem:$0x3FA9]  }
0x31: {  	[smem:$0x3FB2] =	sst s10  }
0x32: {  	s10 =	sld [smem:$0x3FB0];
	_ =	sdelay $0x3  }
0x33: {  	p0 =	seq.s32 s10, $0x1;
	s10 =	sld [smem:$0x3FB2];
	_ =	sdelay $0x3  }
0x34: {  	[smem:$0x3FB2] =	sst s10  }
0x35: {  	s10 =	sld [smem:$0x3FB1];
	_ =	sdelay $0x3  }
0x36: {  	p1 =	seq.s32 s10, $0x1;
	s10 =	sld [smem:$0x3FB2];
	_ =	sdelay $0x3  }
0x37: {  	[smem:$0x3FB2] =	sst s10  }
0x38: {  	s10 =	sld [smem:$0x3FB3]  }
0x39: {  	_ = 	snop;
	(pc) =	sbr.ind lr, $3  }
0x3a: {  	_ = 	snop  }
0x3b: {  	_ = 	snop  }
0x3c: {  	p2 =	seq.s32 s10, $0x1;
	s10 =	sld [smem:$0x3FB2]  }
0x3d: {  	_ =	shalt  }
0x3e: {  	_ =	shalt  }
0x3f: {  	_ =	shalt  }
0x40: {  	_ =	shalt  }
0x41: {  	_ =	shalt  }
0x42: {  	_ =	shalt  }
0x43: {  	_ =	shalt  }
0x44: {  	_ =	shalt  }
0x45: {  	_ =	shalt  }
0x46: {  	_ =	shalt  }
0x47: {  	_ =	shalt  }
0x48: {  	_ =	shalt  }
0x49: {  	_ =	shalt  }
0x4a: {  	_ =	shalt  }
0x4b: {  	_ =	shalt  }
0x4c: {  	_ =	shalt  }
0x4d: {  	_ =	shalt  }
0x4e: {  	_ =	shalt  }
0x4f: {  	_ =	shalt  }
0x50: {  	_ =	shalt  }
0x51: {  	_ =	shalt  }
0x52: {  	_ =	shalt  }
0x53: {  	_ =	shalt  }
0x54: {  	_ =	shalt  }
0x55: {  	_ =	shalt  }
0x56: {  	_ =	shalt  }
0x57: {  	_ =	shalt  }
0x58: {  	_ =	shalt  }
0x59: {  	_ =	shalt  }
0x5a: {  	_ =	shalt  }
0x5b: {  	_ =	shalt  }
0x5c: {  	_ =	shalt  }
0x5d: {  	_ =	shalt  }
0x5e: {  	_ =	shalt  }
0x5f: {  	_ =	shalt  }
0x60: {  	_ =	shalt  }
0x61: {  	_ =	shalt  }
0x62: {  	_ =	shalt  }
0x63: {  	_ =	shalt  }
0x64: {  	_ =	shalt  }
0x65: {  	_ =	shalt  }
0x66: {  	_ =	shalt  }
0x67: {  	_ =	shalt  }
0x68: {  	_ =	shalt  }
0x69: {  	_ =	shalt  }
0x6a: {  	_ =	shalt  }
0x6b: {  	_ =	shalt  }
0x6c: {  	_ =	shalt  }
0x6d: {  	_ =	shalt  }
0x6e: {  	_ =	shalt  }
0x6f: {  	_ =	shalt  }
0x70: {  	_ =	shalt  }
0x71: {  	_ =	shalt  }
0x72: {  	_ =	shalt  }
0x73: {  	_ =	shalt  }
0x74: {  	_ =	shalt  }
0x75: {  	_ =	shalt  }
0x76: {  	_ =	shalt  }
0x77: {  	_ =	shalt  }
0x78: {  	_ =	shalt  }
0x79: {  	_ =	shalt  }
0x7a: {  	_ =	shalt  }
0x7b: {  	_ =	shalt  }
0x7c: {  	_ =	shalt  }
0x7d: {  	_ =	shalt  }
0x7e: {  	_ =	shalt  }
0x7f: {  	_ =	shalt  }
0x80: {  	_ =	shalt  }
0x81: {  	_ =	shalt  }
0x82: {  	_ =	shalt  }
0x83: {  	_ =	shalt  }
0x84: {  	_ =	shalt  }
0x85: {  	_ =	shalt  }
0x86: {  	_ =	shalt  }
0x87: {  	_ =	shalt  }
.Lfunc_end0:
.L_simem_size_0:
called_computation.1_lowered:
.L_overlay_start_0:
0x88: {  	s2 =	sld [smem:$0x3FD9]  }
0x89: {  	s3 =	sld [smem:$0x3FFE];
	_ =	sdelay $0x1  }
0x8a: {  	s1 =	srdreg.scid  }
0x8b: {  	s0 =	sand.u32 $0x1, s1  }
0x8c: {  	s16 =	sshll.u32 s0, $0xA;
	s2 =	sadd.s32 s3, s2  }
0x8d: {  	s2 =	sadd.s32 s2, s16  }
0x8e: {  	[smem:$0x3FBE] =	sst s2  }
0x8f: {  	_ = 	snop  }
0x90: {  	(tm) =	ssettm $0x1  }
0x91: {  	s17 =	sld [smem:$0x3FFB];
	_ =	sdelay $0x3  }
0x92: {  	_ =	strace s17  }
0x93: {  	s2 =	sld [smem:$0x3FFC];
	_ =	sdelay $0x3  }
0x94: {  	_ =	strace s2  }
0x95: {  	s2 =	sld [smem:$0x3FFD];
	_ =	sdelay $0x3  }
0x96: {  	_ =	strace s2  }
0x97: {  	_ =	strace $0x8FFFFFFF  }
0x98: {  	s18 =	sld [smem:$0x3FDB];
	_ =	sdelay $0x1  }
0x99: {  	s19 =	simm.s32 $_scs_section_size  }
0x9a: {  	s4 =	simm.s32 $_size__tile_overlayer_lowered;
	s5 =	simm.s32 $_tile_overlayer_lowered  }
0x9b: {  	s22 =	simm.s32 $0x1BFF;
	s21 =	sshll.u32 s5, $0x1;
	s2 =	sadd.s32 s19, s18  }
0x9c: {  	s6 =	simm.s32 $0x0;
	s20 =	sshll.u32 s4, $0x1;
	s4 =	sadd.s32 s21, s2  }
0x9d: {  	[timem:s6], [sflag:s22] =	dma.local [hbm:s4], s20  }
0x9e: {  	_ =	swait.ge [sflag:s22], s20  }
0x9f: {  	s3 =	ssub.s32 $0x0, s20;
	[sflag:s22] =	ssyncset.done $0x0  }
0xa0: {  	[sflag:s22] =	ssyncadd.s32 s3;
	_ =	sdelay $0x1  }
0xa1: {  	s23 =	simm.s32 $0x1B8B  }
0xa2: {  	_ =	swait.ge [sflag:s23], $0x1  }
0xa3: {  	[sflag:s23] =	ssyncset.done $0x0  }
0xa4: {  	s25 =	simm.s32 $0x1B8E;
	s24 =	sld [smem:$0x3FFE];
	[sflag:s23] =	ssyncadd.s32 $0xFFFFFFFF  }
0xa5: {  	s26 =	simm.s32 $execute0_lowered;
	[smem:$0x3FD2] =	sst s25  }
0xa6: {  	s4 =	sshll.u32 s26, $0x1;
	_ =	strace $0x80000049;
	[dreg:$0x1] =	wrdreg $0xFFFFFFFF  }
0xa7: {  	s28 =	simm.s32 $_size_execute0_lowered;
	s2 =	sadd.s32 s2, s4;
	[dreg:$0x0] =	wrdreg $0x0  }
0xa8: {  	s4 =	sshll.u32 s28, $0x1;
	[dreg:$0x2] =	wrdreg s2  }
0xa9: {  	[dreg:$0x3] =	wrdreg s4  }
0xaa: {  	[dreg:$0x4] =	wrdreg $0xC0  }
0xab: {  	_ =	task [dreg:s6], $0x5FFFF  }
0xac: {  	[dreg:$0x1] =	wrdreg $0xFFFFFFFF  }
0xad: {  	[dreg:$0x0] =	wrdreg $0x60  }
0xae: {  	[dreg:$0x2] =	wrdreg s24  }
0xaf: {  	[dreg:$0x3] =	wrdreg $0x8E400  }
0xb0: {  	[dreg:$0x4] =	wrdreg $0x12A800  }
0xb1: {  	[dreg:$0x5] =	wrdreg $0x9  }
0xb2: {  	_ =	task.clear_ibuf [dreg:s6], $0x6FFFF;
	_ =	strace $0x90000049  }
0xb3: {  	s29 =	simm.s32 $0x9;
	_ =	strace $0x8000004B  }
0xb4: {  	_ =	swait.ge [sflag:s29], $0x1  }
0xb5: {  	[sflag:s29] =	ssyncadd.s32 $0xFFFFFFFF  }
0xb6: {  	_ =	strace $0x9000004B  }
0xb7: {  	_ =	sfence  }
0xb8: {  	s30 =	sld [smem:$0x0];
	_ =	sdelay $0x2  }
0xb9: {  	s31 =	sshll.u32 s1, $0xD;
	s1 =	sshrl.u32 s1, $0x2  }
0xba: {  	s3 =	sand.u32 $0x4000, s31;
	s1 =	sadd.s32 s1, s30  }
0xbb: {  	s0 =	sor.u32 s3, s0;
	s1 =	sshll.u32 s1, $0x11  }
0xbc: {  	s0 =	sor.u32 s1, s0  }
0xbd: {  	s0 =	sadd.s32 $0x8F2B, s0  }
0xbe: {  	[sflag:s0] =	ssyncadd.remote.s32 $0x1  }
0xbf: {  	_ =	sfence.sel $0xFFFF  }
0xc0: {  	[dreg:$0x0] =	wrdreg $0xFFFFFFFF;
	(pc) =	sbr.abs _section_cstart, $3  }
0xc1: {  	[dreg:$0x1] =	wrdreg $0xFFFFFFFF  }
0xc2: {  	_ =	task.clear_ibuf [dreg:s6], $0x2FFFF;
	_ =	strace $0x9FFFFFFF  }
0xc3: {  	(tm) =	ssettm $0x7FFFFFFF  }
tec
execute0_lowered:
.L_overlay_start_1:
0x0: {  	(tag) =	ssettag $0x1  }
0x1: {  	s0 =	rddreg [dreg:$0x0]  }
0x2: {  	s2 =	rddreg [dreg:$0x1]  }
0x3: {  	s13 =	stileid.u32;
	s3 =	rddreg [dreg:$0x2];
	s4 =	simm.s32 $0x0  }
0x4: {  	s6 =	srdreg.scid;
	s28 =	simm.s32 $0x5640;
	s30 =	simm.s32 $0x5E40  }
0x5: {  	s31 =	simm.s32 $0x2;
	s29 =	simm.s32 $0x0;
	s1 =	smul.u32 $0x9C40, s13  }
0x6: {  	[smem:$0x7FF] =	sst s4;
	s6 =	sand.u32 $0x1, s6;
	s8 =	sadd.s32 $0x15A00, s0  }
0x7: {  	s10 =	sadd.s32 $0x29400, s0;
	s11 =	sshll.u32 s13, $0x1;
	s14 =	sshll.u32 s13, $0x6  }
0x8: {  	s15 =	smul.u32 $0xA000, s13;
	p0 =	slt.u32 s13, $0x8;
	_ =	strace $0x8000004A  }
0x9: {  	s7 =	smul.u32 $0x14000, s6;
	s9 =	ssub.s32 $0x2, s6;
	[dreg:$0x4] =	wrdreg s10  }
0xa: {  	s6 =	sor.u32 s6, s11;
	s5 =	sshrl.u32 s1, $0x3;
	s26 =	sshrl.u32 s9, $0x1  }
0xb: {  	s1 =	sadd.s32 s1, s2;
	s11 =	smul.u32 $0x4E0, s6;
	s18 =	sadd.s32 s15, s3  }
0xc: {  	s6 =	sshll.u32 s6, $0x2;
	s5 =	sadd.s32 s5, s0;
	s12 =	sadd.s32 s7, s0  }
0xd: {  	s9 =	ssub.s32 s9, s26;
	s7 =	sor.u32 $0x1C03, s14;
	[dreg:$0x7] =	wrdreg s18  }
0xe: {  	s6 =	sor.u32 $0x9C00, s6;
	s26 =	sshrl.u32 s15, $0x3;
	[dreg:$0x6] =	wrdreg s11  }
0xf: {  	s5 =	sadd.s32 $0x2000, s5;
	s11 =	sadd.s32 s8, s11;
	[dreg:$0x9] =	wrdreg s6  }
0x10: {  	s6 =	sadd.s32 s8, s6;
	s25 =	sadd.s32 $0x2A800, s12;
	[dreg:$0x5] =	wrdreg s5  }
0x11: {  	s5 =	simm.s32 $0x136;
	[dreg:$0x8] =	wrdreg s11;
	s11 =	sadd.s32 $0x1F640, s0  }
0x12: {  	[dreg:$0xa] =	wrdreg s6;
	s6 =	simm.s32 $0x137;
	s5 =	simm.s32 @!p0 $0x135  }
0x13: {  	s6 =	simm.s32 @!p0 $0x136;
	s19 =	sshll.u32 s5, $0xB;
	s5 =	sshll.u32 s5, $0x5  }
0x14: {  	s20 =	sshll.u32 s6, $0xB;
	s23 =	sshll.u32 s6, $0x5;
	s0 =	sand.u32 $0x3800, s19  }
0x15: {  	s5 =	sadd.s32 $0x2720, s5;
	s21 =	sand.u32 $0x3800, s20;
	s17 =	sadd.s32 $0x2720, s23  }
0x16: {  	s20 =	smax.u32 s9, $0x1;
	s0 =	sadd.s32 $0x4E40, s0;
	[dreg:$0xc] =	wrdreg s5  }
0x17: {  	s23 =	simm.s32 $0x2720;
	[dreg:$0xb] =	wrdreg s0;
	s0 =	simm.s32 $0x138  }
0x18: {  	s16 =	sadd.s32 $0x4E40, s21;
	s21 =	sshrl.u32 s1, $0x3;
	s0 =	simm.s32 @!p0 $0x137  }
0x19: {  	s1 =	simm.s32 $0x6640;
	s22 =	sshll.u32 s0, $0xB;
	s0 =	sshll.u32 s0, $0x5  }
0x1a: {  	p0 =	sgt.u32 s13, $0x7;
	s24 =	sand.u32 $0x3800, s22;
	s19 =	sadd.s32 $0x2720, s0  }
0x1b: {  	s22 =	simm.s32 $0x3;
	s0 =	simm.s32 $0x1;
	s18 =	sadd.s32 $0x4E40, s24  }
0x1c: {  	s24 =	sadd.s32 s26, s25;
	s25 =	simm.s32 $0x20;
	s26 =	simm.s32 $0x4E40  }
.LBB2_1:
0x1d: {  	s5 =	rddreg [dreg:$0x5]  }
0x1e: {  	[spmem:s21], [sflag:s7] =	dma.local [hbm:s5], $0x1388  }
0x1f: {  	_ =	swait.ge [sflag:s22], $0x1388  }
0x20: {  	[sflag:s22] =	ssyncset.done $0x0;
	s12 =	rddreg [dreg:$0x7]  }
0x21: {  	s6 =	rddreg [dreg:$0x4];
	[sflag:s22] =	ssyncadd.s32 $0xFFFFEC78;
	s5 =	sshrl.u32 s12, $0x3  }
0x22: {  	[spmem:s5], [sflag:s7] =	dma.local [hbm:s6], $0x1400  }
0x23: {  	_ =	swait.ge [sflag:s22], $0x1400  }
0x24: {  	[sflag:s22] =	ssyncset.done $0x0  }
0x25: {  	s13 =	rddreg [dreg:$0x8];
	[sflag:s22] =	ssyncadd.s32 $0xFFFFEC00  }
0x26: {  	[tilespmem:s4], [sflag:$0x3] =	stream.linear.gather [hbm4b:s13+s4], $0x2700, $0x38;
	[tilespmem:$0x1CA80] =	vst v63  }
0x27: {  	_ =	swait.ge [sflag:s22], $0x2700  }
0x28: {  	[sflag:s22] =	ssyncset.done $0x0;
	s14 =	rddreg [dreg:$0x6]  }
0x29: {  	[sflag:s22] =	ssyncadd.s32 $0xFFFFD900;
	s6 =	sadd.s32 s14, s11  }
0x2a: {  	[tilespmem:s23], [sflag:$0x3] =	stream.linear.gather [hbm4b:s6+s4], $0x2700, $0x38;
	[tilespmem:$0x1CA80] =	vst v63  }
0x2b: {  	_ =	swait.ge [sflag:s22], $0x2700  }
0x2c: {  	s8 =	simm.s32 @!p0 $0x2700;
	[sflag:s22] =	ssyncset.done $0x0  }
0x2d: {  	s6 =	simm.s32 @!p0 $0x0;
	s9 =	rddreg [dreg:$0xa];
	[sflag:s22] =	ssyncadd.s32 $0xFFFFD900  }
0x2e: {  	[tilespmem:s8], [sflag:$0x3] =	stream.linear.gather @!p0 [hbm4b:s9+s6], $0x20, $0x38;
	[tilespmem:$0x1CA80] =	vst v63  }
0x2f: {  	s8 =	simm.s32 @!p0 $0x3  }
0x30: {  	_ =	swait.ge @!p0 [sflag:s8], $0x20  }
0x31: {  	[sflag:s8] =	ssyncset.done @!p0 $0x0;
	s9 =	rddreg [dreg:$0x9]  }
0x32: {  	s10 =	simm.s32 @!p0 $0x4E20;
	[sflag:s8] =	ssyncadd.s32 @!p0 $0xFFFFFFE0;
	s9 =	sadd.s32 @!p0 s9, s11  }
0x33: {  	[tilespmem:s10], [sflag:$0x3] =	stream.linear.gather @!p0 [hbm4b:s9+s6], $0x20, $0x38;
	[tilespmem:$0x1CA80] =	vst v63  }
0x34: {  	_ =	swait.ge @!p0 [sflag:s8], $0x20  }
0x35: {  	[sflag:s8] =	ssyncset.done @!p0 $0x0  }
0x36: {  	[sflag:s8] =	ssyncadd.s32 @!p0 $0xFFFFFFE0  }
0x37: {  	[bflag:$0x0] =	sbarrier.arrive $0xFFFF  }
0x38: {  	[tilespmem:s26], [sflag:$0x1] =	stream.indirect.gather [spmem:s2], $0x40, s4, s25, $0xb8;
	[tilespmem:$0x1CA80] =	vst v63  }
0x39: {  	_ = 	snop  }
0x3a: {  	[tilespmem:s28], [sflag:$0x1] =	stream.indirect.gather [spmem:s2], $0x40, s25, s25, $0xb8;
	[tilespmem:$0x1CA80] =	vst v63  }
0x3b: {  	s15 =	simm.s32 $0x40  }
0x3c: {  	[tilespmem:s30], [sflag:$0x1] =	stream.indirect.gather [spmem:s2], $0x40, s15, s25, $0xb8;
	[tilespmem:$0x1CA80] =	vst v63  }
0x3d: {  	s8 =	simm.s32 $0x60  }
0x3e: {  	[tilespmem:s1], [sflag:$0x1] =	stream.indirect.gather [spmem:s2], $0x40, s8, s25, $0xb8;
	[tilespmem:$0x1CA80] =	vst v63  }
0x3f: {  	_ =	swait.ge [sflag:s0], $0x800  }
0x40: {  	[sflag:s0] =	ssyncset.done $0x0  }
0x41: {  	[sflag:s0] =	ssyncadd.s32 $0xFFFFF800  }
0x42: {  	[spmem:s3] =	stream.indirect.scatter.add.f32 [tilespmem:s26], [sflag:$0x2], $0x40, s23, s25, $0xb8;
	[tilespmem:$0x1CA80] =	vst v63  }
0x43: {  	s9 =	simm.s32 $0x80;
	s10 =	simm.s32 $0x6E40  }
0x44: {  	[tilespmem:s10], [sflag:$0x1] =	stream.indirect.gather [spmem:s2], $0x40, s9, s25, $0xb8;
	[tilespmem:$0x1CA80] =	vst v63  }
0x45: {  	_ =	swait.ge [sflag:s0], $0x800  }
0x46: {  	[sflag:s0] =	ssyncset.done $0x0  }
0x47: {  	s12 =	simm.s32 $0x2740;
	[sflag:s0] =	ssyncadd.s32 $0xFFFFF800  }
0x48: {  	[spmem:s3] =	stream.indirect.scatter.add.f32 [tilespmem:s28], [sflag:$0x2], $0x40, s12, s25, $0xb8;
	[tilespmem:$0x1CA80] =	vst v63  }
0x49: {  	s13 =	simm.s32 $0xA0;
	s14 =	simm.s32 $0x7640  }
0x4a: {  	[tilespmem:s14], [sflag:$0x1] =	stream.indirect.gather [spmem:s2], $0x40, s13, s25, $0xb8;
	[tilespmem:$0x1CA80] =	vst v63  }
0x4b: {  	_ =	swait.ge [sflag:s0], $0x800  }
0x4c: {  	[sflag:s0] =	ssyncset.done $0x0  }
0x4d: {  	s15 =	simm.s32 $0x2760;
	[sflag:s0] =	ssyncadd.s32 $0xFFFFF800  }
0x4e: {  	[spmem:s3] =	stream.indirect.scatter.add.f32 [tilespmem:s30], [sflag:$0x2], $0x40, s15, s25, $0xb8;
	[tilespmem:$0x1CA80] =	vst v63  }
0x4f: {  	s6 =	simm.s32 @!p0 $0x135;
	s8 =	simm.s32 $0xC0;
	s9 =	simm.s32 $0x7E40  }
0x50: {  	[tilespmem:s9], [sflag:$0x1] =	stream.indirect.gather [spmem:s2], $0x40, s8, s25, $0xb8;
	[tilespmem:$0x1CA80] =	vst v63  }
0x51: {  	s6 =	simm.s32 @p0 $0x134;
	_ =	swait.ge [sflag:s0], $0x800  }
0x52: {  	s10 =	simm.s32 $0x2780;
	s12 =	simm.s32 $0xE0;
	[sflag:s0] =	ssyncset.done $0x0  }
0x53: {  	s13 =	simm.s32 $0x8640;
	s9 =	sshll.u32 s6, $0xD;
	[sflag:s0] =	ssyncadd.s32 $0xFFFFF800  }
0x54: {  	[spmem:s3] =	stream.indirect.scatter.add.f32 [tilespmem:s1], [sflag:$0x2], $0x40, s10, s25, $0xb8;
	[tilespmem:$0x1CA80] =	vst v63  }
0x55: {  	s14 =	simm.s32 $0x8000;
	s8 =	simm.s32 $0xA000;
	p1 =	sne.s32 s9, $0xA000  }
0x56: {  	[tilespmem:s13], [sflag:$0x1] =	stream.indirect.gather [spmem:s2], $0x40, s12, s25, $0xb8;
	[tilespmem:$0x1CA80] =	vst v63  }
0x57: {  	s12 =	simm.s32 $0x27A0;
	s13 =	sand.u32 $0xE000, s14;
	_ =	swait.ge [sflag:s0], $0x800  }
0x58: {  	s14 =	simm.s32 $0x10000;
	s13 =	sshrl.u32 s13, $0x2;
	[sflag:s0] =	ssyncset.done $0x0  }
.Ltmp0:
0x59: {  	s13 =	sadd.s32 $0x4E40, s13;
	[sflag:s0] =	ssyncadd.s32 $0xFFFFF800;
	(pc) =	sbr.rel @!p1 .LBB2_3-.Ltmp0, $4  }
0x5a: {  	[spmem:s3] =	stream.indirect.scatter.add.f32 [tilespmem:s13], [sflag:$0x2], $0x40, s12, s25, $0xb8;
	[tilespmem:$0x1CA80] =	vst v63  }
0x5b: {  	s10 =	simm.s32 $0x100;
	s15 =	sand.u32 $0xE000, s14;
	_ =	swait.ge [sflag:s31], $0x800  }
0x5c: {  	s14 =	simm.s32 $0x120;
	s12 =	sshrl.u32 s15, $0x2;
	[sflag:s31] =	ssyncset.done $0x0  }
0x5d: {  	s13 =	simm.s32 $0x27C0;
	s12 =	sadd.s32 $0x4E40, s12;
	[sflag:s31] =	ssyncadd.s32 $0xFFFFF800  }
.LBB2_2:
0x5e: {  	[tilespmem:s12], [sflag:$0x1] =	stream.indirect.gather [spmem:s2], $0x40, s10, s25, $0xb8;
	[tilespmem:$0x1CA80] =	vst v63  }
0x5f: {  	s12 =	smov.u32 s8;
	s10 =	smov.u32 s14;
	s8 =	sadd.s32 $0x2000, s8  }
0x60: {  	_ =	swait.ge [sflag:s0], $0x800;
	s15 =	sand.u32 $0xE000, s12;
	s12 =	sadd.s32 $0x8000, s12  }
0x61: {  	p1 =	sne.s32 s9, s8;
	[sflag:s0] =	ssyncset.done $0x0;
	s15 =	sshrl.u32 s15, $0x2  }
.Ltmp1:
0x62: {  	[sflag:s0] =	ssyncadd.s32 $0xFFFFF800;
	s15 =	sadd.s32 $0x4E40, s15;
	(pc) =	sbr.rel @p1 .LBB2_2-.Ltmp1, $4  }
0x63: {  	[spmem:s3] =	stream.indirect.scatter.add.f32 [tilespmem:s15], [sflag:$0x2], $0x40, s13, s25, $0xb8;
	[tilespmem:$0x1CA80] =	vst v63  }
0x64: {  	s12 =	sand.u32 $0xE000, s12;
	_ =	swait.ge [sflag:s31], $0x800  }
0x65: {  	s12 =	sshrl.u32 s12, $0x2;
	s13 =	sadd.s32 $0x20, s13;
	[sflag:s31] =	ssyncset.done $0x0  }
0x66: {  	s14 =	sadd.s32 $0x20, s14;
	s12 =	sadd.s32 $0x4E40, s12;
	[sflag:s31] =	ssyncadd.s32 $0xFFFFF800  }
.LBB2_3:
0x67: {  	[tilespmem:s12], [sflag:$0x1] =	stream.indirect.gather [spmem:s2], $0x40, s10, s25, $0xb8;
	[tilespmem:$0x1CA80] =	vst v63  }
0x68: {  	s8 =	sshll.u32 s6, $0xB;
	_ =	swait.ge [sflag:s0], $0x800  }
0x69: {  	s13 =	sshll.u32 s6, $0x5;
	s8 =	sand.u32 $0x2800, s8;
	[sflag:s0] =	ssyncset.done $0x0  }
0x6a: {  	s6 =	sadd.s32 $0x2720, s13;
	s8 =	sadd.s32 $0x4E40, s8;
	[sflag:s0] =	ssyncadd.s32 $0xFFFFF800  }
0x6b: {  	[spmem:s3] =	stream.indirect.scatter.add.f32 [tilespmem:s8], [sflag:$0x2], $0x40, s6, s25, $0xb8;
	[tilespmem:$0x1CA80] =	vst v63  }
0x6c: {  	_ =	swait.ge [sflag:s31], $0x800  }
0x6d: {  	[sflag:s31] =	ssyncset.done $0x0  }
0x6e: {  	[sflag:s31] =	ssyncadd.s32 $0xFFFFF800  }
0x6f: {  	_ =	swait.ge [sflag:s0], $0x800  }
0x70: {  	[sflag:s0] =	ssyncset.done $0x0;
	s14 =	rddreg [dreg:$0xb]  }
0x71: {  	s15 =	rddreg [dreg:$0xc];
	[sflag:s0] =	ssyncadd.s32 $0xFFFFF800  }
0x72: {  	[spmem:s3] =	stream.indirect.scatter.add.f32 [tilespmem:s14], [sflag:$0x2], $0x40, s15, s25, $0xb8;
	[tilespmem:$0x1CA80] =	vst v63  }
0x73: {  	_ =	swait.ge [sflag:s31], $0x800  }
0x74: {  	[sflag:s31] =	ssyncset.done $0x0  }
0x75: {  	[sflag:s31] =	ssyncadd.s32 $0xFFFFF800  }
0x76: {  	_ =	swait.ge [sflag:s0], $0x800  }
0x77: {  	[sflag:s0] =	ssyncset.done $0x0  }
0x78: {  	[sflag:s0] =	ssyncadd.s32 $0xFFFFF800  }
0x79: {  	[spmem:s3] =	stream.indirect.scatter.add.f32 [tilespmem:s16], [sflag:$0x2], $0x40, s17, s25, $0xb8;
	[tilespmem:$0x1CA80] =	vst v63  }
0x7a: {  	_ =	swait.ge [sflag:s31], $0x800  }
0x7b: {  	[sflag:s31] =	ssyncset.done $0x0  }
0x7c: {  	[sflag:s31] =	ssyncadd.s32 $0xFFFFF800  }
0x7d: {  	_ =	swait.ge [sflag:s0], $0x800  }
0x7e: {  	[sflag:s0] =	ssyncset.done $0x0  }
0x7f: {  	[sflag:s0] =	ssyncadd.s32 $0xFFFFF800  }
0x80: {  	[spmem:s3] =	stream.indirect.scatter.add.f32 [tilespmem:s18], [sflag:$0x2], $0x40, s19, s25, $0xb8;
	[tilespmem:$0x1CA80] =	vst v63  }
0x81: {  	_ =	swait.ge [sflag:s31], $0x800  }
0x82: {  	[sflag:s31] =	ssyncset.done $0x0  }
0x83: {  	[sflag:s31] =	ssyncadd.s32 $0xFFFFF800  }
0x84: {  	_ =	swait.ge [sflag:s31], $0x800  }
0x85: {  	[sflag:s31] =	ssyncset.done $0x0  }
0x86: {  	[sflag:s31] =	ssyncadd.s32 $0xFFFFF800  }
0x87: {  	_ =	swait.ge [sflag:s31], $0x800  }
0x88: {  	[sflag:s31] =	ssyncset.done $0x0  }
0x89: {  	[sflag:s31] =	ssyncadd.s32 $0xFFFFF800  }
0x8a: {  	_ =	swait.ge [sflag:s31], $0x800  }
0x8b: {  	[sflag:s31] =	ssyncset.done $0x0  }
0x8c: {  	[sflag:s31] =	ssyncadd.s32 $0xFFFFF800  }
0x8d: {  	_ =	swait.ge [sflag:s31], $0x800  }
0x8e: {  	s29 =	sadd.s32 $0x1, s29;
	[sflag:s31] =	ssyncset.done $0x0  }
0x8f: {  	p1 =	sne.s32 s29, s20;
	[sflag:s31] =	ssyncadd.s32 $0xFFFFF800  }
.Ltmp2:
0x90: {  	[bflag:$0x0] =	sbarrier.arrive $0xFFFF;
	(pc) =	sbr.rel @p1 .LBB2_1-.Ltmp2, $4  }
0x91: {  	[hbm:s24], [sflag:s7] =	dma.local [spmem:s5], $0x1400  }
0x92: {  	_ =	swait.ge [sflag:s22], $0x1400  }
0x93: {  	[sflag:s22] =	ssyncset.done $0x0  }
0x94: {  	[sflag:s22] =	ssyncadd.s32 $0xFFFFEC00  }
0x95: {  	_ =	sfence.sel $0x180000  }
0x96: {  	[bflag:$0x0] =	sbarrier.arrive $0xFFFF  }
0x97: {  	_ =	strace $0x9000004A  }
0x98: {  	s0 =	stileid.u32;
	[bflag:$0x2] =	sbarrier.arrive $0xFFFF  }
0x99: {  	p0 =	sne.s32 s0, $0x0;
	s0 =	rddreg [dreg:$0x3]  }
0x9a: {  	s0 =	sadd.s32 @!p0 $0x100000, s0  }
0x9b: {  	[sflag:s0] =	ssyncadd.tile.s32 @!p0 $0x1;
	_ =	shalt  }
.Lfunc_end2:
_tile_overlayer_lowered:
.L_overlay_start_2:
0x9c: {  	(tag) =	ssettag $0x2  }
0x9d: {  	s0 =	rddreg [dreg:$0x0];
	s2 =	stileid.u32  }
0x9e: {  	s1 =	rddreg [dreg:$0x1];
	p0 =	sne.s32 s2, $0x0  }
0x9f: {  	s3 =	rddreg [dreg:$0x2];
	[bflag:$0x3] =	sbarrier.arrive $0xFFFF;
	s2 =	simm.s32 @!p0 $0x1C03  }
0xa0: {  	[timem:s3], [sflag:s2] =	dma.local @!p0 [hbm:s0], s1  }
0xa1: {  	s0 =	simm.s32 @!p0 $0x3  }
0xa2: {  	_ =	swait.ge @!p0 [sflag:s0], s1  }
0xa3: {  	s1 =	ssub.s32 @!p0 $0x0, s1;
	[sflag:s0] =	ssyncset.done @!p0 $0x0  }
0xa4: {  	[sflag:s0] =	ssyncadd.s32 @!p0 s1  }
0xa5: {  	[bflag:$0x3] =	sbarrier.arrive $0xFFFF  }
0xa6: {  	_ =	shalt  }

// kernel: kernel.7.cloned.1.call-start
scs
__scs_entry_jumppad:
0x0: {  	(pc) =	sbr.rel $0x88, $3  }
0x1: {  	(tag) =	ssettag $0x0;
	lr =	simm.s32 $0x1  }
0x2: {  	[smem:$0x3F97] =	sst lr;
	_ =	strace $0xD0000000  }
0x3: {  	_ = 	snop  }
0x4: {  	_ = 	snop  }
0x5: {  	_ = 	snop  }
0x6: {  	_ = 	snop  }
0x7: {  	_ = 	snop  }
__scs_overlays_trampoline_lowered:
0x8: {  	[smem:$0x3FA6] =	sst s0  }
0x9: {  	[smem:$0x3FA7] =	sst s1  }
0xa: {  	[smem:$0x3FA8] =	sst s2  }
0xb: {  	[smem:$0x3FA9] =	sst s3  }
0xc: {  	[smem:$0x3FAA] =	sst s4  }
0xd: {  	[smem:$0x3FAB] =	sst s5  }
0xe: {  	[smem:$0x3FAC] =	sst s6  }
0xf: {  	[smem:$0x3FAD] =	sst s7  }
0x10: {  	[smem:$0x3FAE] =	sst s8  }
0x11: {  	[smem:$0x3FAF] =	sst s9;
	s0 =	simm.s32 @!p0 $0x0  }
0x12: {  	s1 =	sld [smem:$0x3F95];
	s0 =	simm.s32 @p0 $0x1  }
0x13: {  	[smem:$0x3FB0] =	sst s0;
	s0 =	simm.s32 @!p1 $0x0  }
0x14: {  	s2 =	sld [smem:$0x3F94];
	s0 =	simm.s32 @p1 $0x1  }
0x15: {  	[smem:$0x3FB1] =	sst s0;
	s0 =	simm.s32 @!p2 $0x0  }
0x16: {  	s3 =	sld [smem:$0x3FDB];
	s0 =	simm.s32 @p2 $0x1  }
0x17: {  	s4 =	simm.s32 $0x1BF5;
	[smem:$0x3FB3] =	sst s0  }
0x18: {  	s0 =	sld [smem:$0x3F96];
	_ =	swait.ge [sflag:s4], $0x0  }
0x19: {  	s7 =	sld [smem:$0x3F97]  }
0x1a: {  	s8 =	sadd.s32 $0xFFFFE003, lr  }
0x1b: {  	s9 =	sadd.s32 $0xFFFFFEF7, lr;
	s5 =	simm.s32 $0xFFFFFFFF;
	p2 =	slt.u32 s8, $0xFFFFF086  }
0x1c: {  	p1 =	slt.u32 s9, $0xF7A;
	s5 =	simm.s32 @!p2 $0x0  }
0x1d: {  	s5 =	simm.s32 @p1 $0x1;
	p0 =	seq.s32 s7, s2  }
0x1e: {  	s7 =	smul.u32 @!p0 $0xF7A, s2;
	p2 =	seq.s32 @!p0 s5, $0x0  }
0x1f: {  	s9 =	smul.u32 $0xF7A, s1;
	s8 =	simm.s32 @!p0 $0x1BF5;
	p2 =	por !p2, p0  }
0x20: {  	[sflag:s8] =	ssyncset.s32 @!p0 $0xFFFFF086;
	s6 =	sadd.s32 @!p0 s3, s7;
	s7 =	simm.s32 @!p0 $0x108  }
0x21: {  	s3 =	sadd.s32 s3, s9;
	s6 =	sadd.s32 @!p0 $0x88, s6;
	s7 =	simm.s32 @p2 $0x1082  }
0x22: {  	[simem:s7], [sflag:s8] =	dma.local @!p0 [hbm:s6], $0xF7A  }
0x23: {  	s9 =	sor.u32 $0xD0000000, s2;
	s6 =	simm.s32 $0x108;
	_ =	swait.ge @!p0 [sflag:s8], $0x0  }
0x24: {  	s3 =	sadd.s32 $0x88, s3;
	s6 =	simm.s32 @!p1 $0x1082;
	[sflag:s4] =	ssyncset.s32 $0xFFFFF086  }
0x25: {  	[simem:s6], [sflag:s4] =	dma.local [hbm:s3], $0xF7A  }
0x26: {  	[smem:$0x3F97] =	sst s1;
	(tag) =	ssettag s2;
	_ =	strace s9  }
0x27: {  	s1 =	sld [smem:$0x3FA7]  }
0x28: {  	s2 =	sld [smem:$0x3FA8]  }
0x29: {  	s4 =	sld [smem:$0x3FAA]  }
0x2a: {  	p0 =	seq.s32 s5, $0x0;
	s5 =	sld [smem:$0x3FAB]  }
0x2b: {  	s6 =	sld [smem:$0x3FAC]  }
0x2c: {  	s7 =	sld [smem:$0x3FAD]  }
0x2d: {  	s3 =	simm.s32 $0x108;
	s8 =	sld [smem:$0x3FAE]  }
0x2e: {  	s3 =	simm.s32 @!p0 $0x1082;
	s9 =	sld [smem:$0x3FAF]  }
0x2f: {  	lr =	sadd.s32 s0, s3;
	s0 =	sld [smem:$0x3FA6]  }
0x30: {  	s3 =	sld [smem:$0x3FA9]  }
0x31: {  	[smem:$0x3FB2] =	sst s10  }
0x32: {  	s10 =	sld [smem:$0x3FB0];
	_ =	sdelay $0x3  }
0x33: {  	p0 =	seq.s32 s10, $0x1;
	s10 =	sld [smem:$0x3FB2];
	_ =	sdelay $0x3  }
0x34: {  	[smem:$0x3FB2] =	sst s10  }
0x35: {  	s10 =	sld [smem:$0x3FB1];
	_ =	sdelay $0x3  }
0x36: {  	p1 =	seq.s32 s10, $0x1;
	s10 =	sld [smem:$0x3FB2];
	_ =	sdelay $0x3  }
0x37: {  	[smem:$0x3FB2] =	sst s10  }
0x38: {  	s10 =	sld [smem:$0x3FB3]  }
0x39: {  	_ = 	snop;
	(pc) =	sbr.ind lr, $3  }
0x3a: {  	_ = 	snop  }
0x3b: {  	_ = 	snop  }
0x3c: {  	p2 =	seq.s32 s10, $0x1;
	s10 =	sld [smem:$0x3FB2]  }
0x3d: {  	_ =	shalt  }
0x3e: {  	_ =	shalt  }
0x3f: {  	_ =	shalt  }
0x40: {  	_ =	shalt  }
0x41: {  	_ =	shalt  }
0x42: {  	_ =	shalt  }
0x43: {  	_ =	shalt  }
0x44: {  	_ =	shalt  }
0x45: {  	_ =	shalt  }
0x46: {  	_ =	shalt  }
0x47: {  	_ =	shalt  }
0x48: {  	_ =	shalt  }
0x49: {  	_ =	shalt  }
0x4a: {  	_ =	shalt  }
0x4b: {  	_ =	shalt  }
0x4c: {  	_ =	shalt  }
0x4d: {  	_ =	shalt  }
0x4e: {  	_ =	shalt  }
0x4f: {  	_ =	shalt  }
0x50: {  	_ =	shalt  }
0x51: {  	_ =	shalt  }
0x52: {  	_ =	shalt  }
0x53: {  	_ =	shalt  }
0x54: {  	_ =	shalt  }
0x55: {  	_ =	shalt  }
0x56: {  	_ =	shalt  }
0x57: {  	_ =	shalt  }
0x58: {  	_ =	shalt  }
0x59: {  	_ =	shalt  }
0x5a: {  	_ =	shalt  }
0x5b: {  	_ =	shalt  }
0x5c: {  	_ =	shalt  }
0x5d: {  	_ =	shalt  }
0x5e: {  	_ =	shalt  }
0x5f: {  	_ =	shalt  }
0x60: {  	_ =	shalt  }
0x61: {  	_ =	shalt  }
0x62: {  	_ =	shalt  }
0x63: {  	_ =	shalt  }
0x64: {  	_ =	shalt  }
0x65: {  	_ =	shalt  }
0x66: {  	_ =	shalt  }
0x67: {  	_ =	shalt  }
0x68: {  	_ =	shalt  }
0x69: {  	_ =	shalt  }
0x6a: {  	_ =	shalt  }
0x6b: {  	_ =	shalt  }
0x6c: {  	_ =	shalt  }
0x6d: {  	_ =	shalt  }
0x6e: {  	_ =	shalt  }
0x6f: {  	_ =	shalt  }
0x70: {  	_ =	shalt  }
0x71: {  	_ =	shalt  }
0x72: {  	_ =	shalt  }
0x73: {  	_ =	shalt  }
0x74: {  	_ =	shalt  }
0x75: {  	_ =	shalt  }
0x76: {  	_ =	shalt  }
0x77: {  	_ =	shalt  }
0x78: {  	_ =	shalt  }
0x79: {  	_ =	shalt  }
0x7a: {  	_ =	shalt  }
0x7b: {  	_ =	shalt  }
0x7c: {  	_ =	shalt  }
0x7d: {  	_ =	shalt  }
0x7e: {  	_ =	shalt  }
0x7f: {  	_ =	shalt  }
0x80: {  	_ =	shalt  }
0x81: {  	_ =	shalt  }
0x82: {  	_ =	shalt  }
0x83: {  	_ =	shalt  }
0x84: {  	_ =	shalt  }
0x85: {  	_ =	shalt  }
0x86: {  	_ =	shalt  }
0x87: {  	_ =	shalt  }
.Lfunc_end0:
.L_simem_size_0:
called_computation_lowered:
.L_overlay_start_0:
0x88: {  	s2 =	sld [smem:$0x3FD9]  }
0x89: {  	s3 =	sld [smem:$0x3FFE];
	_ =	sdelay $0x1  }
0x8a: {  	s1 =	srdreg.scid  }
0x8b: {  	s0 =	sand.u32 $0x1, s1  }
0x8c: {  	s16 =	sshll.u32 s0, $0xA;
	s2 =	sadd.s32 s3, s2  }
0x8d: {  	s2 =	sadd.s32 s2, s16  }
0x8e: {  	[smem:$0x3FBE] =	sst s2  }
0x8f: {  	_ = 	snop  }
0x90: {  	(tm) =	ssettm $0x1  }
0x91: {  	s17 =	sld [smem:$0x3FFB];
	_ =	sdelay $0x3  }
0x92: {  	_ =	strace s17  }
0x93: {  	s2 =	sld [smem:$0x3FFC];
	_ =	sdelay $0x3  }
0x94: {  	_ =	strace s2  }
0x95: {  	s2 =	sld [smem:$0x3FFD];
	_ =	sdelay $0x3  }
0x96: {  	_ =	strace s2  }
0x97: {  	_ =	strace $0x8FFFFFFF  }
0x98: {  	s18 =	sld [smem:$0x3FDB];
	_ =	sdelay $0x1  }
0x99: {  	s19 =	simm.s32 $_scs_section_size  }
0x9a: {  	s4 =	simm.s32 $_size__tile_overlayer_lowered;
	s5 =	simm.s32 $_tile_overlayer_lowered  }
0x9b: {  	s22 =	simm.s32 $0x1BFF;
	s21 =	sshll.u32 s5, $0x1;
	s2 =	sadd.s32 s19, s18  }
0x9c: {  	s6 =	simm.s32 $0x0;
	s20 =	sshll.u32 s4, $0x1;
	s4 =	sadd.s32 s21, s2  }
0x9d: {  	[timem:s6], [sflag:s22] =	dma.local [hbm:s4], s20  }
0x9e: {  	_ =	swait.ge [sflag:s22], s20  }
0x9f: {  	s3 =	ssub.s32 $0x0, s20;
	[sflag:s22] =	ssyncset.done $0x0  }
0xa0: {  	[sflag:s22] =	ssyncadd.s32 s3;
	_ =	sdelay $0x1  }
0xa1: {  	s23 =	simm.s32 $0x1B8B  }
0xa2: {  	_ =	swait.ge [sflag:s23], $0x1  }
0xa3: {  	[sflag:s23] =	ssyncset.done $0x0  }
0xa4: {  	s25 =	simm.s32 $0x1B8E;
	s24 =	sld [smem:$0x3FFE];
	[sflag:s23] =	ssyncadd.s32 $0xFFFFFFFF  }
0xa5: {  	s26 =	simm.s32 $execute0_lowered;
	[smem:$0x3FD2] =	sst s25  }
0xa6: {  	s4 =	sshll.u32 s26, $0x1;
	_ =	strace $0x80000046;
	[dreg:$0x1] =	wrdreg $0xFFFFFFFF  }
0xa7: {  	s28 =	simm.s32 $_size_execute0_lowered;
	s2 =	sadd.s32 s2, s4;
	[dreg:$0x0] =	wrdreg $0x0  }
0xa8: {  	s4 =	sshll.u32 s28, $0x1;
	[dreg:$0x2] =	wrdreg s2  }
0xa9: {  	[dreg:$0x3] =	wrdreg s4  }
0xaa: {  	[dreg:$0x4] =	wrdreg $0xC0  }
0xab: {  	_ =	task [dreg:s6], $0x5FFFF  }
0xac: {  	[dreg:$0x1] =	wrdreg $0xFFFFFFFF  }
0xad: {  	[dreg:$0x0] =	wrdreg $0x60  }
0xae: {  	[dreg:$0x2] =	wrdreg s24  }
0xaf: {  	[dreg:$0x3] =	wrdreg $0x8E400  }
0xb0: {  	[dreg:$0x4] =	wrdreg $0x12A800  }
0xb1: {  	[dreg:$0x5] =	wrdreg $0x9  }
0xb2: {  	_ =	task.clear_ibuf [dreg:s6], $0x6FFFF;
	_ =	strace $0x90000046  }
0xb3: {  	s29 =	simm.s32 $0x9;
	_ =	strace $0x80000048  }
0xb4: {  	_ =	swait.ge [sflag:s29], $0x1  }
0xb5: {  	[sflag:s29] =	ssyncadd.s32 $0xFFFFFFFF  }
0xb6: {  	_ =	strace $0x90000048  }
0xb7: {  	_ =	sfence  }
0xb8: {  	s30 =	sld [smem:$0x0];
	_ =	sdelay $0x2  }
0xb9: {  	s31 =	sshll.u32 s1, $0xD;
	s1 =	sshrl.u32 s1, $0x2  }
0xba: {  	s3 =	sand.u32 $0x4000, s31;
	s1 =	sadd.s32 s1, s30  }
0xbb: {  	s0 =	sor.u32 s3, s0;
	s1 =	sshll.u32 s1, $0x11  }
0xbc: {  	s0 =	sor.u32 s1, s0  }
0xbd: {  	s0 =	sadd.s32 $0x8F2B, s0  }
0xbe: {  	[sflag:s0] =	ssyncadd.remote.s32 $0x1  }
0xbf: {  	_ =	sfence.sel $0xFFFF  }
0xc0: {  	[dreg:$0x0] =	wrdreg $0xFFFFFFFF;
	(pc) =	sbr.abs _section_cstart, $3  }
0xc1: {  	[dreg:$0x1] =	wrdreg $0xFFFFFFFF  }
0xc2: {  	_ =	task.clear_ibuf [dreg:s6], $0x2FFFF;
	_ =	strace $0x9FFFFFFF  }
0xc3: {  	(tm) =	ssettm $0x7FFFFFFF  }
tec
execute0_lowered:
.L_overlay_start_1:
0x0: {  	(tag) =	ssettag $0x1  }
0x1: {  	s0 =	rddreg [dreg:$0x0]  }
0x2: {  	s2 =	rddreg [dreg:$0x1]  }
0x3: {  	s3 =	rddreg [dreg:$0x2]  }
0x4: {  	s15 =	stileid.u32;
	s5 =	srdreg.scid;
	s4 =	simm.s32 $0x0  }
0x5: {  	s1 =	smul.u32 $0x9C40, s15;
	s5 =	sand.u32 $0x1, s5;
	[smem:$0x7FF] =	sst s4  }
0x6: {  	s9 =	sadd.s32 $0x15A00, s0;
	s10 =	sadd.s32 $0x29400, s0;
	s13 =	smul.u32 $0xA000, s15  }
0x7: {  	s11 =	sshll.u32 s15, $0x1;
	s23 =	sshll.u32 s15, $0x6;
	s19 =	smul.u32 $0x500, s15  }
0x8: {  	p0 =	slt.u32 s15, $0x8;
	s7 =	smul.u32 $0x14000, s5;
	_ =	strace $0x80000047  }
0x9: {  	s8 =	smul.u32 $0x5000, s5;
	[dreg:$0x4] =	wrdreg s10;
	s22 =	ssub.s32 $0x2, s5  }
0xa: {  	s5 =	sor.u32 s5, s11;
	s10 =	simm.s32 $0x5E40;
	s6 =	sshrl.u32 s1, $0x3  }
0xb: {  	s12 =	sshrl.u32 s22, $0x1;
	s11 =	smul.u32 $0x4E0, s5;
	s1 =	sadd.s32 s1, s2  }
0xc: {  	s24 =	sadd.s32 s13, s3;
	s5 =	sshll.u32 s5, $0x2;
	s18 =	sshrl.u32 s13, $0x3  }
0xd: {  	s13 =	simm.s32 $0x138;
	s6 =	sadd.s32 s6, s0;
	s7 =	sadd.s32 s7, s0  }
0xe: {  	s21 =	sadd.s32 s8, s0;
	s12 =	ssub.s32 s22, s12;
	s8 =	sor.u32 $0x1C03, s23  }
0xf: {  	[dreg:$0x7] =	wrdreg s24;
	s16 =	sor.u32 $0x9C00, s5;
	s13 =	simm.s32 @!p0 $0x137  }
0x10: {  	s6 =	sadd.s32 $0x2000, s6;
	[dreg:$0x5] =	wrdreg s11;
	s25 =	sadd.s32 s9, s11  }
0x11: {  	s11 =	sadd.s32 $0x1F640, s0;
	s0 =	simm.s32 $0x135;
	[dreg:$0x9] =	wrdreg s16  }
0x12: {  	s9 =	sadd.s32 s9, s16;
	s7 =	sadd.s32 $0x34800, s7;
	[dreg:$0x6] =	wrdreg s6  }
0x13: {  	s21 =	sadd.s32 $0x2A800, s21;
	s22 =	sshll.u32 s13, $0xB;
	[dreg:$0x8] =	wrdreg s25  }
0x14: {  	s6 =	simm.s32 $0x136;
	s0 =	simm.s32 @!p0 $0x134;
	[dreg:$0xa] =	wrdreg s9  }
0x15: {  	s7 =	sadd.s32 s18, s7;
	s9 =	sadd.s32 s19, s21;
	s24 =	sand.u32 $0x3800, s22  }
0x16: {  	s22 =	sshll.u32 s13, $0x5;
	s13 =	simm.s32 $0x1;
	[dreg:$0xd] =	wrdreg s7  }
0x17: {  	s6 =	simm.s32 @!p0 $0x135;
	s26 =	sshll.u32 s0, $0xB;
	[dreg:$0xe] =	wrdreg s9  }
0x18: {  	s25 =	sadd.s32 $0x4E40, s24;
	s24 =	sshll.u32 s0, $0x5;
	s31 =	sadd.s32 $0x2720, s22  }
0x19: {  	s9 =	simm.s32 $0x5640;
	s14 =	sshll.u32 s6, $0xB;
	s5 =	sand.u32 $0x2800, s26  }
0x1a: {  	s18 =	sshll.u32 s6, $0x5;
	[dreg:$0x10] =	wrdreg s25;
	s26 =	smax.u32 s12, $0x1  }
0x1b: {  	s25 =	sshll.u32 s0, $0xD;
	s28 =	sadd.s32 $0x2720, s24;
	s0 =	simm.s32 $0x2720  }
0x1c: {  	s6 =	simm.s32 $0x6640;
	s12 =	simm.s32 $0x0;
	s16 =	sand.u32 $0x3800, s14  }
0x1d: {  	s5 =	sadd.s32 $0x4E40, s5;
	[dreg:$0x11] =	wrdreg s26;
	s26 =	sshrl.u32 s1, $0x3  }
0x1e: {  	s29 =	sadd.s32 $0x2720, s18;
	[dreg:$0xb] =	wrdreg s5;
	s5 =	simm.s32 $0x137  }
0x1f: {  	s1 =	simm.s32 $0x3;
	s17 =	sadd.s32 $0x4E40, s16;
	s5 =	simm.s32 @!p0 $0x136  }
0x20: {  	s14 =	simm.s32 $0x1CA80;
	[dreg:$0xc] =	wrdreg s17;
	s20 =	sshll.u32 s5, $0xB  }
0x21: {  	p0 =	sgt.u32 s15, $0x7;
	s15 =	simm.s32 $0x2;
	s7 =	sand.u32 $0x3800, s20  }
0x22: {  	s20 =	sshll.u32 s5, $0x5;
	s5 =	simm.s32 $0x20;
	s23 =	sadd.s32 $0x4E40, s7  }
0x23: {  	v0 =	vimm.f32 $0.0e+00;
	s30 =	sadd.s32 $0x2720, s20;
	s7 =	simm.s32 $0x4E40;
	[dreg:$0xf] =	wrdreg s23  }
.LBB2_1:
0x24: {  	s16 =	rddreg [dreg:$0x6]  }
0x25: {  	[spmem:s26], [sflag:s8] =	dma.local [hbm:s16], $0x1388  }
0x26: {  	_ =	swait.ge [sflag:s1], $0x1388  }
0x27: {  	[sflag:s1] =	ssyncset.done $0x0;
	s19 =	rddreg [dreg:$0x7]  }
0x28: {  	s17 =	rddreg [dreg:$0x4];
	[sflag:s1] =	ssyncadd.s32 $0xFFFFEC78;
	s16 =	sshrl.u32 s19, $0x3  }
0x29: {  	[spmem:s16], [sflag:s8] =	dma.local [hbm:s17], $0x1400  }
0x2a: {  	_ =	swait.ge [sflag:s1], $0x1400  }
0x2b: {  	[sflag:s1] =	ssyncset.done $0x0  }
0x2c: {  	s21 =	rddreg [dreg:$0x8];
	[sflag:s1] =	ssyncadd.s32 $0xFFFFEC00  }
0x2d: {  	[tilespmem:s4], [sflag:$0x3] =	stream.linear.gather [hbm4b:s21+s4], $0x2700, $0x38;
	[tilespmem:$0x1F280] =	vst v63  }
0x2e: {  	_ =	swait.ge [sflag:s1], $0x2700  }
0x2f: {  	[sflag:s1] =	ssyncset.done $0x0;
	s23 =	rddreg [dreg:$0x5]  }
0x30: {  	[sflag:s1] =	ssyncadd.s32 $0xFFFFD900;
	s17 =	sadd.s32 s23, s11  }
0x31: {  	[tilespmem:s0], [sflag:$0x3] =	stream.linear.gather [hbm4b:s17+s4], $0x2700, $0x38;
	[tilespmem:$0x1F280] =	vst v63  }
0x32: {  	_ =	swait.ge [sflag:s1], $0x2700  }
0x33: {  	s19 =	simm.s32 @!p0 $0x2700;
	[sflag:s1] =	ssyncset.done $0x0  }
0x34: {  	s17 =	simm.s32 @!p0 $0x0;
	s21 =	rddreg [dreg:$0xa];
	[sflag:s1] =	ssyncadd.s32 $0xFFFFD900  }
0x35: {  	[tilespmem:s19], [sflag:$0x3] =	stream.linear.gather @!p0 [hbm4b:s21+s17], $0x20, $0x38;
	[tilespmem:$0x1F280] =	vst v63  }
0x36: {  	s19 =	simm.s32 @!p0 $0x3  }
0x37: {  	_ =	swait.ge @!p0 [sflag:s19], $0x20  }
0x38: {  	[sflag:s19] =	ssyncset.done @!p0 $0x0;
	s21 =	rddreg [dreg:$0x9]  }
0x39: {  	s23 =	simm.s32 @!p0 $0x4E20;
	[sflag:s19] =	ssyncadd.s32 @!p0 $0xFFFFFFE0;
	s21 =	sadd.s32 @!p0 s21, s11  }
0x3a: {  	[tilespmem:s23], [sflag:$0x3] =	stream.linear.gather @!p0 [hbm4b:s21+s17], $0x20, $0x38;
	[tilespmem:$0x1F280] =	vst v63  }
0x3b: {  	_ =	swait.ge @!p0 [sflag:s19], $0x20  }
0x3c: {  	[sflag:s19] =	ssyncset.done @!p0 $0x0  }
0x3d: {  	s17 =	simm.s32 $0x40;
	[sflag:s19] =	ssyncadd.s32 @!p0 $0xFFFFFFE0;
	s19 =	simm.s32 $0x0  }
.LBB2_2:
0x3e: {  	p1 =	sne.s32 s17, $0x9FC0;
	[tilespmem:s19+$0x1CA80] =	vst v0;
	s19 =	smov.u32 s17;
	s17 =	sadd.s32 $0x40, s17  }
.Ltmp0:
0x3f: {  	(pc) =	sbr.rel @p1 .LBB2_2-.Ltmp0, $2  }
0x40: {  	_ =	sdelay $0x2  }
0x41: {  	s19 =	sshra.s32 s19, $0x2  }
0x42: {  	[tilespmem:s19+$0x1CA80] =	vst v0  }
0x43: {  	[bflag:$0x0] =	sbarrier.arrive $0xFFFF  }
0x44: {  	[tilespmem:s7], [sflag:$0x1] =	stream.indirect.gather [spmem:s2], $0x40, s4, s5, $0xb8;
	[tilespmem:$0x1F280] =	vst v63  }
0x45: {  	_ = 	snop  }
0x46: {  	[tilespmem:s9], [sflag:$0x1] =	stream.indirect.gather [spmem:s2], $0x40, s5, s5, $0xb8;
	[tilespmem:$0x1F280] =	vst v63  }
0x47: {  	s17 =	simm.s32 $0x40  }
0x48: {  	[tilespmem:s10], [sflag:$0x1] =	stream.indirect.gather [spmem:s2], $0x40, s17, s5, $0xb8;
	[tilespmem:$0x1F280] =	vst v63  }
0x49: {  	s19 =	simm.s32 $0x60  }
0x4a: {  	[tilespmem:s6], [sflag:$0x1] =	stream.indirect.gather [spmem:s2], $0x40, s19, s5, $0xb8;
	[tilespmem:$0x1F280] =	vst v63  }
0x4b: {  	_ =	swait.ge [sflag:s13], $0x800  }
0x4c: {  	[sflag:s13] =	ssyncset.done $0x0  }
0x4d: {  	[sflag:s13] =	ssyncadd.s32 $0xFFFFF800  }
0x4e: {  	[spmem:s3] =	stream.indirect.scatter.add.f32 [tilespmem:s7], [sflag:$0x2], $0x40, s0, s5, $0xb8;
	[tilespmem:$0x1F280] =	vst v63  }
0x4f: {  	v1 =	vld [tilespmem:$0x2720];
	_ =	sdelay $0x4  }
0x50: {  	(xrf1) =	vunique.msk.u32 $0xffff, v1;
	_ =	sdelay $0xd  }
0x51: {  	_, v2, vm0 =	vpop (xrf1);
	_ =	sdelay $0x3  }
0x52: {  	v2 =	vcvt.s32.f32 v2;
	_ =	sdelay $0x1  }
0x53: {  	[tilespmem:v1+s14+$0x0] =	vst.idx.add.f32.msk vm0, v2  }
0x54: {  	v1 =	vld [tilespmem:$0x2730];
	_ =	sdelay $0x4  }
0x55: {  	(xrf1) =	vunique.msk.u32 $0xffff, v1;
	_ =	sdelay $0xd  }
0x56: {  	_, v2, vm0 =	vpop (xrf1);
	_ =	sdelay $0x3  }
0x57: {  	v2 =	vcvt.s32.f32 v2;
	_ =	sdelay $0x1  }
0x58: {  	s21 =	simm.s32 $0x80;
	s23 =	simm.s32 $0x6E40;
	[tilespmem:v1+s14+$0x0] =	vst.idx.add.f32.msk vm0, v2  }
0x59: {  	[tilespmem:s23], [sflag:$0x1] =	stream.indirect.gather [spmem:s2], $0x40, s21, s5, $0xb8;
	[tilespmem:$0x1F280] =	vst v63  }
0x5a: {  	_ =	swait.ge [sflag:s13], $0x800  }
0x5b: {  	[sflag:s13] =	ssyncset.done $0x0  }
0x5c: {  	s19 =	simm.s32 $0x2740;
	[sflag:s13] =	ssyncadd.s32 $0xFFFFF800  }
0x5d: {  	[spmem:s3] =	stream.indirect.scatter.add.f32 [tilespmem:s9], [sflag:$0x2], $0x40, s19, s5, $0xb8;
	[tilespmem:$0x1F280] =	vst v63  }
0x5e: {  	v1 =	vld [tilespmem:$0x2740];
	_ =	sdelay $0x4  }
0x5f: {  	(xrf1) =	vunique.msk.u32 $0xffff, v1;
	_ =	sdelay $0xd  }
0x60: {  	_, v2, vm0 =	vpop (xrf1);
	_ =	sdelay $0x3  }
0x61: {  	v2 =	vcvt.s32.f32 v2;
	_ =	sdelay $0x1  }
0x62: {  	[tilespmem:v1+s14+$0x0] =	vst.idx.add.f32.msk vm0, v2  }
0x63: {  	v1 =	vld [tilespmem:$0x2750];
	_ =	sdelay $0x4  }
0x64: {  	(xrf1) =	vunique.msk.u32 $0xffff, v1;
	_ =	sdelay $0xd  }
0x65: {  	_, v2, vm0 =	vpop (xrf1);
	_ =	sdelay $0x3  }
0x66: {  	v2 =	vcvt.s32.f32 v2;
	_ =	sdelay $0x1  }
0x67: {  	s21 =	simm.s32 $0xA0;
	s23 =	simm.s32 $0x7640;
	[tilespmem:v1+s14+$0x0] =	vst.idx.add.f32.msk vm0, v2  }
0x68: {  	[tilespmem:s23], [sflag:$0x1] =	stream.indirect.gather [spmem:s2], $0x40, s21, s5, $0xb8;
	[tilespmem:$0x1F280] =	vst v63  }
0x69: {  	_ =	swait.ge [sflag:s13], $0x800  }
0x6a: {  	[sflag:s13] =	ssyncset.done $0x0  }
0x6b: {  	s19 =	simm.s32 $0x2760;
	[sflag:s13] =	ssyncadd.s32 $0xFFFFF800  }
0x6c: {  	[spmem:s3] =	stream.indirect.scatter.add.f32 [tilespmem:s10], [sflag:$0x2], $0x40, s19, s5, $0xb8;
	[tilespmem:$0x1F280] =	vst v63  }
0x6d: {  	v1 =	vld [tilespmem:$0x2760];
	_ =	sdelay $0x4  }
0x6e: {  	(xrf1) =	vunique.msk.u32 $0xffff, v1;
	_ =	sdelay $0xd  }
0x6f: {  	_, v2, vm0 =	vpop (xrf1);
	_ =	sdelay $0x3  }
0x70: {  	v2 =	vcvt.s32.f32 v2;
	_ =	sdelay $0x1  }
0x71: {  	[tilespmem:v1+s14+$0x0] =	vst.idx.add.f32.msk vm0, v2  }
0x72: {  	v1 =	vld [tilespmem:$0x2770];
	_ =	sdelay $0x4  }
0x73: {  	(xrf1) =	vunique.msk.u32 $0xffff, v1;
	_ =	sdelay $0xd  }
0x74: {  	_, v2, vm0 =	vpop (xrf1);
	_ =	sdelay $0x3  }
0x75: {  	v2 =	vcvt.s32.f32 v2;
	_ =	sdelay $0x1  }
0x76: {  	s21 =	simm.s32 $0xC0;
	s23 =	simm.s32 $0x7E40;
	[tilespmem:v1+s14+$0x0] =	vst.idx.add.f32.msk vm0, v2  }
0x77: {  	[tilespmem:s23], [sflag:$0x1] =	stream.indirect.gather [spmem:s2], $0x40, s21, s5, $0xb8;
	[tilespmem:$0x1F280] =	vst v63  }
0x78: {  	_ =	swait.ge [sflag:s13], $0x800  }
0x79: {  	[sflag:s13] =	ssyncset.done $0x0  }
0x7a: {  	s19 =	simm.s32 $0x2780;
	[sflag:s13] =	ssyncadd.s32 $0xFFFFF800  }
0x7b: {  	[spmem:s3] =	stream.indirect.scatter.add.f32 [tilespmem:s6], [sflag:$0x2], $0x40, s19, s5, $0xb8;
	[tilespmem:$0x1F280] =	vst v63  }
0x7c: {  	v1 =	vld [tilespmem:$0x2780];
	_ =	sdelay $0x4  }
0x7d: {  	(xrf1) =	vunique.msk.u32 $0xffff, v1;
	_ =	sdelay $0xd  }
0x7e: {  	_, v2, vm0 =	vpop (xrf1);
	_ =	sdelay $0x3  }
0x7f: {  	v2 =	vcvt.s32.f32 v2;
	_ =	sdelay $0x1  }
0x80: {  	[tilespmem:v1+s14+$0x0] =	vst.idx.add.f32.msk vm0, v2  }
0x81: {  	v1 =	vld [tilespmem:$0x2790];
	_ =	sdelay $0x4  }
0x82: {  	(xrf1) =	vunique.msk.u32 $0xffff, v1;
	_ =	sdelay $0xd  }
0x83: {  	_, v2, vm0 =	vpop (xrf1);
	_ =	sdelay $0x3  }
0x84: {  	v2 =	vcvt.s32.f32 v2;
	_ =	sdelay $0x1  }
0x85: {  	s21 =	simm.s32 $0xE0;
	s23 =	simm.s32 $0x8640;
	[tilespmem:v1+s14+$0x0] =	vst.idx.add.f32.msk vm0, v2  }
0x86: {  	[tilespmem:s23], [sflag:$0x1] =	stream.indirect.gather [spmem:s2], $0x40, s21, s5, $0xb8;
	[tilespmem:$0x1F280] =	vst v63  }
0x87: {  	s17 =	simm.s32 $0x8000;
	s19 =	simm.s32 $0x100;
	s21 =	simm.s32 $0x27A0  }
.LBB2_4:
0x88: {  	_ =	swait.ge [sflag:s13], $0x800;
	s23 =	sand.u32 $0xE000, s17  }
0x89: {  	[sflag:s13] =	ssyncset.done $0x0;
	s23 =	sshrl.u32 s23, $0x2  }
0x8a: {  	[sflag:s13] =	ssyncadd.s32 $0xFFFFF800;
	s23 =	sadd.s32 $0x4E40, s23  }
0x8b: {  	[spmem:s3] =	stream.indirect.scatter.add.f32 [tilespmem:s23], [sflag:$0x2], $0x40, s21, s5, $0xb8;
	[tilespmem:$0x1F280] =	vst v63  }
0x8c: {  	v1 =	vld [tilespmem:s21+$0x0];
	_ =	sdelay $0x4  }
0x8d: {  	(xrf1) =	vunique.msk.u32 $0xffff, v1;
	_ =	sdelay $0xd  }
0x8e: {  	_, v2, vm0 =	vpop (xrf1);
	_ =	sdelay $0x3  }
0x8f: {  	v2 =	vcvt.s32.f32 v2;
	_ =	sdelay $0x1  }
0x90: {  	[tilespmem:v1+s14+$0x0] =	vst.idx.add.f32.msk vm0, v2  }
0x91: {  	v1 =	vld [tilespmem:s21+$0x10];
	_ =	sdelay $0x4  }
0x92: {  	(xrf1) =	vunique.msk.u32 $0xffff, v1;
	_ =	sdelay $0xd  }
0x93: {  	_, v2, vm0 =	vpop (xrf1);
	_ =	sdelay $0x3  }
0x94: {  	v2 =	vcvt.s32.f32 v2  }
0x95: {  	s23 =	sadd.s32 $0x8000, s17;
	s17 =	sadd.s32 $0x2000, s17  }
0x96: {  	p1 =	sne.s32 s25, s17;
	[tilespmem:v1+s14+$0x0] =	vst.idx.add.f32.msk vm0, v2  }
.Ltmp1:
0x97: {  	s23 =	sand.u32 $0xE000, s23;
	_ =	swait.ge [sflag:s15], $0x800;
	(pc) =	sbr.rel @p1 .LBB2_4-.Ltmp1, $4  }
0x98: {  	s23 =	sshrl.u32 s23, $0x2;
	[sflag:s15] =	ssyncset.done $0x0  }
0x99: {  	s23 =	sadd.s32 $0x4E40, s23;
	[sflag:s15] =	ssyncadd.s32 $0xFFFFF800  }
0x9a: {  	[tilespmem:s23], [sflag:$0x1] =	stream.indirect.gather [spmem:s2], $0x40, s19, s5, $0xb8;
	[tilespmem:$0x1F280] =	vst v63  }
0x9b: {  	s21 =	sadd.s32 $0x20, s21;
	s19 =	sadd.s32 $0x20, s19  }
0x9c: {  	_ =	swait.ge [sflag:s13], $0x800  }
0x9d: {  	[sflag:s13] =	ssyncset.done $0x0  }
0x9e: {  	s17 =	rddreg [dreg:$0xb];
	[sflag:s13] =	ssyncadd.s32 $0xFFFFF800  }
0x9f: {  	[spmem:s3] =	stream.indirect.scatter.add.f32 [tilespmem:s17], [sflag:$0x2], $0x40, s28, s5, $0xb8;
	[tilespmem:$0x1F280] =	vst v63  }
0xa0: {  	v1 =	vld [tilespmem:s24+$0x2720];
	_ =	sdelay $0x4  }
0xa1: {  	(xrf1) =	vunique.msk.u32 $0xffff, v1;
	_ =	sdelay $0xd  }
0xa2: {  	_, v2, vm0 =	vpop (xrf1);
	_ =	sdelay $0x3  }
0xa3: {  	v2 =	vcvt.s32.f32 v2;
	_ =	sdelay $0x1  }
0xa4: {  	[tilespmem:v1+s14+$0x0] =	vst.idx.add.f32.msk vm0, v2  }
0xa5: {  	v1 =	vld [tilespmem:s24+$0x2730];
	_ =	sdelay $0x4  }
0xa6: {  	(xrf1) =	vunique.msk.u32 $0xffff, v1;
	_ =	sdelay $0xd  }
0xa7: {  	_, v2, vm0 =	vpop (xrf1);
	_ =	sdelay $0x3  }
0xa8: {  	v2 =	vcvt.s32.f32 v2;
	_ =	sdelay $0x1  }
0xa9: {  	[tilespmem:v1+s14+$0x0] =	vst.idx.add.f32.msk vm0, v2  }
0xaa: {  	_ =	swait.ge [sflag:s15], $0x800  }
0xab: {  	[sflag:s15] =	ssyncset.done $0x0  }
0xac: {  	[sflag:s15] =	ssyncadd.s32 $0xFFFFF800  }
0xad: {  	_ =	swait.ge [sflag:s13], $0x800  }
0xae: {  	[sflag:s13] =	ssyncset.done $0x0  }
0xaf: {  	s19 =	rddreg [dreg:$0xc];
	[sflag:s13] =	ssyncadd.s32 $0xFFFFF800  }
0xb0: {  	[spmem:s3] =	stream.indirect.scatter.add.f32 [tilespmem:s19], [sflag:$0x2], $0x40, s29, s5, $0xb8;
	[tilespmem:$0x1F280] =	vst v63  }
0xb1: {  	v1 =	vld [tilespmem:s18+$0x2720];
	_ =	sdelay $0x4  }
0xb2: {  	(xrf1) =	vunique.msk.u32 $0xffff, v1;
	_ =	sdelay $0xd  }
0xb3: {  	_, v2, vm0 =	vpop (xrf1);
	_ =	sdelay $0x3  }
0xb4: {  	v2 =	vcvt.s32.f32 v2;
	_ =	sdelay $0x1  }
0xb5: {  	[tilespmem:v1+s14+$0x0] =	vst.idx.add.f32.msk vm0, v2  }
0xb6: {  	v1 =	vld [tilespmem:s18+$0x2730];
	_ =	sdelay $0x4  }
0xb7: {  	(xrf1) =	vunique.msk.u32 $0xffff, v1;
	_ =	sdelay $0xd  }
0xb8: {  	_, v2, vm0 =	vpop (xrf1);
	_ =	sdelay $0x3  }
0xb9: {  	v2 =	vcvt.s32.f32 v2;
	_ =	sdelay $0x1  }
0xba: {  	[tilespmem:v1+s14+$0x0] =	vst.idx.add.f32.msk vm0, v2  }
0xbb: {  	_ =	swait.ge [sflag:s15], $0x800  }
0xbc: {  	[sflag:s15] =	ssyncset.done $0x0  }
0xbd: {  	[sflag:s15] =	ssyncadd.s32 $0xFFFFF800  }
0xbe: {  	_ =	swait.ge [sflag:s13], $0x800  }
0xbf: {  	[sflag:s13] =	ssyncset.done $0x0  }
0xc0: {  	s21 =	rddreg [dreg:$0xf];
	[sflag:s13] =	ssyncadd.s32 $0xFFFFF800  }
0xc1: {  	[spmem:s3] =	stream.indirect.scatter.add.f32 [tilespmem:s21], [sflag:$0x2], $0x40, s30, s5, $0xb8;
	[tilespmem:$0x1F280] =	vst v63  }
0xc2: {  	v1 =	vld [tilespmem:s20+$0x2720];
	_ =	sdelay $0x4  }
0xc3: {  	(xrf1) =	vunique.msk.u32 $0xffff, v1;
	_ =	sdelay $0xd  }
0xc4: {  	_, v2, vm0 =	vpop (xrf1);
	_ =	sdelay $0x3  }
0xc5: {  	v2 =	vcvt.s32.f32 v2;
	_ =	sdelay $0x1  }
0xc6: {  	[tilespmem:v1+s14+$0x0] =	vst.idx.add.f32.msk vm0, v2  }
0xc7: {  	v1 =	vld [tilespmem:s20+$0x2730];
	_ =	sdelay $0x4  }
0xc8: {  	(xrf1) =	vunique.msk.u32 $0xffff, v1;
	_ =	sdelay $0xd  }
0xc9: {  	_, v2, vm0 =	vpop (xrf1);
	_ =	sdelay $0x3  }
0xca: {  	v2 =	vcvt.s32.f32 v2;
	_ =	sdelay $0x1  }
0xcb: {  	[tilespmem:v1+s14+$0x0] =	vst.idx.add.f32.msk vm0, v2  }
0xcc: {  	_ =	swait.ge [sflag:s15], $0x800  }
0xcd: {  	[sflag:s15] =	ssyncset.done $0x0  }
0xce: {  	[sflag:s15] =	ssyncadd.s32 $0xFFFFF800  }
0xcf: {  	_ =	swait.ge [sflag:s13], $0x800  }
0xd0: {  	[sflag:s13] =	ssyncset.done $0x0  }
0xd1: {  	s23 =	rddreg [dreg:$0x10];
	[sflag:s13] =	ssyncadd.s32 $0xFFFFF800  }
0xd2: {  	[spmem:s3] =	stream.indirect.scatter.add.f32 [tilespmem:s23], [sflag:$0x2], $0x40, s31, s5, $0xb8;
	[tilespmem:$0x1F280] =	vst v63  }
0xd3: {  	v1 =	vld [tilespmem:s22+$0x2720];
	_ =	sdelay $0x4  }
0xd4: {  	(xrf1) =	vunique.msk.u32 $0xffff, v1;
	_ =	sdelay $0xd  }
0xd5: {  	_, v2, vm0 =	vpop (xrf1);
	_ =	sdelay $0x3  }
0xd6: {  	v2 =	vcvt.s32.f32 v2;
	_ =	sdelay $0x1  }
0xd7: {  	[tilespmem:v1+s14+$0x0] =	vst.idx.add.f32.msk vm0, v2  }
0xd8: {  	v1 =	vld [tilespmem:s22+$0x2730];
	_ =	sdelay $0x4  }
0xd9: {  	(xrf1) =	vunique.msk.u32 $0xffff, v1;
	_ =	sdelay $0xd  }
0xda: {  	_, v2, vm0 =	vpop (xrf1);
	_ =	sdelay $0x3  }
0xdb: {  	v2 =	vcvt.s32.f32 v2;
	_ =	sdelay $0x1  }
0xdc: {  	[tilespmem:v1+s14+$0x0] =	vst.idx.add.f32.msk vm0, v2  }
0xdd: {  	_ =	swait.ge [sflag:s15], $0x800  }
0xde: {  	[sflag:s15] =	ssyncset.done $0x0  }
0xdf: {  	[sflag:s15] =	ssyncadd.s32 $0xFFFFF800  }
0xe0: {  	_ =	swait.ge [sflag:s15], $0x800  }
0xe1: {  	[sflag:s15] =	ssyncset.done $0x0  }
0xe2: {  	[sflag:s15] =	ssyncadd.s32 $0xFFFFF800  }
0xe3: {  	_ =	swait.ge [sflag:s15], $0x800  }
0xe4: {  	[sflag:s15] =	ssyncset.done $0x0  }
0xe5: {  	[sflag:s15] =	ssyncadd.s32 $0xFFFFF800  }
0xe6: {  	_ =	swait.ge [sflag:s15], $0x800  }
0xe7: {  	[sflag:s15] =	ssyncset.done $0x0  }
0xe8: {  	[sflag:s15] =	ssyncadd.s32 $0xFFFFF800  }
0xe9: {  	_ =	swait.ge [sflag:s15], $0x800  }
0xea: {  	[sflag:s15] =	ssyncset.done $0x0  }
0xeb: {  	[sflag:s15] =	ssyncadd.s32 $0xFFFFF800  }
0xec: {  	[bflag:$0x0] =	sbarrier.arrive $0xFFFF  }
0xed: {  	s19 =	rddreg [dreg:$0xd]  }
0xee: {  	[hbm:s19], [sflag:s8] =	dma.local [spmem:s16], $0x1400  }
0xef: {  	_ =	swait.ge [sflag:s1], $0x1400  }
0xf0: {  	[sflag:s1] =	ssyncset.done $0x0  }
0xf1: {  	s21 =	rddreg [dreg:$0xe];
	[sflag:s1] =	ssyncadd.s32 $0xFFFFEC00  }
0xf2: {  	[hbm4b:s21+s4] =	stream.linear.scatter [tilespmem:s14], [sflag:$0x3], $0x2800, $0x38;
	[tilespmem:$0x1F280] =	vst v63  }
0xf3: {  	_ =	swait.ge [sflag:s1], $0x2800  }
0xf4: {  	s12 =	sadd.s32 $0x1, s12;
	s23 =	rddreg [dreg:$0x11]  }
0xf5: {  	p1 =	sne.s32 s12, s23  }
.Ltmp2:
0xf6: {  	_ = 	snop;
	(pc) =	sbr.rel @p1 .LBB2_1-.Ltmp2, $3  }
0xf7: {  	_ =	sdelay $0x1  }
0xf8: {  	[sflag:s1] =	ssyncset.done $0x0  }
0xf9: {  	[sflag:s1] =	ssyncadd.s32 $0xFFFFD800  }
0xfa: {  	_ =	sfence.sel $0x180000  }
0xfb: {  	[bflag:$0x0] =	sbarrier.arrive $0xFFFF  }
0xfc: {  	_ =	strace $0x90000047  }
0xfd: {  	s0 =	stileid.u32;
	[bflag:$0x2] =	sbarrier.arrive $0xFFFF  }
0xfe: {  	p0 =	sne.s32 s0, $0x0;
	s0 =	rddreg [dreg:$0x3]  }
0xff: {  	s0 =	sadd.s32 @!p0 $0x100000, s0  }
0x100: {  	[sflag:s0] =	ssyncadd.tile.s32 @!p0 $0x1;
	_ =	shalt  }
.Lfunc_end2:
_tile_overlayer_lowered:
.L_overlay_start_2:
0x101: {  	(tag) =	ssettag $0x2  }
0x102: {  	s0 =	rddreg [dreg:$0x0];
	s2 =	stileid.u32  }
0x103: {  	s1 =	rddreg [dreg:$0x1];
	p0 =	sne.s32 s2, $0x0  }
0x104: {  	s3 =	rddreg [dreg:$0x2];
	[bflag:$0x3] =	sbarrier.arrive $0xFFFF;
	s2 =	simm.s32 @!p0 $0x1C03  }
0x105: {  	[timem:s3], [sflag:s2] =	dma.local @!p0 [hbm:s0], s1  }
0x106: {  	s0 =	simm.s32 @!p0 $0x3  }
0x107: {  	_ =	swait.ge @!p0 [sflag:s0], s1  }
0x108: {  	s1 =	ssub.s32 @!p0 $0x0, s1;
	[sflag:s0] =	ssyncset.done @!p0 $0x0  }
0x109: {  	[sflag:s0] =	ssyncadd.s32 @!p0 s1  }
0x10a: {  	[bflag:$0x3] =	sbarrier.arrive $0xFFFF  }
0x10b: {  	_ =	shalt  }

</sc_bundles>
